<compile_context>
chip_gen: v7x
topology: tpu7x:2x2x1
jax: 0.10.2.dev20260603
libtpu: 0.0.44.dev20260713+nightly
codegen_flags: <defaults>
</compile_context>

<pallas_src>
import functools

import jax
import jax.numpy as jnp
from jax import lax
from jax.experimental import pallas as pl
from jax.experimental.pallas import tpu as pltpu
from jax.experimental.pallas import tpu_sc as plsc

_B, _L, _D = 16384, 200, 128
_N = _B * _L
_NC, _NS = 2, 16
_NW = _NC * _NS
_PER_W = _N // _NW
_CHUNK = 128
_CPB = 160
_NBLK = _PER_W // (_CPB * _CHUNK)
_ROWS_PER_W = _PER_W // _CHUNK

_mesh = plsc.VectorSubcoreMesh(core_axis_name="c", subcore_axis_name="s")


@functools.partial(
    pl.kernel,
    mesh=_mesh,
    out_type=jax.ShapeDtypeStruct((_N, _D), jnp.float32),
    scratch_types=[
        pltpu.VMEM_SHARED((_D, _D), jnp.float32),
        pltpu.VMEM((2, _CPB, _CHUNK), jnp.int32),
        pltpu.VMEM((4, _CHUNK, _D), jnp.float32),
        pltpu.SemaphoreType.DMA,
        pltpu.SemaphoreType.DMA,
        pltpu.SemaphoreType.DMA,
        pltpu.SemaphoreType.DMA,
        pltpu.SemaphoreType.DMA,
        pltpu.SemaphoreType.DMA,
        pltpu.SemaphoreType.DMA,
        pltpu.SemaphoreType.DMA,
        pltpu.SemaphoreType.DMA,
        pltpu.SemaphoreType.DMA,
    ],
)
def _gather(x_hbm, pe_hbm, out_hbm, table_v, idx_v, rows_v,
            isem0, isem1, gsem0, gsem1, gsem2, gsem3,
            osem0, osem1, osem2, osem3):
    sid = lax.axis_index("s")
    wid = sid * _NC + lax.axis_index("c")
    row_base = wid * _ROWS_PER_W
    out_base = wid * _PER_W

    @pl.when(sid == 0)
    def _stage_table():
        pltpu.sync_copy(pe_hbm.at[pl.ds(0, _D)], table_v)

    plsc.subcore_barrier()

    isems = (isem0, isem1)
    gsems = (gsem0, gsem1, gsem2, gsem3)
    osems = (osem0, osem1, osem2, osem3)

    def idx_block_copy(kb, buf):
        return pltpu.make_async_copy(
            x_hbm.at[pl.ds(row_base + kb * _CPB, _CPB)], idx_v.at[buf],
            isems[buf])

    idx_block_copy(0, 0).start()

    for kb in range(_NBLK):
        cur = kb % 2
        blk_out = out_base + kb * _CPB * _CHUNK

        def out_slice(g):
            return out_hbm.at[pl.ds(blk_out + g * _CHUNK, _CHUNK)]

        def gather_copy(g, buf):
            return pltpu.make_async_copy(
                table_v.at[idx_v.at[cur, g]], rows_v.at[buf], gsems[buf])

        idx_block_copy(kb, cur).wait()
        if kb + 1 < _NBLK:
            idx_block_copy(kb + 1, 1 - cur).start()

        gather_copy(0, 0).start()
        gather_copy(1, 1).start()

        def quad(p, carry):
            for b in (0, 1, 2, 3):
                g = p * 4 + b
                fb = (b + 2) % 4

                @pl.when(g + 2 < _CPB)
                def _fire_next():
                    @pl.when(g >= 2)
                    def _drain_prev_out():
                        pltpu.make_async_copy(
                            rows_v.at[fb], out_slice(g - 2), osems[fb]).wait()

                    gather_copy(g + 2, fb).start()

                gather_copy(g, b).wait()
                pltpu.async_copy(rows_v.at[b], out_slice(g), osems[b])
            return carry

        lax.fori_loop(0, _CPB // 4, quad, 0)

        for b in (0, 1, 2, 3):
            g = _CPB - 4 + b
            pltpu.make_async_copy(
                rows_v.at[b], out_slice(g), osems[b]).wait()


def kernel(x, pe):
    out = _gather(x.reshape(_N // _CHUNK, _CHUNK), pe)
    return out.reshape(_B, _L, _D)

# --- scband reference (transcript-rebuilt; emitter-appended) ---
"""Pipeline reference for scband-sinusoidal-positional-embedding-31258771980948 (READ-ONLY COPY).

The authoritative reference and input builder live on the scoring server;
editing this copy changes nothing except your own understanding.
"""

import jax, jax.numpy as jnp
import numpy as np
import math

DIM = 128
MAX_POS = 100000
BASE = 10000
B, L = 16384, 200

def _build_pe():
    half = DIM // 2
    freqs = jnp.exp(-math.log(BASE) * jnp.arange(half, dtype=jnp.float32) / half)
    t = jnp.arange(MAX_POS, dtype=jnp.float32)
    args = t[:, None] * freqs[None]
    pe = jnp.concatenate([jnp.sin(args), jnp.cos(args)], axis=-1)
    return pe

def setup_inputs(seed: int = 0) -> dict:
    key = jax.random.key(seed)
    # Note: the torch module's range assert requires x <= pe.shape[1] == DIM,
    # so indices are drawn in [0, 128) even though the table has 100000 rows.
    x = jax.random.randint(key, (B, L), 0, 128, dtype=jnp.int32)
    pe = _build_pe()
    return {"x": x, "pe": pe}

def reference(x, pe):
    # F.embedding(x, pe) == gather rows of pe by integer index
    return jnp.take(pe, x, axis=0)

if __name__ == "__main__":
    import jax
    _d = setup_inputs()
    print(jax.jit(kernel)(*tuple(_d.values())))

</pallas_src>

<mosaic_0001>
#map = affine_map<(d0, d1) -> (0, 0)>
module attributes {stable_mosaic.version = 14 : i64} {
  func.func @_gather(%arg0: i32, %arg1: i32, %arg2: memref<25600x128xi32, #tpu.memory_space<hbm>>, %arg3: memref<100000x128xf32, #tpu.memory_space<hbm>>, %arg4: memref<3276800x128xf32, #tpu.memory_space<hbm>>, %arg5: memref<128x128xf32, #tpu.memory_space<vmem_shared>>, %arg6: memref<2x160x128xi32, #tpu.memory_space<vmem>>, %arg7: memref<4x128x128xf32, #tpu.memory_space<vmem>>, %arg8: memref<!tpu.dma_semaphore, #tpu.memory_space<semaphore_mem>>, %arg9: memref<!tpu.dma_semaphore, #tpu.memory_space<semaphore_mem>>, %arg10: memref<!tpu.dma_semaphore, #tpu.memory_space<semaphore_mem>>, %arg11: memref<!tpu.dma_semaphore, #tpu.memory_space<semaphore_mem>>, %arg12: memref<!tpu.dma_semaphore, #tpu.memory_space<semaphore_mem>>, %arg13: memref<!tpu.dma_semaphore, #tpu.memory_space<semaphore_mem>>, %arg14: memref<!tpu.dma_semaphore, #tpu.memory_space<semaphore_mem>>, %arg15: memref<!tpu.dma_semaphore, #tpu.memory_space<semaphore_mem>>, %arg16: memref<!tpu.dma_semaphore, #tpu.memory_space<semaphore_mem>>, %arg17: memref<!tpu.dma_semaphore, #tpu.memory_space<semaphore_mem>>) attributes {dimension_semantics = [#tpu.dimension_semantics<core_parallel>, #tpu.dimension_semantics<subcore_parallel>], iteration_bounds = array<i64: 2, 16>, scalar_prefetch = 0 : i64, scratch_operands = 13 : i64, tpu.core_type = #tpu.core_type<sc_vector_subcore>, window_params = [{transform_indices = #map}, {transform_indices = #map}, {transform_indices = #map}]} {
    %mul3A = arith.constant 2 : i32
    %mul3A_0 = arith.muli %arg1, %mul3A : i32
    %add3A = arith.addi %mul3A_0, %arg0 : i32
    %mul3A_1 = arith.constant 800 : i32
    %mul3A_2 = arith.muli %add3A, %mul3A_1 : i32
    %mul3A_3 = arith.constant 102400 : i32
    %mul3A_4 = arith.muli %add3A, %mul3A_3 : i32
    %eq3A = arith.constant 0 : i32
    %eq3A_5 = arith.cmpi eq, %arg1, %eq3A : i32
    %convert_element_type3A = arith.extui %eq3A_5 : i1 to i32
    %cond3A = arith.constant 0 : i32
    %cond3A_6 = arith.cmpi ne, %convert_element_type3A, %cond3A : i32
    scf.if %cond3A_6 {
      "tpu.region"() ({
        %run_scoped3A = tpu.sem_alloc : memref<!tpu.dma_semaphore, #tpu.memory_space<semaphore_mem>>
        %dma_start3A_624 = arith.constant 0 : i32
        %dma_start3A_625 = arith.constant 0 : i32
        %dma_start3A_626 = tpu.memref_slice %arg3[%dma_start3A_624, %dma_start3A_625] : memref<100000x128xf32, #tpu.memory_space<hbm>> -> memref<128x128xf32, #tpu.memory_space<hbm>>
        tpu.enqueue_dma source(%dma_start3A_626 : memref<128x128xf32, #tpu.memory_space<hbm>>) target(%arg5 : memref<128x128xf32, #tpu.memory_space<vmem_shared>>) target_semaphore(%run_scoped3A : memref<!tpu.dma_semaphore, #tpu.memory_space<semaphore_mem>>)
        %dma_wait3A_627 = arith.constant 0 : i32
        %dma_wait3A_628 = arith.constant 0 : i32
        %dma_wait3A_629 = tpu.memref_slice %arg3[%dma_wait3A_627, %dma_wait3A_628] : memref<100000x128xf32, #tpu.memory_space<hbm>> -> memref<128x128xf32, #tpu.memory_space<hbm>>
        tpu.wait_dma2 semaphore(%run_scoped3A : memref<!tpu.dma_semaphore, #tpu.memory_space<semaphore_mem>>) src(%dma_wait3A_629 : memref<128x128xf32, #tpu.memory_space<hbm>>) dst(%arg5 : memref<128x128xf32, #tpu.memory_space<vmem_shared>>)
        tpu.yield
      }) : () -> ()
    } else {
    }
    %barrier3A = arith.constant 0 : index
    tpu.barrier barrier_id(%barrier3A)
    %add3A_7 = arith.constant 0 : i32
    %add3A_8 = arith.addi %mul3A_2, %add3A_7 : i32
    %dma_start3A = arith.constant 0 : i32
    %dma_start3A_9 = arith.constant 0 : i32
    %dma_start3A_10 = arith.constant 0 : i32
    %dma_start3A_11 = tpu.memref_slice %arg6[%dma_start3A, %dma_start3A_9, %dma_start3A_10] : memref<2x160x128xi32, #tpu.memory_space<vmem>> -> memref<1x160x128xi32, #tpu.memory_space<vmem>>
    %dma_start3A_12 = tpu.memref_squeeze %dma_start3A_11 : memref<1x160x128xi32, #tpu.memory_space<vmem>> -> memref<160x128xi32, #tpu.memory_space<vmem>>
    %dma_start3A_13 = arith.constant 0 : i32
    %dma_start3A_14 = tpu.memref_slice %arg2[%add3A_8, %dma_start3A_13] : memref<25600x128xi32, #tpu.memory_space<hbm>> -> memref<160x128xi32, #tpu.memory_space<hbm>>
    %dma_start3A_15 = arith.constant 0 : i32
    %dma_start3A_16 = arith.constant 0 : i32
    %dma_start3A_17 = tpu.memref_slice %arg6[%dma_start3A, %dma_start3A_15, %dma_start3A_16] : memref<2x160x128xi32, #tpu.memory_space<vmem>> -> memref<1x160x128xi32, #tpu.memory_space<vmem>>
    %dma_start3A_18 = tpu.memref_squeeze %dma_start3A_17 : memref<1x160x128xi32, #tpu.memory_space<vmem>> -> memref<160x128xi32, #tpu.memory_space<vmem>>
    %dma_start3A_19 = arith.constant 0 : i32
    %dma_start3A_20 = tpu.memref_slice %arg2[%add3A_8, %dma_start3A_19] : memref<25600x128xi32, #tpu.memory_space<hbm>> -> memref<160x128xi32, #tpu.memory_space<hbm>>
    tpu.enqueue_dma source(%dma_start3A_20 : memref<160x128xi32, #tpu.memory_space<hbm>>) target(%dma_start3A_18 : memref<160x128xi32, #tpu.memory_space<vmem>>) target_semaphore(%arg8 : memref<!tpu.dma_semaphore, #tpu.memory_space<semaphore_mem>>)
    %add3A_21 = arith.constant 0 : i32
    %add3A_22 = arith.addi %mul3A_4, %add3A_21 : i32
    %add3A_23 = arith.constant 0 : i32
    %add3A_24 = arith.addi %mul3A_2, %add3A_23 : i32
    %dma_wait3A = arith.constant 0 : i32
    %dma_wait3A_25 = arith.constant 0 : i32
    %dma_wait3A_26 = arith.constant 0 : i32
    %dma_wait3A_27 = tpu.memref_slice %arg6[%dma_wait3A, %dma_wait3A_25, %dma_wait3A_26] : memref<2x160x128xi32, #tpu.memory_space<vmem>> -> memref<1x160x128xi32, #tpu.memory_space<vmem>>
    %dma_wait3A_28 = tpu.memref_squeeze %dma_wait3A_27 : memref<1x160x128xi32, #tpu.memory_space<vmem>> -> memref<160x128xi32, #tpu.memory_space<vmem>>
    %dma_wait3A_29 = arith.constant 0 : i32
    %dma_wait3A_30 = tpu.memref_slice %arg2[%add3A_24, %dma_wait3A_29] : memref<25600x128xi32, #tpu.memory_space<hbm>> -> memref<160x128xi32, #tpu.memory_space<hbm>>
    %dma_wait3A_31 = arith.constant 0 : i32
    %dma_wait3A_32 = arith.constant 0 : i32
    %dma_wait3A_33 = tpu.memref_slice %arg6[%dma_wait3A, %dma_wait3A_31, %dma_wait3A_32] : memref<2x160x128xi32, #tpu.memory_space<vmem>> -> memref<1x160x128xi32, #tpu.memory_space<vmem>>
    %dma_wait3A_34 = tpu.memref_squeeze %dma_wait3A_33 : memref<1x160x128xi32, #tpu.memory_space<vmem>> -> memref<160x128xi32, #tpu.memory_space<vmem>>
    %dma_wait3A_35 = arith.constant 0 : i32
    %dma_wait3A_36 = tpu.memref_slice %arg2[%add3A_24, %dma_wait3A_35] : memref<25600x128xi32, #tpu.memory_space<hbm>> -> memref<160x128xi32, #tpu.memory_space<hbm>>
    tpu.wait_dma2 semaphore(%arg8 : memref<!tpu.dma_semaphore, #tpu.memory_space<semaphore_mem>>) src(%dma_wait3A_36 : memref<160x128xi32, #tpu.memory_space<hbm>>) dst(%dma_wait3A_34 : memref<160x128xi32, #tpu.memory_space<vmem>>)
    %add3A_37 = arith.constant 160 : i32
    %add3A_38 = arith.addi %mul3A_2, %add3A_37 : i32
    %dma_start3A_39 = arith.constant 1 : i32
    %dma_start3A_40 = arith.constant 0 : i32
    %dma_start3A_41 = arith.constant 0 : i32
    %dma_start3A_42 = tpu.memref_slice %arg6[%dma_start3A_39, %dma_start3A_40, %dma_start3A_41] : memref<2x160x128xi32, #tpu.memory_space<vmem>> -> memref<1x160x128xi32, #tpu.memory_space<vmem>>
    %dma_start3A_43 = tpu.memref_squeeze %dma_start3A_42 : memref<1x160x128xi32, #tpu.memory_space<vmem>> -> memref<160x128xi32, #tpu.memory_space<vmem>>
    %dma_start3A_44 = arith.constant 0 : i32
    %dma_start3A_45 = tpu.memref_slice %arg2[%add3A_38, %dma_start3A_44] : memref<25600x128xi32, #tpu.memory_space<hbm>> -> memref<160x128xi32, #tpu.memory_space<hbm>>
    %dma_start3A_46 = arith.constant 0 : i32
    %dma_start3A_47 = arith.constant 0 : i32
    %dma_start3A_48 = tpu.memref_slice %arg6[%dma_start3A_39, %dma_start3A_46, %dma_start3A_47] : memref<2x160x128xi32, #tpu.memory_space<vmem>> -> memref<1x160x128xi32, #tpu.memory_space<vmem>>
    %dma_start3A_49 = tpu.memref_squeeze %dma_start3A_48 : memref<1x160x128xi32, #tpu.memory_space<vmem>> -> memref<160x128xi32, #tpu.memory_space<vmem>>
    %dma_start3A_50 = arith.constant 0 : i32
    %dma_start3A_51 = tpu.memref_slice %arg2[%add3A_38, %dma_start3A_50] : memref<25600x128xi32, #tpu.memory_space<hbm>> -> memref<160x128xi32, #tpu.memory_space<hbm>>
    tpu.enqueue_dma source(%dma_start3A_51 : memref<160x128xi32, #tpu.memory_space<hbm>>) target(%dma_start3A_49 : memref<160x128xi32, #tpu.memory_space<vmem>>) target_semaphore(%arg9 : memref<!tpu.dma_semaphore, #tpu.memory_space<semaphore_mem>>)
    %dma_start3A_52 = arith.constant 0 : i32
    %dma_start3A_53 = arith.constant 0 : i32
    %dma_start3A_54 = arith.constant 0 : i32
    %dma_start3A_55 = arith.constant 0 : i32
    %dma_start3A_56 = arith.constant 0 : i32
    %dma_start3A_57 = tpu.memref_slice %arg7[%dma_start3A_54, %dma_start3A_55, %dma_start3A_56] : memref<4x128x128xf32, #tpu.memory_space<vmem>> -> memref<1x128x128xf32, #tpu.memory_space<vmem>>
    %dma_start3A_58 = tpu.memref_squeeze %dma_start3A_57 : memref<1x128x128xf32, #tpu.memory_space<vmem>> -> memref<128x128xf32, #tpu.memory_space<vmem>>
    %dma_start3A_59 = arith.constant 0 : i32
    %dma_start3A_60 = tpu.memref_slice %arg6[%dma_start3A_52, %dma_start3A_53, %dma_start3A_59] : memref<2x160x128xi32, #tpu.memory_space<vmem>> -> memref<1x1x128xi32, #tpu.memory_space<vmem>>
    %dma_start3A_61 = tpu.memref_squeeze %dma_start3A_60 : memref<1x1x128xi32, #tpu.memory_space<vmem>> -> memref<128xi32, #tpu.memory_space<vmem>>
    %dma_start3A_62 = arith.constant 0 : i32
    %dma_start3A_63 = arith.constant 0 : i32
    %dma_start3A_64 = tpu.memref_slice %arg5[%dma_start3A_62, %dma_start3A_63] : memref<128x128xf32, #tpu.memory_space<vmem_shared>> -> memref<128x128xf32, #tpu.memory_space<vmem_shared>>
    tpu.enqueue_indirect_dma source(%dma_start3A_64 : memref<128x128xf32, #tpu.memory_space<vmem_shared>>) target(%dma_start3A_58 : memref<128x128xf32, #tpu.memory_space<vmem>>) offsets(%dma_start3A_61 : memref<128xi32, #tpu.memory_space<vmem>>) semaphore(%arg10 : memref<!tpu.dma_semaphore, #tpu.memory_space<semaphore_mem>>)
    %dma_start3A_65 = arith.constant 0 : i32
    %dma_start3A_66 = arith.constant 1 : i32
    %dma_start3A_67 = arith.constant 1 : i32
    %dma_start3A_68 = arith.constant 0 : i32
    %dma_start3A_69 = arith.constant 0 : i32
    %dma_start3A_70 = tpu.memref_slice %arg7[%dma_start3A_67, %dma_start3A_68, %dma_start3A_69] : memref<4x128x128xf32, #tpu.memory_space<vmem>> -> memref<1x128x128xf32, #tpu.memory_space<vmem>>
    %dma_start3A_71 = tpu.memref_squeeze %dma_start3A_70 : memref<1x128x128xf32, #tpu.memory_space<vmem>> -> memref<128x128xf32, #tpu.memory_space<vmem>>
    %dma_start3A_72 = arith.constant 0 : i32
    %dma_start3A_73 = tpu.memref_slice %arg6[%dma_start3A_65, %dma_start3A_66, %dma_start3A_72] : memref<2x160x128xi32, #tpu.memory_space<vmem>> -> memref<1x1x128xi32, #tpu.memory_space<vmem>>
    %dma_start3A_74 = tpu.memref_squeeze %dma_start3A_73 : memref<1x1x128xi32, #tpu.memory_space<vmem>> -> memref<128xi32, #tpu.memory_space<vmem>>
    %dma_start3A_75 = arith.constant 0 : i32
    %dma_start3A_76 = arith.constant 0 : i32
    %dma_start3A_77 = tpu.memref_slice %arg5[%dma_start3A_75, %dma_start3A_76] : memref<128x128xf32, #tpu.memory_space<vmem_shared>> -> memref<128x128xf32, #tpu.memory_space<vmem_shared>>
    tpu.enqueue_indirect_dma source(%dma_start3A_77 : memref<128x128xf32, #tpu.memory_space<vmem_shared>>) target(%dma_start3A_71 : memref<128x128xf32, #tpu.memory_space<vmem>>) offsets(%dma_start3A_74 : memref<128xi32, #tpu.memory_space<vmem>>) semaphore(%arg11 : memref<!tpu.dma_semaphore, #tpu.memory_space<semaphore_mem>>)
    %scan3A = arith.constant 0 : i32
    %scan3A_78 = arith.constant 0 : i32
    %scan3A_79 = arith.constant 40 : i32
    %scan3A_80 = arith.addi %scan3A_78, %scan3A_79 : i32
    %scan3A_81 = arith.constant 1 : i32
    scf.for %scan3A_624 = %scan3A_78 to %scan3A_80 step %scan3A_81  : i32 {
      %mul3A_625 = arith.constant 4 : i32
      %mul3A_626 = arith.muli %scan3A_624, %mul3A_625 : i32
      %add3A_627 = arith.constant 0 : i32
      %add3A_628 = arith.addi %mul3A_626, %add3A_627 : i32
      %add3A_629 = arith.constant 2 : i32
      %add3A_630 = arith.addi %add3A_628, %add3A_629 : i32
      %lt3A = arith.constant 160 : i32
      %lt3A_631 = arith.cmpi slt, %add3A_630, %lt3A : i32
      %convert_element_type3A_632 = arith.extui %lt3A_631 : i1 to i32
      %cond3A_633 = arith.constant 0 : i32
      %cond3A_634 = arith.cmpi ne, %convert_element_type3A_632, %cond3A_633 : i32
      scf.if %cond3A_634 {
        %ge3A = arith.constant 2 : i32
        %ge3A_780 = arith.cmpi sge, %add3A_628, %ge3A : i32
        %convert_element_type3A_781 = arith.extui %ge3A_780 : i1 to i32
        %cond3A_782 = arith.constant 0 : i32
        %cond3A_783 = arith.cmpi ne, %convert_element_type3A_781, %cond3A_782 : i32
        scf.if %cond3A_783 {
          %sub3A = arith.constant 2 : i32
          %sub3A_798 = arith.subi %add3A_628, %sub3A : i32
          %mul3A_799 = arith.constant 128 : i32
          %mul3A_800 = arith.muli %sub3A_798, %mul3A_799 : i32
          %add3A_801 = arith.addi %add3A_22, %mul3A_800 : i32
          %dma_wait3A_802 = arith.constant 2 : i32
          %dma_wait3A_803 = arith.constant 0 : i32
          %dma_wait3A_804 = arith.constant 0 : i32
          %dma_wait3A_805 = tpu.memref_slice %arg7[%dma_wait3A_802, %dma_wait3A_803, %dma_wait3A_804] : memref<4x128x128xf32, #tpu.memory_space<vmem>> -> memref<1x128x128xf32, #tpu.memory_space<vmem>>
          %dma_wait3A_806 = tpu.memref_squeeze %dma_wait3A_805 : memref<1x128x128xf32, #tpu.memory_space<vmem>> -> memref<128x128xf32, #tpu.memory_space<vmem>>
          %dma_wait3A_807 = arith.constant 0 : i32
          %dma_wait3A_808 = tpu.memref_slice %arg4[%add3A_801, %dma_wait3A_807] : memref<3276800x128xf32, #tpu.memory_space<hbm>> -> memref<128x128xf32, #tpu.memory_space<hbm>>
          %dma_wait3A_809 = arith.constant 0 : i32
          %dma_wait3A_810 = tpu.memref_slice %arg4[%add3A_801, %dma_wait3A_809] : memref<3276800x128xf32, #tpu.memory_space<hbm>> -> memref<128x128xf32, #tpu.memory_space<hbm>>
          %dma_wait3A_811 = arith.constant 0 : i32
          %dma_wait3A_812 = arith.constant 0 : i32
          %dma_wait3A_813 = tpu.memref_slice %arg7[%dma_wait3A_802, %dma_wait3A_811, %dma_wait3A_812] : memref<4x128x128xf32, #tpu.memory_space<vmem>> -> memref<1x128x128xf32, #tpu.memory_space<vmem>>
          %dma_wait3A_814 = tpu.memref_squeeze %dma_wait3A_813 : memref<1x128x128xf32, #tpu.memory_space<vmem>> -> memref<128x128xf32, #tpu.memory_space<vmem>>
          tpu.wait_dma2 semaphore(%arg16 : memref<!tpu.dma_semaphore, #tpu.memory_space<semaphore_mem>>) src(%dma_wait3A_814 : memref<128x128xf32, #tpu.memory_space<vmem>>) dst(%dma_wait3A_810 : memref<128x128xf32, #tpu.memory_space<hbm>>)
        } else {
        }
        %add3A_784 = arith.constant 2 : i32
        %add3A_785 = arith.addi %add3A_628, %add3A_784 : i32
        %dma_start3A_786 = arith.constant 0 : i32
        %dma_start3A_787 = arith.constant 2 : i32
        %dma_start3A_788 = arith.constant 0 : i32
        %dma_start3A_789 = arith.constant 0 : i32
        %dma_start3A_790 = tpu.memref_slice %arg7[%dma_start3A_787, %dma_start3A_788, %dma_start3A_789] : memref<4x128x128xf32, #tpu.memory_space<vmem>> -> memref<1x128x128xf32, #tpu.memory_space<vmem>>
        %dma_start3A_791 = tpu.memref_squeeze %dma_start3A_790 : memref<1x128x128xf32, #tpu.memory_space<vmem>> -> memref<128x128xf32, #tpu.memory_space<vmem>>
        %dma_start3A_792 = arith.constant 0 : i32
        %dma_start3A_793 = tpu.memref_slice %arg6[%dma_start3A_786, %add3A_785, %dma_start3A_792] : memref<2x160x128xi32, #tpu.memory_space<vmem>> -> memref<1x1x128xi32, #tpu.memory_space<vmem>>
        %dma_start3A_794 = tpu.memref_squeeze %dma_start3A_793 : memref<1x1x128xi32, #tpu.memory_space<vmem>> -> memref<128xi32, #tpu.memory_space<vmem>>
        %dma_start3A_795 = arith.constant 0 : i32
        %dma_start3A_796 = arith.constant 0 : i32
        %dma_start3A_797 = tpu.memref_slice %arg5[%dma_start3A_795, %dma_start3A_796] : memref<128x128xf32, #tpu.memory_space<vmem_shared>> -> memref<128x128xf32, #tpu.memory_space<vmem_shared>>
        tpu.enqueue_indirect_dma source(%dma_start3A_797 : memref<128x128xf32, #tpu.memory_space<vmem_shared>>) target(%dma_start3A_791 : memref<128x128xf32, #tpu.memory_space<vmem>>) offsets(%dma_start3A_794 : memref<128xi32, #tpu.memory_space<vmem>>) semaphore(%arg12 : memref<!tpu.dma_semaphore, #tpu.memory_space<semaphore_mem>>)
      } else {
      }
      %dma_wait3A_635 = arith.constant 0 : i32
      %dma_wait3A_636 = arith.constant 0 : i32
      %dma_wait3A_637 = arith.constant 0 : i32
      %dma_wait3A_638 = arith.constant 0 : i32
      %dma_wait3A_639 = tpu.memref_slice %arg7[%dma_wait3A_636, %dma_wait3A_637, %dma_wait3A_638] : memref<4x128x128xf32, #tpu.memory_space<vmem>> -> memref<1x128x128xf32, #tpu.memory_space<vmem>>
      %dma_wait3A_640 = tpu.memref_squeeze %dma_wait3A_639 : memref<1x128x128xf32, #tpu.memory_space<vmem>> -> memref<128x128xf32, #tpu.memory_space<vmem>>
      %dma_wait3A_641 = arith.constant 0 : i32
      %dma_wait3A_642 = tpu.memref_slice %arg6[%dma_wait3A_635, %add3A_628, %dma_wait3A_641] : memref<2x160x128xi32, #tpu.memory_space<vmem>> -> memref<1x1x128xi32, #tpu.memory_space<vmem>>
      %dma_wait3A_643 = tpu.memref_squeeze %dma_wait3A_642 : memref<1x1x128xi32, #tpu.memory_space<vmem>> -> memref<128xi32, #tpu.memory_space<vmem>>
      %dma_wait3A_644 = arith.constant 0 : i32
      %dma_wait3A_645 = arith.constant 0 : i32
      %dma_wait3A_646 = tpu.memref_slice %arg5[%dma_wait3A_644, %dma_wait3A_645] : memref<128x128xf32, #tpu.memory_space<vmem_shared>> -> memref<128x128xf32, #tpu.memory_space<vmem_shared>>
      tpu.wait_indirect_dma semaphore(%arg10 : memref<!tpu.dma_semaphore, #tpu.memory_space<semaphore_mem>>) src(%dma_wait3A_646 : memref<128x128xf32, #tpu.memory_space<vmem_shared>>) dst(%dma_wait3A_640 : memref<128x128xf32, #tpu.memory_space<vmem>>)
      %mul3A_647 = arith.constant 128 : i32
      %mul3A_648 = arith.muli %add3A_628, %mul3A_647 : i32
      %add3A_649 = arith.addi %add3A_22, %mul3A_648 : i32
      %dma_start3A_650 = arith.constant 0 : i32
      %dma_start3A_651 = arith.constant 0 : i32
      %dma_start3A_652 = arith.constant 0 : i32
      %dma_start3A_653 = tpu.memref_slice %arg7[%dma_start3A_650, %dma_start3A_651, %dma_start3A_652] : memref<4x128x128xf32, #tpu.memory_space<vmem>> -> memref<1x128x128xf32, #tpu.memory_space<vmem>>
      %dma_start3A_654 = tpu.memref_squeeze %dma_start3A_653 : memref<1x128x128xf32, #tpu.memory_space<vmem>> -> memref<128x128xf32, #tpu.memory_space<vmem>>
      %dma_start3A_655 = arith.constant 0 : i32
      %dma_start3A_656 = tpu.memref_slice %arg4[%add3A_649, %dma_start3A_655] : memref<3276800x128xf32, #tpu.memory_space<hbm>> -> memref<128x128xf32, #tpu.memory_space<hbm>>
      %dma_start3A_657 = arith.constant 0 : i32
      %dma_start3A_658 = tpu.memref_slice %arg4[%add3A_649, %dma_start3A_657] : memref<3276800x128xf32, #tpu.memory_space<hbm>> -> memref<128x128xf32, #tpu.memory_space<hbm>>
      %dma_start3A_659 = arith.constant 0 : i32
      %dma_start3A_660 = arith.constant 0 : i32
      %dma_start3A_661 = tpu.memref_slice %arg7[%dma_start3A_650, %dma_start3A_659, %dma_start3A_660] : memref<4x128x128xf32, #tpu.memory_space<vmem>> -> memref<1x128x128xf32, #tpu.memory_space<vmem>>
      %dma_start3A_662 = tpu.memref_squeeze %dma_start3A_661 : memref<1x128x128xf32, #tpu.memory_space<vmem>> -> memref<128x128xf32, #tpu.memory_space<vmem>>
      tpu.enqueue_dma source(%dma_start3A_662 : memref<128x128xf32, #tpu.memory_space<vmem>>) target(%dma_start3A_658 : memref<128x128xf32, #tpu.memory_space<hbm>>) target_semaphore(%arg14 : memref<!tpu.dma_semaphore, #tpu.memory_space<semaphore_mem>>)
      %mul3A_663 = arith.constant 4 : i32
      %mul3A_664 = arith.muli %scan3A_624, %mul3A_663 : i32
      %add3A_665 = arith.constant 1 : i32
      %add3A_666 = arith.addi %mul3A_664, %add3A_665 : i32
      %add3A_667 = arith.constant 2 : i32
      %add3A_668 = arith.addi %add3A_666, %add3A_667 : i32
      %lt3A_669 = arith.constant 160 : i32
      %lt3A_670 = arith.cmpi slt, %add3A_668, %lt3A_669 : i32
      %convert_element_type3A_671 = arith.extui %lt3A_670 : i1 to i32
      %cond3A_672 = arith.constant 0 : i32
      %cond3A_673 = arith.cmpi ne, %convert_element_type3A_671, %cond3A_672 : i32
      scf.if %cond3A_673 {
        %ge3A = arith.constant 2 : i32
        %ge3A_780 = arith.cmpi sge, %add3A_666, %ge3A : i32
        %convert_element_type3A_781 = arith.extui %ge3A_780 : i1 to i32
        %cond3A_782 = arith.constant 0 : i32
        %cond3A_783 = arith.cmpi ne, %convert_element_type3A_781, %cond3A_782 : i32
        scf.if %cond3A_783 {
          %sub3A = arith.constant 2 : i32
          %sub3A_798 = arith.subi %add3A_666, %sub3A : i32
          %mul3A_799 = arith.constant 128 : i32
          %mul3A_800 = arith.muli %sub3A_798, %mul3A_799 : i32
          %add3A_801 = arith.addi %add3A_22, %mul3A_800 : i32
          %dma_wait3A_802 = arith.constant 3 : i32
          %dma_wait3A_803 = arith.constant 0 : i32
          %dma_wait3A_804 = arith.constant 0 : i32
          %dma_wait3A_805 = tpu.memref_slice %arg7[%dma_wait3A_802, %dma_wait3A_803, %dma_wait3A_804] : memref<4x128x128xf32, #tpu.memory_space<vmem>> -> memref<1x128x128xf32, #tpu.memory_space<vmem>>
          %dma_wait3A_806 = tpu.memref_squeeze %dma_wait3A_805 : memref<1x128x128xf32, #tpu.memory_space<vmem>> -> memref<128x128xf32, #tpu.memory_space<vmem>>
          %dma_wait3A_807 = arith.constant 0 : i32
          %dma_wait3A_808 = tpu.memref_slice %arg4[%add3A_801, %dma_wait3A_807] : memref<3276800x128xf32, #tpu.memory_space<hbm>> -> memref<128x128xf32, #tpu.memory_space<hbm>>
          %dma_wait3A_809 = arith.constant 0 : i32
          %dma_wait3A_810 = tpu.memref_slice %arg4[%add3A_801, %dma_wait3A_809] : memref<3276800x128xf32, #tpu.memory_space<hbm>> -> memref<128x128xf32, #tpu.memory_space<hbm>>
          %dma_wait3A_811 = arith.constant 0 : i32
          %dma_wait3A_812 = arith.constant 0 : i32
          %dma_wait3A_813 = tpu.memref_slice %arg7[%dma_wait3A_802, %dma_wait3A_811, %dma_wait3A_812] : memref<4x128x128xf32, #tpu.memory_space<vmem>> -> memref<1x128x128xf32, #tpu.memory_space<vmem>>
          %dma_wait3A_814 = tpu.memref_squeeze %dma_wait3A_813 : memref<1x128x128xf32, #tpu.memory_space<vmem>> -> memref<128x128xf32, #tpu.memory_space<vmem>>
          tpu.wait_dma2 semaphore(%arg17 : memref<!tpu.dma_semaphore, #tpu.memory_space<semaphore_mem>>) src(%dma_wait3A_814 : memref<128x128xf32, #tpu.memory_space<vmem>>) dst(%dma_wait3A_810 : memref<128x128xf32, #tpu.memory_space<hbm>>)
        } else {
        }
        %add3A_784 = arith.constant 2 : i32
        %add3A_785 = arith.addi %add3A_666, %add3A_784 : i32
        %dma_start3A_786 = arith.constant 0 : i32
        %dma_start3A_787 = arith.constant 3 : i32
        %dma_start3A_788 = arith.constant 0 : i32
        %dma_start3A_789 = arith.constant 0 : i32
        %dma_start3A_790 = tpu.memref_slice %arg7[%dma_start3A_787, %dma_start3A_788, %dma_start3A_789] : memref<4x128x128xf32, #tpu.memory_space<vmem>> -> memref<1x128x128xf32, #tpu.memory_space<vmem>>
        %dma_start3A_791 = tpu.memref_squeeze %dma_start3A_790 : memref<1x128x128xf32, #tpu.memory_space<vmem>> -> memref<128x128xf32, #tpu.memory_space<vmem>>
        %dma_start3A_792 = arith.constant 0 : i32
        %dma_start3A_793 = tpu.memref_slice %arg6[%dma_start3A_786, %add3A_785, %dma_start3A_792] : memref<2x160x128xi32, #tpu.memory_space<vmem>> -> memref<1x1x128xi32, #tpu.memory_space<vmem>>
        %dma_start3A_794 = tpu.memref_squeeze %dma_start3A_793 : memref<1x1x128xi32, #tpu.memory_space<vmem>> -> memref<128xi32, #tpu.memory_space<vmem>>
        %dma_start3A_795 = arith.constant 0 : i32
        %dma_start3A_796 = arith.constant 0 : i32
        %dma_start3A_797 = tpu.memref_slice %arg5[%dma_start3A_795, %dma_start3A_796] : memref<128x128xf32, #tpu.memory_space<vmem_shared>> -> memref<128x128xf32, #tpu.memory_space<vmem_shared>>
        tpu.enqueue_indirect_dma source(%dma_start3A_797 : memref<128x128xf32, #tpu.memory_space<vmem_shared>>) target(%dma_start3A_791 : memref<128x128xf32, #tpu.memory_space<vmem>>) offsets(%dma_start3A_794 : memref<128xi32, #tpu.memory_space<vmem>>) semaphore(%arg13 : memref<!tpu.dma_semaphore, #tpu.memory_space<semaphore_mem>>)
      } else {
      }
      %dma_wait3A_674 = arith.constant 0 : i32
      %dma_wait3A_675 = arith.constant 1 : i32
      %dma_wait3A_676 = arith.constant 0 : i32
      %dma_wait3A_677 = arith.constant 0 : i32
      %dma_wait3A_678 = tpu.memref_slice %arg7[%dma_wait3A_675, %dma_wait3A_676, %dma_wait3A_677] : memref<4x128x128xf32, #tpu.memory_space<vmem>> -> memref<1x128x128xf32, #tpu.memory_space<vmem>>
      %dma_wait3A_679 = tpu.memref_squeeze %dma_wait3A_678 : memref<1x128x128xf32, #tpu.memory_space<vmem>> -> memref<128x128xf32, #tpu.memory_space<vmem>>
      %dma_wait3A_680 = arith.constant 0 : i32
      %dma_wait3A_681 = tpu.memref_slice %arg6[%dma_wait3A_674, %add3A_666, %dma_wait3A_680] : memref<2x160x128xi32, #tpu.memory_space<vmem>> -> memref<1x1x128xi32, #tpu.memory_space<vmem>>
      %dma_wait3A_682 = tpu.memref_squeeze %dma_wait3A_681 : memref<1x1x128xi32, #tpu.memory_space<vmem>> -> memref<128xi32, #tpu.memory_space<vmem>>
      %dma_wait3A_683 = arith.constant 0 : i32
      %dma_wait3A_684 = arith.constant 0 : i32
      %dma_wait3A_685 = tpu.memref_slice %arg5[%dma_wait3A_683, %dma_wait3A_684] : memref<128x128xf32, #tpu.memory_space<vmem_shared>> -> memref<128x128xf32, #tpu.memory_space<vmem_shared>>
      tpu.wait_indirect_dma semaphore(%arg11 : memref<!tpu.dma_semaphore, #tpu.memory_space<semaphore_mem>>) src(%dma_wait3A_685 : memref<128x128xf32, #tpu.memory_space<vmem_shared>>) dst(%dma_wait3A_679 : memref<128x128xf32, #tpu.memory_space<vmem>>)
      %mul3A_686 = arith.constant 128 : i32
      %mul3A_687 = arith.muli %add3A_666, %mul3A_686 : i32
      %add3A_688 = arith.addi %add3A_22, %mul3A_687 : i32
      %dma_start3A_689 = arith.constant 1 : i32
      %dma_start3A_690 = arith.constant 0 : i32
      %dma_start3A_691 = arith.constant 0 : i32
      %dma_start3A_692 = tpu.memref_slice %arg7[%dma_start3A_689, %dma_start3A_690, %dma_start3A_691] : memref<4x128x128xf32, #tpu.memory_space<vmem>> -> memref<1x128x128xf32, #tpu.memory_space<vmem>>
      %dma_start3A_693 = tpu.memref_squeeze %dma_start3A_692 : memref<1x128x128xf32, #tpu.memory_space<vmem>> -> memref<128x128xf32, #tpu.memory_space<vmem>>
      %dma_start3A_694 = arith.constant 0 : i32
      %dma_start3A_695 = tpu.memref_slice %arg4[%add3A_688, %dma_start3A_694] : memref<3276800x128xf32, #tpu.memory_space<hbm>> -> memref<128x128xf32, #tpu.memory_space<hbm>>
      %dma_start3A_696 = arith.constant 0 : i32
      %dma_start3A_697 = tpu.memref_slice %arg4[%add3A_688, %dma_start3A_696] : memref<3276800x128xf32, #tpu.memory_space<hbm>> -> memref<128x128xf32, #tpu.memory_space<hbm>>
      %dma_start3A_698 = arith.constant 0 : i32
      %dma_start3A_699 = arith.constant 0 : i32
      %dma_start3A_700 = tpu.memref_slice %arg7[%dma_start3A_689, %dma_start3A_698, %dma_start3A_699] : memref<4x128x128xf32, #tpu.memory_space<vmem>> -> memref<1x128x128xf32, #tpu.memory_space<vmem>>
      %dma_start3A_701 = tpu.memref_squeeze %dma_start3A_700 : memref<1x128x128xf32, #tpu.memory_space<vmem>> -> memref<128x128xf32, #tpu.memory_space<vmem>>
      tpu.enqueue_dma source(%dma_start3A_701 : memref<128x128xf32, #tpu.memory_space<vmem>>) target(%dma_start3A_697 : memref<128x128xf32, #tpu.memory_space<hbm>>) target_semaphore(%arg15 : memref<!tpu.dma_semaphore, #tpu.memory_space<semaphore_mem>>)
      %mul3A_702 = arith.constant 4 : i32
      %mul3A_703 = arith.muli %scan3A_624, %mul3A_702 : i32
      %add3A_704 = arith.constant 2 : i32
      %add3A_705 = arith.addi %mul3A_703, %add3A_704 : i32
      %add3A_706 = arith.constant 2 : i32
      %add3A_707 = arith.addi %add3A_705, %add3A_706 : i32
      %lt3A_708 = arith.constant 160 : i32
      %lt3A_709 = arith.cmpi slt, %add3A_707, %lt3A_708 : i32
      %convert_element_type3A_710 = arith.extui %lt3A_709 : i1 to i32
      %cond3A_711 = arith.constant 0 : i32
      %cond3A_712 = arith.cmpi ne, %convert_element_type3A_710, %cond3A_711 : i32
      scf.if %cond3A_712 {
        %ge3A = arith.constant 2 : i32
        %ge3A_780 = arith.cmpi sge, %add3A_705, %ge3A : i32
        %convert_element_type3A_781 = arith.extui %ge3A_780 : i1 to i32
        %cond3A_782 = arith.constant 0 : i32
        %cond3A_783 = arith.cmpi ne, %convert_element_type3A_781, %cond3A_782 : i32
        scf.if %cond3A_783 {
          %sub3A = arith.constant 2 : i32
          %sub3A_798 = arith.subi %add3A_705, %sub3A : i32
          %mul3A_799 = arith.constant 128 : i32
          %mul3A_800 = arith.muli %sub3A_798, %mul3A_799 : i32
          %add3A_801 = arith.addi %add3A_22, %mul3A_800 : i32
          %dma_wait3A_802 = arith.constant 0 : i32
          %dma_wait3A_803 = arith.constant 0 : i32
          %dma_wait3A_804 = arith.constant 0 : i32
          %dma_wait3A_805 = tpu.memref_slice %arg7[%dma_wait3A_802, %dma_wait3A_803, %dma_wait3A_804] : memref<4x128x128xf32, #tpu.memory_space<vmem>> -> memref<1x128x128xf32, #tpu.memory_space<vmem>>
          %dma_wait3A_806 = tpu.memref_squeeze %dma_wait3A_805 : memref<1x128x128xf32, #tpu.memory_space<vmem>> -> memref<128x128xf32, #tpu.memory_space<vmem>>
          %dma_wait3A_807 = arith.constant 0 : i32
          %dma_wait3A_808 = tpu.memref_slice %arg4[%add3A_801, %dma_wait3A_807] : memref<3276800x128xf32, #tpu.memory_space<hbm>> -> memref<128x128xf32, #tpu.memory_space<hbm>>
          %dma_wait3A_809 = arith.constant 0 : i32
          %dma_wait3A_810 = tpu.memref_slice %arg4[%add3A_801, %dma_wait3A_809] : memref<3276800x128xf32, #tpu.memory_space<hbm>> -> memref<128x128xf32, #tpu.memory_space<hbm>>
          %dma_wait3A_811 = arith.constant 0 : i32
          %dma_wait3A_812 = arith.constant 0 : i32
          %dma_wait3A_813 = tpu.memref_slice %arg7[%dma_wait3A_802, %dma_wait3A_811, %dma_wait3A_812] : memref<4x128x128xf32, #tpu.memory_space<vmem>> -> memref<1x128x128xf32, #tpu.memory_space<vmem>>
          %dma_wait3A_814 = tpu.memref_squeeze %dma_wait3A_813 : memref<1x128x128xf32, #tpu.memory_space<vmem>> -> memref<128x128xf32, #tpu.memory_space<vmem>>
          tpu.wait_dma2 semaphore(%arg14 : memref<!tpu.dma_semaphore, #tpu.memory_space<semaphore_mem>>) src(%dma_wait3A_814 : memref<128x128xf32, #tpu.memory_space<vmem>>) dst(%dma_wait3A_810 : memref<128x128xf32, #tpu.memory_space<hbm>>)
        } else {
        }
        %add3A_784 = arith.constant 2 : i32
        %add3A_785 = arith.addi %add3A_705, %add3A_784 : i32
        %dma_start3A_786 = arith.constant 0 : i32
        %dma_start3A_787 = arith.constant 0 : i32
        %dma_start3A_788 = arith.constant 0 : i32
        %dma_start3A_789 = arith.constant 0 : i32
        %dma_start3A_790 = tpu.memref_slice %arg7[%dma_start3A_787, %dma_start3A_788, %dma_start3A_789] : memref<4x128x128xf32, #tpu.memory_space<vmem>> -> memref<1x128x128xf32, #tpu.memory_space<vmem>>
        %dma_start3A_791 = tpu.memref_squeeze %dma_start3A_790 : memref<1x128x128xf32, #tpu.memory_space<vmem>> -> memref<128x128xf32, #tpu.memory_space<vmem>>
        %dma_start3A_792 = arith.constant 0 : i32
        %dma_start3A_793 = tpu.memref_slice %arg6[%dma_start3A_786, %add3A_785, %dma_start3A_792] : memref<2x160x128xi32, #tpu.memory_space<vmem>> -> memref<1x1x128xi32, #tpu.memory_space<vmem>>
        %dma_start3A_794 = tpu.memref_squeeze %dma_start3A_793 : memref<1x1x128xi32, #tpu.memory_space<vmem>> -> memref<128xi32, #tpu.memory_space<vmem>>
        %dma_start3A_795 = arith.constant 0 : i32
        %dma_start3A_796 = arith.constant 0 : i32
        %dma_start3A_797 = tpu.memref_slice %arg5[%dma_start3A_795, %dma_start3A_796] : memref<128x128xf32, #tpu.memory_space<vmem_shared>> -> memref<128x128xf32, #tpu.memory_space<vmem_shared>>
        tpu.enqueue_indirect_dma source(%dma_start3A_797 : memref<128x128xf32, #tpu.memory_space<vmem_shared>>) target(%dma_start3A_791 : memref<128x128xf32, #tpu.memory_space<vmem>>) offsets(%dma_start3A_794 : memref<128xi32, #tpu.memory_space<vmem>>) semaphore(%arg10 : memref<!tpu.dma_semaphore, #tpu.memory_space<semaphore_mem>>)
      } else {
      }
      %dma_wait3A_713 = arith.constant 0 : i32
      %dma_wait3A_714 = arith.constant 2 : i32
      %dma_wait3A_715 = arith.constant 0 : i32
      %dma_wait3A_716 = arith.constant 0 : i32
      %dma_wait3A_717 = tpu.memref_slice %arg7[%dma_wait3A_714, %dma_wait3A_715, %dma_wait3A_716] : memref<4x128x128xf32, #tpu.memory_space<vmem>> -> memref<1x128x128xf32, #tpu.memory_space<vmem>>
      %dma_wait3A_718 = tpu.memref_squeeze %dma_wait3A_717 : memref<1x128x128xf32, #tpu.memory_space<vmem>> -> memref<128x128xf32, #tpu.memory_space<vmem>>
      %dma_wait3A_719 = arith.constant 0 : i32
      %dma_wait3A_720 = tpu.memref_slice %arg6[%dma_wait3A_713, %add3A_705, %dma_wait3A_719] : memref<2x160x128xi32, #tpu.memory_space<vmem>> -> memref<1x1x128xi32, #tpu.memory_space<vmem>>
      %dma_wait3A_721 = tpu.memref_squeeze %dma_wait3A_720 : memref<1x1x128xi32, #tpu.memory_space<vmem>> -> memref<128xi32, #tpu.memory_space<vmem>>
      %dma_wait3A_722 = arith.constant 0 : i32
      %dma_wait3A_723 = arith.constant 0 : i32
      %dma_wait3A_724 = tpu.memref_slice %arg5[%dma_wait3A_722, %dma_wait3A_723] : memref<128x128xf32, #tpu.memory_space<vmem_shared>> -> memref<128x128xf32, #tpu.memory_space<vmem_shared>>
      tpu.wait_indirect_dma semaphore(%arg12 : memref<!tpu.dma_semaphore, #tpu.memory_space<semaphore_mem>>) src(%dma_wait3A_724 : memref<128x128xf32, #tpu.memory_space<vmem_shared>>) dst(%dma_wait3A_718 : memref<128x128xf32, #tpu.memory_space<vmem>>)
      %mul3A_725 = arith.constant 128 : i32
      %mul3A_726 = arith.muli %add3A_705, %mul3A_725 : i32
      %add3A_727 = arith.addi %add3A_22, %mul3A_726 : i32
      %dma_start3A_728 = arith.constant 2 : i32
      %dma_start3A_729 = arith.constant 0 : i32
      %dma_start3A_730 = arith.constant 0 : i32
      %dma_start3A_731 = tpu.memref_slice %arg7[%dma_start3A_728, %dma_start3A_729, %dma_start3A_730] : memref<4x128x128xf32, #tpu.memory_space<vmem>> -> memref<1x128x128xf32, #tpu.memory_space<vmem>>
      %dma_start3A_732 = tpu.memref_squeeze %dma_start3A_731 : memref<1x128x128xf32, #tpu.memory_space<vmem>> -> memref<128x128xf32, #tpu.memory_space<vmem>>
      %dma_start3A_733 = arith.constant 0 : i32
      %dma_start3A_734 = tpu.memref_slice %arg4[%add3A_727, %dma_start3A_733] : memref<3276800x128xf32, #tpu.memory_space<hbm>> -> memref<128x128xf32, #tpu.memory_space<hbm>>
      %dma_start3A_735 = arith.constant 0 : i32
      %dma_start3A_736 = tpu.memref_slice %arg4[%add3A_727, %dma_start3A_735] : memref<3276800x128xf32, #tpu.memory_space<hbm>> -> memref<128x128xf32, #tpu.memory_space<hbm>>
      %dma_start3A_737 = arith.constant 0 : i32
      %dma_start3A_738 = arith.constant 0 : i32
      %dma_start3A_739 = tpu.memref_slice %arg7[%dma_start3A_728, %dma_start3A_737, %dma_start3A_738] : memref<4x128x128xf32, #tpu.memory_space<vmem>> -> memref<1x128x128xf32, #tpu.memory_space<vmem>>
      %dma_start3A_740 = tpu.memref_squeeze %dma_start3A_739 : memref<1x128x128xf32, #tpu.memory_space<vmem>> -> memref<128x128xf32, #tpu.memory_space<vmem>>
      tpu.enqueue_dma source(%dma_start3A_740 : memref<128x128xf32, #tpu.memory_space<vmem>>) target(%dma_start3A_736 : memref<128x128xf32, #tpu.memory_space<hbm>>) target_semaphore(%arg16 : memref<!tpu.dma_semaphore, #tpu.memory_space<semaphore_mem>>)
      %mul3A_741 = arith.constant 4 : i32
      %mul3A_742 = arith.muli %scan3A_624, %mul3A_741 : i32
      %add3A_743 = arith.constant 3 : i32
      %add3A_744 = arith.addi %mul3A_742, %add3A_743 : i32
      %add3A_745 = arith.constant 2 : i32
      %add3A_746 = arith.addi %add3A_744, %add3A_745 : i32
      %lt3A_747 = arith.constant 160 : i32
      %lt3A_748 = arith.cmpi slt, %add3A_746, %lt3A_747 : i32
      %convert_element_type3A_749 = arith.extui %lt3A_748 : i1 to i32
      %cond3A_750 = arith.constant 0 : i32
      %cond3A_751 = arith.cmpi ne, %convert_element_type3A_749, %cond3A_750 : i32
      scf.if %cond3A_751 {
        %ge3A = arith.constant 2 : i32
        %ge3A_780 = arith.cmpi sge, %add3A_744, %ge3A : i32
        %convert_element_type3A_781 = arith.extui %ge3A_780 : i1 to i32
        %cond3A_782 = arith.constant 0 : i32
        %cond3A_783 = arith.cmpi ne, %convert_element_type3A_781, %cond3A_782 : i32
        scf.if %cond3A_783 {
          %sub3A = arith.constant 2 : i32
          %sub3A_798 = arith.subi %add3A_744, %sub3A : i32
          %mul3A_799 = arith.constant 128 : i32
          %mul3A_800 = arith.muli %sub3A_798, %mul3A_799 : i32
          %add3A_801 = arith.addi %add3A_22, %mul3A_800 : i32
          %dma_wait3A_802 = arith.constant 1 : i32
          %dma_wait3A_803 = arith.constant 0 : i32
          %dma_wait3A_804 = arith.constant 0 : i32
          %dma_wait3A_805 = tpu.memref_slice %arg7[%dma_wait3A_802, %dma_wait3A_803, %dma_wait3A_804] : memref<4x128x128xf32, #tpu.memory_space<vmem>> -> memref<1x128x128xf32, #tpu.memory_space<vmem>>
          %dma_wait3A_806 = tpu.memref_squeeze %dma_wait3A_805 : memref<1x128x128xf32, #tpu.memory_space<vmem>> -> memref<128x128xf32, #tpu.memory_space<vmem>>
          %dma_wait3A_807 = arith.constant 0 : i32
          %dma_wait3A_808 = tpu.memref_slice %arg4[%add3A_801, %dma_wait3A_807] : memref<3276800x128xf32, #tpu.memory_space<hbm>> -> memref<128x128xf32, #tpu.memory_space<hbm>>
          %dma_wait3A_809 = arith.constant 0 : i32
          %dma_wait3A_810 = tpu.memref_slice %arg4[%add3A_801, %dma_wait3A_809] : memref<3276800x128xf32, #tpu.memory_space<hbm>> -> memref<128x128xf32, #tpu.memory_space<hbm>>
          %dma_wait3A_811 = arith.constant 0 : i32
          %dma_wait3A_812 = arith.constant 0 : i32
          %dma_wait3A_813 = tpu.memref_slice %arg7[%dma_wait3A_802, %dma_wait3A_811, %dma_wait3A_812] : memref<4x128x128xf32, #tpu.memory_space<vmem>> -> memref<1x128x128xf32, #tpu.memory_space<vmem>>
          %dma_wait3A_814 = tpu.memref_squeeze %dma_wait3A_813 : memref<1x128x128xf32, #tpu.memory_space<vmem>> -> memref<128x128xf32, #tpu.memory_space<vmem>>
          tpu.wait_dma2 semaphore(%arg15 : memref<!tpu.dma_semaphore, #tpu.memory_space<semaphore_mem>>) src(%dma_wait3A_814 : memref<128x128xf32, #tpu.memory_space<vmem>>) dst(%dma_wait3A_810 : memref<128x128xf32, #tpu.memory_space<hbm>>)
        } else {
        }
        %add3A_784 = arith.constant 2 : i32
        %add3A_785 = arith.addi %add3A_744, %add3A_784 : i32
        %dma_start3A_786 = arith.constant 0 : i32
        %dma_start3A_787 = arith.constant 1 : i32
        %dma_start3A_788 = arith.constant 0 : i32
        %dma_start3A_789 = arith.constant 0 : i32
        %dma_start3A_790 = tpu.memref_slice %arg7[%dma_start3A_787, %dma_start3A_788, %dma_start3A_789] : memref<4x128x128xf32, #tpu.memory_space<vmem>> -> memref<1x128x128xf32, #tpu.memory_space<vmem>>
        %dma_start3A_791 = tpu.memref_squeeze %dma_start3A_790 : memref<1x128x128xf32, #tpu.memory_space<vmem>> -> memref<128x128xf32, #tpu.memory_space<vmem>>
        %dma_start3A_792 = arith.constant 0 : i32
        %dma_start3A_793 = tpu.memref_slice %arg6[%dma_start3A_786, %add3A_785, %dma_start3A_792] : memref<2x160x128xi32, #tpu.memory_space<vmem>> -> memref<1x1x128xi32, #tpu.memory_space<vmem>>
        %dma_start3A_794 = tpu.memref_squeeze %dma_start3A_793 : memref<1x1x128xi32, #tpu.memory_space<vmem>> -> memref<128xi32, #tpu.memory_space<vmem>>
        %dma_start3A_795 = arith.constant 0 : i32
        %dma_start3A_796 = arith.constant 0 : i32
        %dma_start3A_797 = tpu.memref_slice %arg5[%dma_start3A_795, %dma_start3A_796] : memref<128x128xf32, #tpu.memory_space<vmem_shared>> -> memref<128x128xf32, #tpu.memory_space<vmem_shared>>
        tpu.enqueue_indirect_dma source(%dma_start3A_797 : memref<128x128xf32, #tpu.memory_space<vmem_shared>>) target(%dma_start3A_791 : memref<128x128xf32, #tpu.memory_space<vmem>>) offsets(%dma_start3A_794 : memref<128xi32, #tpu.memory_space<vmem>>) semaphore(%arg11 : memref<!tpu.dma_semaphore, #tpu.memory_space<semaphore_mem>>)
      } else {
      }
      %dma_wait3A_752 = arith.constant 0 : i32
      %dma_wait3A_753 = arith.constant 3 : i32
      %dma_wait3A_754 = arith.constant 0 : i32
      %dma_wait3A_755 = arith.constant 0 : i32
      %dma_wait3A_756 = tpu.memref_slice %arg7[%dma_wait3A_753, %dma_wait3A_754, %dma_wait3A_755] : memref<4x128x128xf32, #tpu.memory_space<vmem>> -> memref<1x128x128xf32, #tpu.memory_space<vmem>>
      %dma_wait3A_757 = tpu.memref_squeeze %dma_wait3A_756 : memref<1x128x128xf32, #tpu.memory_space<vmem>> -> memref<128x128xf32, #tpu.memory_space<vmem>>
      %dma_wait3A_758 = arith.constant 0 : i32
      %dma_wait3A_759 = tpu.memref_slice %arg6[%dma_wait3A_752, %add3A_744, %dma_wait3A_758] : memref<2x160x128xi32, #tpu.memory_space<vmem>> -> memref<1x1x128xi32, #tpu.memory_space<vmem>>
      %dma_wait3A_760 = tpu.memref_squeeze %dma_wait3A_759 : memref<1x1x128xi32, #tpu.memory_space<vmem>> -> memref<128xi32, #tpu.memory_space<vmem>>
      %dma_wait3A_761 = arith.constant 0 : i32
      %dma_wait3A_762 = arith.constant 0 : i32
      %dma_wait3A_763 = tpu.memref_slice %arg5[%dma_wait3A_761, %dma_wait3A_762] : memref<128x128xf32, #tpu.memory_space<vmem_shared>> -> memref<128x128xf32, #tpu.memory_space<vmem_shared>>
      tpu.wait_indirect_dma semaphore(%arg13 : memref<!tpu.dma_semaphore, #tpu.memory_space<semaphore_mem>>) src(%dma_wait3A_763 : memref<128x128xf32, #tpu.memory_space<vmem_shared>>) dst(%dma_wait3A_757 : memref<128x128xf32, #tpu.memory_space<vmem>>)
      %mul3A_764 = arith.constant 128 : i32
      %mul3A_765 = arith.muli %add3A_744, %mul3A_764 : i32
      %add3A_766 = arith.addi %add3A_22, %mul3A_765 : i32
      %dma_start3A_767 = arith.constant 3 : i32
      %dma_start3A_768 = arith.constant 0 : i32
      %dma_start3A_769 = arith.constant 0 : i32
      %dma_start3A_770 = tpu.memref_slice %arg7[%dma_start3A_767, %dma_start3A_768, %dma_start3A_769] : memref<4x128x128xf32, #tpu.memory_space<vmem>> -> memref<1x128x128xf32, #tpu.memory_space<vmem>>
      %dma_start3A_771 = tpu.memref_squeeze %dma_start3A_770 : memref<1x128x128xf32, #tpu.memory_space<vmem>> -> memref<128x128xf32, #tpu.memory_space<vmem>>
      %dma_start3A_772 = arith.constant 0 : i32
      %dma_start3A_773 = tpu.memref_slice %arg4[%add3A_766, %dma_start3A_772] : memref<3276800x128xf32, #tpu.memory_space<hbm>> -> memref<128x128xf32, #tpu.memory_space<hbm>>
      %dma_start3A_774 = arith.constant 0 : i32
      %dma_start3A_775 = tpu.memref_slice %arg4[%add3A_766, %dma_start3A_774] : memref<3276800x128xf32, #tpu.memory_space<hbm>> -> memref<128x128xf32, #tpu.memory_space<hbm>>
      %dma_start3A_776 = arith.constant 0 : i32
      %dma_start3A_777 = arith.constant 0 : i32
      %dma_start3A_778 = tpu.memref_slice %arg7[%dma_start3A_767, %dma_start3A_776, %dma_start3A_777] : memref<4x128x128xf32, #tpu.memory_space<vmem>> -> memref<1x128x128xf32, #tpu.memory_space<vmem>>
      %dma_start3A_779 = tpu.memref_squeeze %dma_start3A_778 : memref<1x128x128xf32, #tpu.memory_space<vmem>> -> memref<128x128xf32, #tpu.memory_space<vmem>>
      tpu.enqueue_dma source(%dma_start3A_779 : memref<128x128xf32, #tpu.memory_space<vmem>>) target(%dma_start3A_775 : memref<128x128xf32, #tpu.memory_space<hbm>>) target_semaphore(%arg17 : memref<!tpu.dma_semaphore, #tpu.memory_space<semaphore_mem>>)
    }
    %scan3A_82 = arith.constant 40 : i32
    %add3A_83 = arith.constant 19968 : i32
    %add3A_84 = arith.addi %add3A_22, %add3A_83 : i32
    %dma_wait3A_85 = arith.constant 0 : i32
    %dma_wait3A_86 = arith.constant 0 : i32
    %dma_wait3A_87 = arith.constant 0 : i32
    %dma_wait3A_88 = tpu.memref_slice %arg7[%dma_wait3A_85, %dma_wait3A_86, %dma_wait3A_87] : memref<4x128x128xf32, #tpu.memory_space<vmem>> -> memref<1x128x128xf32, #tpu.memory_space<vmem>>
    %dma_wait3A_89 = tpu.memref_squeeze %dma_wait3A_88 : memref<1x128x128xf32, #tpu.memory_space<vmem>> -> memref<128x128xf32, #tpu.memory_space<vmem>>
    %dma_wait3A_90 = arith.constant 0 : i32
    %dma_wait3A_91 = tpu.memref_slice %arg4[%add3A_84, %dma_wait3A_90] : memref<3276800x128xf32, #tpu.memory_space<hbm>> -> memref<128x128xf32, #tpu.memory_space<hbm>>
    %dma_wait3A_92 = arith.constant 0 : i32
    %dma_wait3A_93 = tpu.memref_slice %arg4[%add3A_84, %dma_wait3A_92] : memref<3276800x128xf32, #tpu.memory_space<hbm>> -> memref<128x128xf32, #tpu.memory_space<hbm>>
    %dma_wait3A_94 = arith.constant 0 : i32
    %dma_wait3A_95 = arith.constant 0 : i32
    %dma_wait3A_96 = tpu.memref_slice %arg7[%dma_wait3A_85, %dma_wait3A_94, %dma_wait3A_95] : memref<4x128x128xf32, #tpu.memory_space<vmem>> -> memref<1x128x128xf32, #tpu.memory_space<vmem>>
    %dma_wait3A_97 = tpu.memref_squeeze %dma_wait3A_96 : memref<1x128x128xf32, #tpu.memory_space<vmem>> -> memref<128x128xf32, #tpu.memory_space<vmem>>
    tpu.wait_dma2 semaphore(%arg14 : memref<!tpu.dma_semaphore, #tpu.memory_space<semaphore_mem>>) src(%dma_wait3A_97 : memref<128x128xf32, #tpu.memory_space<vmem>>) dst(%dma_wait3A_93 : memref<128x128xf32, #tpu.memory_space<hbm>>)
    %add3A_98 = arith.constant 20096 : i32
    %add3A_99 = arith.addi %add3A_22, %add3A_98 : i32
    %dma_wait3A_100 = arith.constant 1 : i32
    %dma_wait3A_101 = arith.constant 0 : i32
    %dma_wait3A_102 = arith.constant 0 : i32
    %dma_wait3A_103 = tpu.memref_slice %arg7[%dma_wait3A_100, %dma_wait3A_101, %dma_wait3A_102] : memref<4x128x128xf32, #tpu.memory_space<vmem>> -> memref<1x128x128xf32, #tpu.memory_space<vmem>>
    %dma_wait3A_104 = tpu.memref_squeeze %dma_wait3A_103 : memref<1x128x128xf32, #tpu.memory_space<vmem>> -> memref<128x128xf32, #tpu.memory_space<vmem>>
    %dma_wait3A_105 = arith.constant 0 : i32
    %dma_wait3A_106 = tpu.memref_slice %arg4[%add3A_99, %dma_wait3A_105] : memref<3276800x128xf32, #tpu.memory_space<hbm>> -> memref<128x128xf32, #tpu.memory_space<hbm>>
    %dma_wait3A_107 = arith.constant 0 : i32
    %dma_wait3A_108 = tpu.memref_slice %arg4[%add3A_99, %dma_wait3A_107] : memref<3276800x128xf32, #tpu.memory_space<hbm>> -> memref<128x128xf32, #tpu.memory_space<hbm>>
    %dma_wait3A_109 = arith.constant 0 : i32
    %dma_wait3A_110 = arith.constant 0 : i32
    %dma_wait3A_111 = tpu.memref_slice %arg7[%dma_wait3A_100, %dma_wait3A_109, %dma_wait3A_110] : memref<4x128x128xf32, #tpu.memory_space<vmem>> -> memref<1x128x128xf32, #tpu.memory_space<vmem>>
    %dma_wait3A_112 = tpu.memref_squeeze %dma_wait3A_111 : memref<1x128x128xf32, #tpu.memory_space<vmem>> -> memref<128x128xf32, #tpu.memory_space<vmem>>
    tpu.wait_dma2 semaphore(%arg15 : memref<!tpu.dma_semaphore, #tpu.memory_space<semaphore_mem>>) src(%dma_wait3A_112 : memref<128x128xf32, #tpu.memory_space<vmem>>) dst(%dma_wait3A_108 : memref<128x128xf32, #tpu.memory_space<hbm>>)
    %add3A_113 = arith.constant 20224 : i32
    %add3A_114 = arith.addi %add3A_22, %add3A_113 : i32
    %dma_wait3A_115 = arith.constant 2 : i32
    %dma_wait3A_116 = arith.constant 0 : i32
    %dma_wait3A_117 = arith.constant 0 : i32
    %dma_wait3A_118 = tpu.memref_slice %arg7[%dma_wait3A_115, %dma_wait3A_116, %dma_wait3A_117] : memref<4x128x128xf32, #tpu.memory_space<vmem>> -> memref<1x128x128xf32, #tpu.memory_space<vmem>>
    %dma_wait3A_119 = tpu.memref_squeeze %dma_wait3A_118 : memref<1x128x128xf32, #tpu.memory_space<vmem>> -> memref<128x128xf32, #tpu.memory_space<vmem>>
    %dma_wait3A_120 = arith.constant 0 : i32
    %dma_wait3A_121 = tpu.memref_slice %arg4[%add3A_114, %dma_wait3A_120] : memref<3276800x128xf32, #tpu.memory_space<hbm>> -> memref<128x128xf32, #tpu.memory_space<hbm>>
    %dma_wait3A_122 = arith.constant 0 : i32
    %dma_wait3A_123 = tpu.memref_slice %arg4[%add3A_114, %dma_wait3A_122] : memref<3276800x128xf32, #tpu.memory_space<hbm>> -> memref<128x128xf32, #tpu.memory_space<hbm>>
    %dma_wait3A_124 = arith.constant 0 : i32
    %dma_wait3A_125 = arith.constant 0 : i32
    %dma_wait3A_126 = tpu.memref_slice %arg7[%dma_wait3A_115, %dma_wait3A_124, %dma_wait3A_125] : memref<4x128x128xf32, #tpu.memory_space<vmem>> -> memref<1x128x128xf32, #tpu.memory_space<vmem>>
    %dma_wait3A_127 = tpu.memref_squeeze %dma_wait3A_126 : memref<1x128x128xf32, #tpu.memory_space<vmem>> -> memref<128x128xf32, #tpu.memory_space<vmem>>
    tpu.wait_dma2 semaphore(%arg16 : memref<!tpu.dma_semaphore, #tpu.memory_space<semaphore_mem>>) src(%dma_wait3A_127 : memref<128x128xf32, #tpu.memory_space<vmem>>) dst(%dma_wait3A_123 : memref<128x128xf32, #tpu.memory_space<hbm>>)
    %add3A_128 = arith.constant 20352 : i32
    %add3A_129 = arith.addi %add3A_22, %add3A_128 : i32
    %dma_wait3A_130 = arith.constant 3 : i32
    %dma_wait3A_131 = arith.constant 0 : i32
    %dma_wait3A_132 = arith.constant 0 : i32
    %dma_wait3A_133 = tpu.memref_slice %arg7[%dma_wait3A_130, %dma_wait3A_131, %dma_wait3A_132] : memref<4x128x128xf32, #tpu.memory_space<vmem>> -> memref<1x128x128xf32, #tpu.memory_space<vmem>>
    %dma_wait3A_134 = tpu.memref_squeeze %dma_wait3A_133 : memref<1x128x128xf32, #tpu.memory_space<vmem>> -> memref<128x128xf32, #tpu.memory_space<vmem>>
    %dma_wait3A_135 = arith.constant 0 : i32
    %dma_wait3A_136 = tpu.memref_slice %arg4[%add3A_129, %dma_wait3A_135] : memref<3276800x128xf32, #tpu.memory_space<hbm>> -> memref<128x128xf32, #tpu.memory_space<hbm>>
    %dma_wait3A_137 = arith.constant 0 : i32
    %dma_wait3A_138 = tpu.memref_slice %arg4[%add3A_129, %dma_wait3A_137] : memref<3276800x128xf32, #tpu.memory_space<hbm>> -> memref<128x128xf32, #tpu.memory_space<hbm>>
    %dma_wait3A_139 = arith.constant 0 : i32
    %dma_wait3A_140 = arith.constant 0 : i32
    %dma_wait3A_141 = tpu.memref_slice %arg7[%dma_wait3A_130, %dma_wait3A_139, %dma_wait3A_140] : memref<4x128x128xf32, #tpu.memory_space<vmem>> -> memref<1x128x128xf32, #tpu.memory_space<vmem>>
    %dma_wait3A_142 = tpu.memref_squeeze %dma_wait3A_141 : memref<1x128x128xf32, #tpu.memory_space<vmem>> -> memref<128x128xf32, #tpu.memory_space<vmem>>
    tpu.wait_dma2 semaphore(%arg17 : memref<!tpu.dma_semaphore, #tpu.memory_space<semaphore_mem>>) src(%dma_wait3A_142 : memref<128x128xf32, #tpu.memory_space<vmem>>) dst(%dma_wait3A_138 : memref<128x128xf32, #tpu.memory_space<hbm>>)
    %add3A_143 = arith.constant 20480 : i32
    %add3A_144 = arith.addi %mul3A_4, %add3A_143 : i32
    %add3A_145 = arith.constant 160 : i32
    %add3A_146 = arith.addi %mul3A_2, %add3A_145 : i32
    %dma_wait3A_147 = arith.constant 1 : i32
    %dma_wait3A_148 = arith.constant 0 : i32
    %dma_wait3A_149 = arith.constant 0 : i32
    %dma_wait3A_150 = tpu.memref_slice %arg6[%dma_wait3A_147, %dma_wait3A_148, %dma_wait3A_149] : memref<2x160x128xi32, #tpu.memory_space<vmem>> -> memref<1x160x128xi32, #tpu.memory_space<vmem>>
    %dma_wait3A_151 = tpu.memref_squeeze %dma_wait3A_150 : memref<1x160x128xi32, #tpu.memory_space<vmem>> -> memref<160x128xi32, #tpu.memory_space<vmem>>
    %dma_wait3A_152 = arith.constant 0 : i32
    %dma_wait3A_153 = tpu.memref_slice %arg2[%add3A_146, %dma_wait3A_152] : memref<25600x128xi32, #tpu.memory_space<hbm>> -> memref<160x128xi32, #tpu.memory_space<hbm>>
    %dma_wait3A_154 = arith.constant 0 : i32
    %dma_wait3A_155 = arith.constant 0 : i32
    %dma_wait3A_156 = tpu.memref_slice %arg6[%dma_wait3A_147, %dma_wait3A_154, %dma_wait3A_155] : memref<2x160x128xi32, #tpu.memory_space<vmem>> -> memref<1x160x128xi32, #tpu.memory_space<vmem>>
    %dma_wait3A_157 = tpu.memref_squeeze %dma_wait3A_156 : memref<1x160x128xi32, #tpu.memory_space<vmem>> -> memref<160x128xi32, #tpu.memory_space<vmem>>
    %dma_wait3A_158 = arith.constant 0 : i32
    %dma_wait3A_159 = tpu.memref_slice %arg2[%add3A_146, %dma_wait3A_158] : memref<25600x128xi32, #tpu.memory_space<hbm>> -> memref<160x128xi32, #tpu.memory_space<hbm>>
    tpu.wait_dma2 semaphore(%arg9 : memref<!tpu.dma_semaphore, #tpu.memory_space<semaphore_mem>>) src(%dma_wait3A_159 : memref<160x128xi32, #tpu.memory_space<hbm>>) dst(%dma_wait3A_157 : memref<160x128xi32, #tpu.memory_space<vmem>>)
    %add3A_160 = arith.constant 320 : i32
    %add3A_161 = arith.addi %mul3A_2, %add3A_160 : i32
    %dma_start3A_162 = arith.constant 0 : i32
    %dma_start3A_163 = arith.constant 0 : i32
    %dma_start3A_164 = arith.constant 0 : i32
    %dma_start3A_165 = tpu.memref_slice %arg6[%dma_start3A_162, %dma_start3A_163, %dma_start3A_164] : memref<2x160x128xi32, #tpu.memory_space<vmem>> -> memref<1x160x128xi32, #tpu.memory_space<vmem>>
    %dma_start3A_166 = tpu.memref_squeeze %dma_start3A_165 : memref<1x160x128xi32, #tpu.memory_space<vmem>> -> memref<160x128xi32, #tpu.memory_space<vmem>>
    %dma_start3A_167 = arith.constant 0 : i32
    %dma_start3A_168 = tpu.memref_slice %arg2[%add3A_161, %dma_start3A_167] : memref<25600x128xi32, #tpu.memory_space<hbm>> -> memref<160x128xi32, #tpu.memory_space<hbm>>
    %dma_start3A_169 = arith.constant 0 : i32
    %dma_start3A_170 = arith.constant 0 : i32
    %dma_start3A_171 = tpu.memref_slice %arg6[%dma_start3A_162, %dma_start3A_169, %dma_start3A_170] : memref<2x160x128xi32, #tpu.memory_space<vmem>> -> memref<1x160x128xi32, #tpu.memory_space<vmem>>
    %dma_start3A_172 = tpu.memref_squeeze %dma_start3A_171 : memref<1x160x128xi32, #tpu.memory_space<vmem>> -> memref<160x128xi32, #tpu.memory_space<vmem>>
    %dma_start3A_173 = arith.constant 0 : i32
    %dma_start3A_174 = tpu.memref_slice %arg2[%add3A_161, %dma_start3A_173] : memref<25600x128xi32, #tpu.memory_space<hbm>> -> memref<160x128xi32, #tpu.memory_space<hbm>>
    tpu.enqueue_dma source(%dma_start3A_174 : memref<160x128xi32, #tpu.memory_space<hbm>>) target(%dma_start3A_172 : memref<160x128xi32, #tpu.memory_space<vmem>>) target_semaphore(%arg8 : memref<!tpu.dma_semaphore, #tpu.memory_space<semaphore_mem>>)
    %dma_start3A_175 = arith.constant 1 : i32
    %dma_start3A_176 = arith.constant 0 : i32
    %dma_start3A_177 = arith.constant 0 : i32
    %dma_start3A_178 = arith.constant 0 : i32
    %dma_start3A_179 = arith.constant 0 : i32
    %dma_start3A_180 = tpu.memref_slice %arg7[%dma_start3A_177, %dma_start3A_178, %dma_start3A_179] : memref<4x128x128xf32, #tpu.memory_space<vmem>> -> memref<1x128x128xf32, #tpu.memory_space<vmem>>
    %dma_start3A_181 = tpu.memref_squeeze %dma_start3A_180 : memref<1x128x128xf32, #tpu.memory_space<vmem>> -> memref<128x128xf32, #tpu.memory_space<vmem>>
    %dma_start3A_182 = arith.constant 0 : i32
    %dma_start3A_183 = tpu.memref_slice %arg6[%dma_start3A_175, %dma_start3A_176, %dma_start3A_182] : memref<2x160x128xi32, #tpu.memory_space<vmem>> -> memref<1x1x128xi32, #tpu.memory_space<vmem>>
    %dma_start3A_184 = tpu.memref_squeeze %dma_start3A_183 : memref<1x1x128xi32, #tpu.memory_space<vmem>> -> memref<128xi32, #tpu.memory_space<vmem>>
    %dma_start3A_185 = arith.constant 0 : i32
    %dma_start3A_186 = arith.constant 0 : i32
    %dma_start3A_187 = tpu.memref_slice %arg5[%dma_start3A_185, %dma_start3A_186] : memref<128x128xf32, #tpu.memory_space<vmem_shared>> -> memref<128x128xf32, #tpu.memory_space<vmem_shared>>
    tpu.enqueue_indirect_dma source(%dma_start3A_187 : memref<128x128xf32, #tpu.memory_space<vmem_shared>>) target(%dma_start3A_181 : memref<128x128xf32, #tpu.memory_space<vmem>>) offsets(%dma_start3A_184 : memref<128xi32, #tpu.memory_space<vmem>>) semaphore(%arg10 : memref<!tpu.dma_semaphore, #tpu.memory_space<semaphore_mem>>)
    %dma_start3A_188 = arith.constant 1 : i32
    %dma_start3A_189 = arith.constant 1 : i32
    %dma_start3A_190 = arith.constant 1 : i32
    %dma_start3A_191 = arith.constant 0 : i32
    %dma_start3A_192 = arith.constant 0 : i32
    %dma_start3A_193 = tpu.memref_slice %arg7[%dma_start3A_190, %dma_start3A_191, %dma_start3A_192] : memref<4x128x128xf32, #tpu.memory_space<vmem>> -> memref<1x128x128xf32, #tpu.memory_space<vmem>>
    %dma_start3A_194 = tpu.memref_squeeze %dma_start3A_193 : memref<1x128x128xf32, #tpu.memory_space<vmem>> -> memref<128x128xf32, #tpu.memory_space<vmem>>
    %dma_start3A_195 = arith.constant 0 : i32
    %dma_start3A_196 = tpu.memref_slice %arg6[%dma_start3A_188, %dma_start3A_189, %dma_start3A_195] : memref<2x160x128xi32, #tpu.memory_space<vmem>> -> memref<1x1x128xi32, #tpu.memory_space<vmem>>
    %dma_start3A_197 = tpu.memref_squeeze %dma_start3A_196 : memref<1x1x128xi32, #tpu.memory_space<vmem>> -> memref<128xi32, #tpu.memory_space<vmem>>
    %dma_start3A_198 = arith.constant 0 : i32
    %dma_start3A_199 = arith.constant 0 : i32
    %dma_start3A_200 = tpu.memref_slice %arg5[%dma_start3A_198, %dma_start3A_199] : memref<128x128xf32, #tpu.memory_space<vmem_shared>> -> memref<128x128xf32, #tpu.memory_space<vmem_shared>>
    tpu.enqueue_indirect_dma source(%dma_start3A_200 : memref<128x128xf32, #tpu.memory_space<vmem_shared>>) target(%dma_start3A_194 : memref<128x128xf32, #tpu.memory_space<vmem>>) offsets(%dma_start3A_197 : memref<128xi32, #tpu.memory_space<vmem>>) semaphore(%arg11 : memref<!tpu.dma_semaphore, #tpu.memory_space<semaphore_mem>>)
    %scan3A_201 = arith.constant 0 : i32
    %scan3A_202 = arith.constant 0 : i32
    %scan3A_203 = arith.constant 40 : i32
    %scan3A_204 = arith.addi %scan3A_202, %scan3A_203 : i32
    %scan3A_205 = arith.constant 1 : i32
    scf.for %scan3A_624 = %scan3A_202 to %scan3A_204 step %scan3A_205  : i32 {
      %mul3A_625 = arith.constant 4 : i32
      %mul3A_626 = arith.muli %scan3A_624, %mul3A_625 : i32
      %add3A_627 = arith.constant 0 : i32
      %add3A_628 = arith.addi %mul3A_626, %add3A_627 : i32
      %add3A_629 = arith.constant 2 : i32
      %add3A_630 = arith.addi %add3A_628, %add3A_629 : i32
      %lt3A = arith.constant 160 : i32
      %lt3A_631 = arith.cmpi slt, %add3A_630, %lt3A : i32
      %convert_element_type3A_632 = arith.extui %lt3A_631 : i1 to i32
      %cond3A_633 = arith.constant 0 : i32
      %cond3A_634 = arith.cmpi ne, %convert_element_type3A_632, %cond3A_633 : i32
      scf.if %cond3A_634 {
        %ge3A = arith.constant 2 : i32
        %ge3A_780 = arith.cmpi sge, %add3A_628, %ge3A : i32
        %convert_element_type3A_781 = arith.extui %ge3A_780 : i1 to i32
        %cond3A_782 = arith.constant 0 : i32
        %cond3A_783 = arith.cmpi ne, %convert_element_type3A_781, %cond3A_782 : i32
        scf.if %cond3A_783 {
          %sub3A = arith.constant 2 : i32
          %sub3A_798 = arith.subi %add3A_628, %sub3A : i32
          %mul3A_799 = arith.constant 128 : i32
          %mul3A_800 = arith.muli %sub3A_798, %mul3A_799 : i32
          %add3A_801 = arith.addi %add3A_144, %mul3A_800 : i32
          %dma_wait3A_802 = arith.constant 2 : i32
          %dma_wait3A_803 = arith.constant 0 : i32
          %dma_wait3A_804 = arith.constant 0 : i32
          %dma_wait3A_805 = tpu.memref_slice %arg7[%dma_wait3A_802, %dma_wait3A_803, %dma_wait3A_804] : memref<4x128x128xf32, #tpu.memory_space<vmem>> -> memref<1x128x128xf32, #tpu.memory_space<vmem>>
          %dma_wait3A_806 = tpu.memref_squeeze %dma_wait3A_805 : memref<1x128x128xf32, #tpu.memory_space<vmem>> -> memref<128x128xf32, #tpu.memory_space<vmem>>
          %dma_wait3A_807 = arith.constant 0 : i32
          %dma_wait3A_808 = tpu.memref_slice %arg4[%add3A_801, %dma_wait3A_807] : memref<3276800x128xf32, #tpu.memory_space<hbm>> -> memref<128x128xf32, #tpu.memory_space<hbm>>
          %dma_wait3A_809 = arith.constant 0 : i32
          %dma_wait3A_810 = tpu.memref_slice %arg4[%add3A_801, %dma_wait3A_809] : memref<3276800x128xf32, #tpu.memory_space<hbm>> -> memref<128x128xf32, #tpu.memory_space<hbm>>
          %dma_wait3A_811 = arith.constant 0 : i32
          %dma_wait3A_812 = arith.constant 0 : i32
          %dma_wait3A_813 = tpu.memref_slice %arg7[%dma_wait3A_802, %dma_wait3A_811, %dma_wait3A_812] : memref<4x128x128xf32, #tpu.memory_space<vmem>> -> memref<1x128x128xf32, #tpu.memory_space<vmem>>
          %dma_wait3A_814 = tpu.memref_squeeze %dma_wait3A_813 : memref<1x128x128xf32, #tpu.memory_space<vmem>> -> memref<128x128xf32, #tpu.memory_space<vmem>>
          tpu.wait_dma2 semaphore(%arg16 : memref<!tpu.dma_semaphore, #tpu.memory_space<semaphore_mem>>) src(%dma_wait3A_814 : memref<128x128xf32, #tpu.memory_space<vmem>>) dst(%dma_wait3A_810 : memref<128x128xf32, #tpu.memory_space<hbm>>)
        } else {
        }
        %add3A_784 = arith.constant 2 : i32
        %add3A_785 = arith.addi %add3A_628, %add3A_784 : i32
        %dma_start3A_786 = arith.constant 1 : i32
        %dma_start3A_787 = arith.constant 2 : i32
        %dma_start3A_788 = arith.constant 0 : i32
        %dma_start3A_789 = arith.constant 0 : i32
        %dma_start3A_790 = tpu.memref_slice %arg7[%dma_start3A_787, %dma_start3A_788, %dma_start3A_789] : memref<4x128x128xf32, #tpu.memory_space<vmem>> -> memref<1x128x128xf32, #tpu.memory_space<vmem>>
        %dma_start3A_791 = tpu.memref_squeeze %dma_start3A_790 : memref<1x128x128xf32, #tpu.memory_space<vmem>> -> memref<128x128xf32, #tpu.memory_space<vmem>>
        %dma_start3A_792 = arith.constant 0 : i32
        %dma_start3A_793 = tpu.memref_slice %arg6[%dma_start3A_786, %add3A_785, %dma_start3A_792] : memref<2x160x128xi32, #tpu.memory_space<vmem>> -> memref<1x1x128xi32, #tpu.memory_space<vmem>>
        %dma_start3A_794 = tpu.memref_squeeze %dma_start3A_793 : memref<1x1x128xi32, #tpu.memory_space<vmem>> -> memref<128xi32, #tpu.memory_space<vmem>>
        %dma_start3A_795 = arith.constant 0 : i32
        %dma_start3A_796 = arith.constant 0 : i32
        %dma_start3A_797 = tpu.memref_slice %arg5[%dma_start3A_795, %dma_start3A_796] : memref<128x128xf32, #tpu.memory_space<vmem_shared>> -> memref<128x128xf32, #tpu.memory_space<vmem_shared>>
        tpu.enqueue_indirect_dma source(%dma_start3A_797 : memref<128x128xf32, #tpu.memory_space<vmem_shared>>) target(%dma_start3A_791 : memref<128x128xf32, #tpu.memory_space<vmem>>) offsets(%dma_start3A_794 : memref<128xi32, #tpu.memory_space<vmem>>) semaphore(%arg12 : memref<!tpu.dma_semaphore, #tpu.memory_space<semaphore_mem>>)
      } else {
      }
      %dma_wait3A_635 = arith.constant 1 : i32
      %dma_wait3A_636 = arith.constant 0 : i32
      %dma_wait3A_637 = arith.constant 0 : i32
      %dma_wait3A_638 = arith.constant 0 : i32
      %dma_wait3A_639 = tpu.memref_slice %arg7[%dma_wait3A_636, %dma_wait3A_637, %dma_wait3A_638] : memref<4x128x128xf32, #tpu.memory_space<vmem>> -> memref<1x128x128xf32, #tpu.memory_space<vmem>>
      %dma_wait3A_640 = tpu.memref_squeeze %dma_wait3A_639 : memref<1x128x128xf32, #tpu.memory_space<vmem>> -> memref<128x128xf32, #tpu.memory_space<vmem>>
      %dma_wait3A_641 = arith.constant 0 : i32
      %dma_wait3A_642 = tpu.memref_slice %arg6[%dma_wait3A_635, %add3A_628, %dma_wait3A_641] : memref<2x160x128xi32, #tpu.memory_space<vmem>> -> memref<1x1x128xi32, #tpu.memory_space<vmem>>
      %dma_wait3A_643 = tpu.memref_squeeze %dma_wait3A_642 : memref<1x1x128xi32, #tpu.memory_space<vmem>> -> memref<128xi32, #tpu.memory_space<vmem>>
      %dma_wait3A_644 = arith.constant 0 : i32
      %dma_wait3A_645 = arith.constant 0 : i32
      %dma_wait3A_646 = tpu.memref_slice %arg5[%dma_wait3A_644, %dma_wait3A_645] : memref<128x128xf32, #tpu.memory_space<vmem_shared>> -> memref<128x128xf32, #tpu.memory_space<vmem_shared>>
      tpu.wait_indirect_dma semaphore(%arg10 : memref<!tpu.dma_semaphore, #tpu.memory_space<semaphore_mem>>) src(%dma_wait3A_646 : memref<128x128xf32, #tpu.memory_space<vmem_shared>>) dst(%dma_wait3A_640 : memref<128x128xf32, #tpu.memory_space<vmem>>)
      %mul3A_647 = arith.constant 128 : i32
      %mul3A_648 = arith.muli %add3A_628, %mul3A_647 : i32
      %add3A_649 = arith.addi %add3A_144, %mul3A_648 : i32
      %dma_start3A_650 = arith.constant 0 : i32
      %dma_start3A_651 = arith.constant 0 : i32
      %dma_start3A_652 = arith.constant 0 : i32
      %dma_start3A_653 = tpu.memref_slice %arg7[%dma_start3A_650, %dma_start3A_651, %dma_start3A_652] : memref<4x128x128xf32, #tpu.memory_space<vmem>> -> memref<1x128x128xf32, #tpu.memory_space<vmem>>
      %dma_start3A_654 = tpu.memref_squeeze %dma_start3A_653 : memref<1x128x128xf32, #tpu.memory_space<vmem>> -> memref<128x128xf32, #tpu.memory_space<vmem>>
      %dma_start3A_655 = arith.constant 0 : i32
      %dma_start3A_656 = tpu.memref_slice %arg4[%add3A_649, %dma_start3A_655] : memref<3276800x128xf32, #tpu.memory_space<hbm>> -> memref<128x128xf32, #tpu.memory_space<hbm>>
      %dma_start3A_657 = arith.constant 0 : i32
      %dma_start3A_658 = tpu.memref_slice %arg4[%add3A_649, %dma_start3A_657] : memref<3276800x128xf32, #tpu.memory_space<hbm>> -> memref<128x128xf32, #tpu.memory_space<hbm>>
      %dma_start3A_659 = arith.constant 0 : i32
      %dma_start3A_660 = arith.constant 0 : i32
      %dma_start3A_661 = tpu.memref_slice %arg7[%dma_start3A_650, %dma_start3A_659, %dma_start3A_660] : memref<4x128x128xf32, #tpu.memory_space<vmem>> -> memref<1x128x128xf32, #tpu.memory_space<vmem>>
      %dma_start3A_662 = tpu.memref_squeeze %dma_start3A_661 : memref<1x128x128xf32, #tpu.memory_space<vmem>> -> memref<128x128xf32, #tpu.memory_space<vmem>>
      tpu.enqueue_dma source(%dma_start3A_662 : memref<128x128xf32, #tpu.memory_space<vmem>>) target(%dma_start3A_658 : memref<128x128xf32, #tpu.memory_space<hbm>>) target_semaphore(%arg14 : memref<!tpu.dma_semaphore, #tpu.memory_space<semaphore_mem>>)
      %mul3A_663 = arith.constant 4 : i32
      %mul3A_664 = arith.muli %scan3A_624, %mul3A_663 : i32
      %add3A_665 = arith.constant 1 : i32
      %add3A_666 = arith.addi %mul3A_664, %add3A_665 : i32
      %add3A_667 = arith.constant 2 : i32
      %add3A_668 = arith.addi %add3A_666, %add3A_667 : i32
      %lt3A_669 = arith.constant 160 : i32
      %lt3A_670 = arith.cmpi slt, %add3A_668, %lt3A_669 : i32
      %convert_element_type3A_671 = arith.extui %lt3A_670 : i1 to i32
      %cond3A_672 = arith.constant 0 : i32
      %cond3A_673 = arith.cmpi ne, %convert_element_type3A_671, %cond3A_672 : i32
      scf.if %cond3A_673 {
        %ge3A = arith.constant 2 : i32
        %ge3A_780 = arith.cmpi sge, %add3A_666, %ge3A : i32
        %convert_element_type3A_781 = arith.extui %ge3A_780 : i1 to i32
        %cond3A_782 = arith.constant 0 : i32
        %cond3A_783 = arith.cmpi ne, %convert_element_type3A_781, %cond3A_782 : i32
        scf.if %cond3A_783 {
          %sub3A = arith.constant 2 : i32
          %sub3A_798 = arith.subi %add3A_666, %sub3A : i32
          %mul3A_799 = arith.constant 128 : i32
          %mul3A_800 = arith.muli %sub3A_798, %mul3A_799 : i32
          %add3A_801 = arith.addi %add3A_144, %mul3A_800 : i32
          %dma_wait3A_802 = arith.constant 3 : i32
          %dma_wait3A_803 = arith.constant 0 : i32
          %dma_wait3A_804 = arith.constant 0 : i32
          %dma_wait3A_805 = tpu.memref_slice %arg7[%dma_wait3A_802, %dma_wait3A_803, %dma_wait3A_804] : memref<4x128x128xf32, #tpu.memory_space<vmem>> -> memref<1x128x128xf32, #tpu.memory_space<vmem>>
          %dma_wait3A_806 = tpu.memref_squeeze %dma_wait3A_805 : memref<1x128x128xf32, #tpu.memory_space<vmem>> -> memref<128x128xf32, #tpu.memory_space<vmem>>
          %dma_wait3A_807 = arith.constant 0 : i32
          %dma_wait3A_808 = tpu.memref_slice %arg4[%add3A_801, %dma_wait3A_807] : memref<3276800x128xf32, #tpu.memory_space<hbm>> -> memref<128x128xf32, #tpu.memory_space<hbm>>
          %dma_wait3A_809 = arith.constant 0 : i32
          %dma_wait3A_810 = tpu.memref_slice %arg4[%add3A_801, %dma_wait3A_809] : memref<3276800x128xf32, #tpu.memory_space<hbm>> -> memref<128x128xf32, #tpu.memory_space<hbm>>
          %dma_wait3A_811 = arith.constant 0 : i32
          %dma_wait3A_812 = arith.constant 0 : i32
          %dma_wait3A_813 = tpu.memref_slice %arg7[%dma_wait3A_802, %dma_wait3A_811, %dma_wait3A_812] : memref<4x128x128xf32, #tpu.memory_space<vmem>> -> memref<1x128x128xf32, #tpu.memory_space<vmem>>
          %dma_wait3A_814 = tpu.memref_squeeze %dma_wait3A_813 : memref<1x128x128xf32, #tpu.memory_space<vmem>> -> memref<128x128xf32, #tpu.memory_space<vmem>>
          tpu.wait_dma2 semaphore(%arg17 : memref<!tpu.dma_semaphore, #tpu.memory_space<semaphore_mem>>) src(%dma_wait3A_814 : memref<128x128xf32, #tpu.memory_space<vmem>>) dst(%dma_wait3A_810 : memref<128x128xf32, #tpu.memory_space<hbm>>)
        } else {
        }
        %add3A_784 = arith.constant 2 : i32
        %add3A_785 = arith.addi %add3A_666, %add3A_784 : i32
        %dma_start3A_786 = arith.constant 1 : i32
        %dma_start3A_787 = arith.constant 3 : i32
        %dma_start3A_788 = arith.constant 0 : i32
        %dma_start3A_789 = arith.constant 0 : i32
        %dma_start3A_790 = tpu.memref_slice %arg7[%dma_start3A_787, %dma_start3A_788, %dma_start3A_789] : memref<4x128x128xf32, #tpu.memory_space<vmem>> -> memref<1x128x128xf32, #tpu.memory_space<vmem>>
        %dma_start3A_791 = tpu.memref_squeeze %dma_start3A_790 : memref<1x128x128xf32, #tpu.memory_space<vmem>> -> memref<128x128xf32, #tpu.memory_space<vmem>>
        %dma_start3A_792 = arith.constant 0 : i32
        %dma_start3A_793 = tpu.memref_slice %arg6[%dma_start3A_786, %add3A_785, %dma_start3A_792] : memref<2x160x128xi32, #tpu.memory_space<vmem>> -> memref<1x1x128xi32, #tpu.memory_space<vmem>>
        %dma_start3A_794 = tpu.memref_squeeze %dma_start3A_793 : memref<1x1x128xi32, #tpu.memory_space<vmem>> -> memref<128xi32, #tpu.memory_space<vmem>>
        %dma_start3A_795 = arith.constant 0 : i32
        %dma_start3A_796 = arith.constant 0 : i32
        %dma_start3A_797 = tpu.memref_slice %arg5[%dma_start3A_795, %dma_start3A_796] : memref<128x128xf32, #tpu.memory_space<vmem_shared>> -> memref<128x128xf32, #tpu.memory_space<vmem_shared>>
        tpu.enqueue_indirect_dma source(%dma_start3A_797 : memref<128x128xf32, #tpu.memory_space<vmem_shared>>) target(%dma_start3A_791 : memref<128x128xf32, #tpu.memory_space<vmem>>) offsets(%dma_start3A_794 : memref<128xi32, #tpu.memory_space<vmem>>) semaphore(%arg13 : memref<!tpu.dma_semaphore, #tpu.memory_space<semaphore_mem>>)
      } else {
      }
      %dma_wait3A_674 = arith.constant 1 : i32
      %dma_wait3A_675 = arith.constant 1 : i32
      %dma_wait3A_676 = arith.constant 0 : i32
      %dma_wait3A_677 = arith.constant 0 : i32
      %dma_wait3A_678 = tpu.memref_slice %arg7[%dma_wait3A_675, %dma_wait3A_676, %dma_wait3A_677] : memref<4x128x128xf32, #tpu.memory_space<vmem>> -> memref<1x128x128xf32, #tpu.memory_space<vmem>>
      %dma_wait3A_679 = tpu.memref_squeeze %dma_wait3A_678 : memref<1x128x128xf32, #tpu.memory_space<vmem>> -> memref<128x128xf32, #tpu.memory_space<vmem>>
      %dma_wait3A_680 = arith.constant 0 : i32
      %dma_wait3A_681 = tpu.memref_slice %arg6[%dma_wait3A_674, %add3A_666, %dma_wait3A_680] : memref<2x160x128xi32, #tpu.memory_space<vmem>> -> memref<1x1x128xi32, #tpu.memory_space<vmem>>
      %dma_wait3A_682 = tpu.memref_squeeze %dma_wait3A_681 : memref<1x1x128xi32, #tpu.memory_space<vmem>> -> memref<128xi32, #tpu.memory_space<vmem>>
      %dma_wait3A_683 = arith.constant 0 : i32
      %dma_wait3A_684 = arith.constant 0 : i32
      %dma_wait3A_685 = tpu.memref_slice %arg5[%dma_wait3A_683, %dma_wait3A_684] : memref<128x128xf32, #tpu.memory_space<vmem_shared>> -> memref<128x128xf32, #tpu.memory_space<vmem_shared>>
      tpu.wait_indirect_dma semaphore(%arg11 : memref<!tpu.dma_semaphore, #tpu.memory_space<semaphore_mem>>) src(%dma_wait3A_685 : memref<128x128xf32, #tpu.memory_space<vmem_shared>>) dst(%dma_wait3A_679 : memref<128x128xf32, #tpu.memory_space<vmem>>)
      %mul3A_686 = arith.constant 128 : i32
      %mul3A_687 = arith.muli %add3A_666, %mul3A_686 : i32
      %add3A_688 = arith.addi %add3A_144, %mul3A_687 : i32
      %dma_start3A_689 = arith.constant 1 : i32
      %dma_start3A_690 = arith.constant 0 : i32
      %dma_start3A_691 = arith.constant 0 : i32
      %dma_start3A_692 = tpu.memref_slice %arg7[%dma_start3A_689, %dma_start3A_690, %dma_start3A_691] : memref<4x128x128xf32, #tpu.memory_space<vmem>> -> memref<1x128x128xf32, #tpu.memory_space<vmem>>
      %dma_start3A_693 = tpu.memref_squeeze %dma_start3A_692 : memref<1x128x128xf32, #tpu.memory_space<vmem>> -> memref<128x128xf32, #tpu.memory_space<vmem>>
      %dma_start3A_694 = arith.constant 0 : i32
      %dma_start3A_695 = tpu.memref_slice %arg4[%add3A_688, %dma_start3A_694] : memref<3276800x128xf32, #tpu.memory_space<hbm>> -> memref<128x128xf32, #tpu.memory_space<hbm>>
      %dma_start3A_696 = arith.constant 0 : i32
      %dma_start3A_697 = tpu.memref_slice %arg4[%add3A_688, %dma_start3A_696] : memref<3276800x128xf32, #tpu.memory_space<hbm>> -> memref<128x128xf32, #tpu.memory_space<hbm>>
      %dma_start3A_698 = arith.constant 0 : i32
      %dma_start3A_699 = arith.constant 0 : i32
      %dma_start3A_700 = tpu.memref_slice %arg7[%dma_start3A_689, %dma_start3A_698, %dma_start3A_699] : memref<4x128x128xf32, #tpu.memory_space<vmem>> -> memref<1x128x128xf32, #tpu.memory_space<vmem>>
      %dma_start3A_701 = tpu.memref_squeeze %dma_start3A_700 : memref<1x128x128xf32, #tpu.memory_space<vmem>> -> memref<128x128xf32, #tpu.memory_space<vmem>>
      tpu.enqueue_dma source(%dma_start3A_701 : memref<128x128xf32, #tpu.memory_space<vmem>>) target(%dma_start3A_697 : memref<128x128xf32, #tpu.memory_space<hbm>>) target_semaphore(%arg15 : memref<!tpu.dma_semaphore, #tpu.memory_space<semaphore_mem>>)
      %mul3A_702 = arith.constant 4 : i32
      %mul3A_703 = arith.muli %scan3A_624, %mul3A_702 : i32
      %add3A_704 = arith.constant 2 : i32
      %add3A_705 = arith.addi %mul3A_703, %add3A_704 : i32
      %add3A_706 = arith.constant 2 : i32
      %add3A_707 = arith.addi %add3A_705, %add3A_706 : i32
      %lt3A_708 = arith.constant 160 : i32
      %lt3A_709 = arith.cmpi slt, %add3A_707, %lt3A_708 : i32
      %convert_element_type3A_710 = arith.extui %lt3A_709 : i1 to i32
      %cond3A_711 = arith.constant 0 : i32
      %cond3A_712 = arith.cmpi ne, %convert_element_type3A_710, %cond3A_711 : i32
      scf.if %cond3A_712 {
        %ge3A = arith.constant 2 : i32
        %ge3A_780 = arith.cmpi sge, %add3A_705, %ge3A : i32
        %convert_element_type3A_781 = arith.extui %ge3A_780 : i1 to i32
        %cond3A_782 = arith.constant 0 : i32
        %cond3A_783 = arith.cmpi ne, %convert_element_type3A_781, %cond3A_782 : i32
        scf.if %cond3A_783 {
          %sub3A = arith.constant 2 : i32
          %sub3A_798 = arith.subi %add3A_705, %sub3A : i32
          %mul3A_799 = arith.constant 128 : i32
          %mul3A_800 = arith.muli %sub3A_798, %mul3A_799 : i32
          %add3A_801 = arith.addi %add3A_144, %mul3A_800 : i32
          %dma_wait3A_802 = arith.constant 0 : i32
          %dma_wait3A_803 = arith.constant 0 : i32
          %dma_wait3A_804 = arith.constant 0 : i32
          %dma_wait3A_805 = tpu.memref_slice %arg7[%dma_wait3A_802, %dma_wait3A_803, %dma_wait3A_804] : memref<4x128x128xf32, #tpu.memory_space<vmem>> -> memref<1x128x128xf32, #tpu.memory_space<vmem>>
          %dma_wait3A_806 = tpu.memref_squeeze %dma_wait3A_805 : memref<1x128x128xf32, #tpu.memory_space<vmem>> -> memref<128x128xf32, #tpu.memory_space<vmem>>
          %dma_wait3A_807 = arith.constant 0 : i32
          %dma_wait3A_808 = tpu.memref_slice %arg4[%add3A_801, %dma_wait3A_807] : memref<3276800x128xf32, #tpu.memory_space<hbm>> -> memref<128x128xf32, #tpu.memory_space<hbm>>
          %dma_wait3A_809 = arith.constant 0 : i32
          %dma_wait3A_810 = tpu.memref_slice %arg4[%add3A_801, %dma_wait3A_809] : memref<3276800x128xf32, #tpu.memory_space<hbm>> -> memref<128x128xf32, #tpu.memory_space<hbm>>
          %dma_wait3A_811 = arith.constant 0 : i32
          %dma_wait3A_812 = arith.constant 0 : i32
          %dma_wait3A_813 = tpu.memref_slice %arg7[%dma_wait3A_802, %dma_wait3A_811, %dma_wait3A_812] : memref<4x128x128xf32, #tpu.memory_space<vmem>> -> memref<1x128x128xf32, #tpu.memory_space<vmem>>
          %dma_wait3A_814 = tpu.memref_squeeze %dma_wait3A_813 : memref<1x128x128xf32, #tpu.memory_space<vmem>> -> memref<128x128xf32, #tpu.memory_space<vmem>>
          tpu.wait_dma2 semaphore(%arg14 : memref<!tpu.dma_semaphore, #tpu.memory_space<semaphore_mem>>) src(%dma_wait3A_814 : memref<128x128xf32, #tpu.memory_space<vmem>>) dst(%dma_wait3A_810 : memref<128x128xf32, #tpu.memory_space<hbm>>)
        } else {
        }
        %add3A_784 = arith.constant 2 : i32
        %add3A_785 = arith.addi %add3A_705, %add3A_784 : i32
        %dma_start3A_786 = arith.constant 1 : i32
        %dma_start3A_787 = arith.constant 0 : i32
        %dma_start3A_788 = arith.constant 0 : i32
        %dma_start3A_789 = arith.constant 0 : i32
        %dma_start3A_790 = tpu.memref_slice %arg7[%dma_start3A_787, %dma_start3A_788, %dma_start3A_789] : memref<4x128x128xf32, #tpu.memory_space<vmem>> -> memref<1x128x128xf32, #tpu.memory_space<vmem>>
        %dma_start3A_791 = tpu.memref_squeeze %dma_start3A_790 : memref<1x128x128xf32, #tpu.memory_space<vmem>> -> memref<128x128xf32, #tpu.memory_space<vmem>>
        %dma_start3A_792 = arith.constant 0 : i32
        %dma_start3A_793 = tpu.memref_slice %arg6[%dma_start3A_786, %add3A_785, %dma_start3A_792] : memref<2x160x128xi32, #tpu.memory_space<vmem>> -> memref<1x1x128xi32, #tpu.memory_space<vmem>>
        %dma_start3A_794 = tpu.memref_squeeze %dma_start3A_793 : memref<1x1x128xi32, #tpu.memory_space<vmem>> -> memref<128xi32, #tpu.memory_space<vmem>>
        %dma_start3A_795 = arith.constant 0 : i32
        %dma_start3A_796 = arith.constant 0 : i32
        %dma_start3A_797 = tpu.memref_slice %arg5[%dma_start3A_795, %dma_start3A_796] : memref<128x128xf32, #tpu.memory_space<vmem_shared>> -> memref<128x128xf32, #tpu.memory_space<vmem_shared>>
        tpu.enqueue_indirect_dma source(%dma_start3A_797 : memref<128x128xf32, #tpu.memory_space<vmem_shared>>) target(%dma_start3A_791 : memref<128x128xf32, #tpu.memory_space<vmem>>) offsets(%dma_start3A_794 : memref<128xi32, #tpu.memory_space<vmem>>) semaphore(%arg10 : memref<!tpu.dma_semaphore, #tpu.memory_space<semaphore_mem>>)
      } else {
      }
      %dma_wait3A_713 = arith.constant 1 : i32
      %dma_wait3A_714 = arith.constant 2 : i32
      %dma_wait3A_715 = arith.constant 0 : i32
      %dma_wait3A_716 = arith.constant 0 : i32
      %dma_wait3A_717 = tpu.memref_slice %arg7[%dma_wait3A_714, %dma_wait3A_715, %dma_wait3A_716] : memref<4x128x128xf32, #tpu.memory_space<vmem>> -> memref<1x128x128xf32, #tpu.memory_space<vmem>>
      %dma_wait3A_718 = tpu.memref_squeeze %dma_wait3A_717 : memref<1x128x128xf32, #tpu.memory_space<vmem>> -> memref<128x128xf32, #tpu.memory_space<vmem>>
      %dma_wait3A_719 = arith.constant 0 : i32
      %dma_wait3A_720 = tpu.memref_slice %arg6[%dma_wait3A_713, %add3A_705, %dma_wait3A_719] : memref<2x160x128xi32, #tpu.memory_space<vmem>> -> memref<1x1x128xi32, #tpu.memory_space<vmem>>
      %dma_wait3A_721 = tpu.memref_squeeze %dma_wait3A_720 : memref<1x1x128xi32, #tpu.memory_space<vmem>> -> memref<128xi32, #tpu.memory_space<vmem>>
      %dma_wait3A_722 = arith.constant 0 : i32
      %dma_wait3A_723 = arith.constant 0 : i32
      %dma_wait3A_724 = tpu.memref_slice %arg5[%dma_wait3A_722, %dma_wait3A_723] : memref<128x128xf32, #tpu.memory_space<vmem_shared>> -> memref<128x128xf32, #tpu.memory_space<vmem_shared>>
      tpu.wait_indirect_dma semaphore(%arg12 : memref<!tpu.dma_semaphore, #tpu.memory_space<semaphore_mem>>) src(%dma_wait3A_724 : memref<128x128xf32, #tpu.memory_space<vmem_shared>>) dst(%dma_wait3A_718 : memref<128x128xf32, #tpu.memory_space<vmem>>)
      %mul3A_725 = arith.constant 128 : i32
      %mul3A_726 = arith.muli %add3A_705, %mul3A_725 : i32
      %add3A_727 = arith.addi %add3A_144, %mul3A_726 : i32
      %dma_start3A_728 = arith.constant 2 : i32
      %dma_start3A_729 = arith.constant 0 : i32
      %dma_start3A_730 = arith.constant 0 : i32
      %dma_start3A_731 = tpu.memref_slice %arg7[%dma_start3A_728, %dma_start3A_729, %dma_start3A_730] : memref<4x128x128xf32, #tpu.memory_space<vmem>> -> memref<1x128x128xf32, #tpu.memory_space<vmem>>
      %dma_start3A_732 = tpu.memref_squeeze %dma_start3A_731 : memref<1x128x128xf32, #tpu.memory_space<vmem>> -> memref<128x128xf32, #tpu.memory_space<vmem>>
      %dma_start3A_733 = arith.constant 0 : i32
      %dma_start3A_734 = tpu.memref_slice %arg4[%add3A_727, %dma_start3A_733] : memref<3276800x128xf32, #tpu.memory_space<hbm>> -> memref<128x128xf32, #tpu.memory_space<hbm>>
      %dma_start3A_735 = arith.constant 0 : i32
      %dma_start3A_736 = tpu.memref_slice %arg4[%add3A_727, %dma_start3A_735] : memref<3276800x128xf32, #tpu.memory_space<hbm>> -> memref<128x128xf32, #tpu.memory_space<hbm>>
      %dma_start3A_737 = arith.constant 0 : i32
      %dma_start3A_738 = arith.constant 0 : i32
      %dma_start3A_739 = tpu.memref_slice %arg7[%dma_start3A_728, %dma_start3A_737, %dma_start3A_738] : memref<4x128x128xf32, #tpu.memory_space<vmem>> -> memref<1x128x128xf32, #tpu.memory_space<vmem>>
      %dma_start3A_740 = tpu.memref_squeeze %dma_start3A_739 : memref<1x128x128xf32, #tpu.memory_space<vmem>> -> memref<128x128xf32, #tpu.memory_space<vmem>>
      tpu.enqueue_dma source(%dma_start3A_740 : memref<128x128xf32, #tpu.memory_space<vmem>>) target(%dma_start3A_736 : memref<128x128xf32, #tpu.memory_space<hbm>>) target_semaphore(%arg16 : memref<!tpu.dma_semaphore, #tpu.memory_space<semaphore_mem>>)
      %mul3A_741 = arith.constant 4 : i32
      %mul3A_742 = arith.muli %scan3A_624, %mul3A_741 : i32
      %add3A_743 = arith.constant 3 : i32
      %add3A_744 = arith.addi %mul3A_742, %add3A_743 : i32
      %add3A_745 = arith.constant 2 : i32
      %add3A_746 = arith.addi %add3A_744, %add3A_745 : i32
      %lt3A_747 = arith.constant 160 : i32
      %lt3A_748 = arith.cmpi slt, %add3A_746, %lt3A_747 : i32
      %convert_element_type3A_749 = arith.extui %lt3A_748 : i1 to i32
      %cond3A_750 = arith.constant 0 : i32
      %cond3A_751 = arith.cmpi ne, %convert_element_type3A_749, %cond3A_750 : i32
      scf.if %cond3A_751 {
        %ge3A = arith.constant 2 : i32
        %ge3A_780 = arith.cmpi sge, %add3A_744, %ge3A : i32
        %convert_element_type3A_781 = arith.extui %ge3A_780 : i1 to i32
        %cond3A_782 = arith.constant 0 : i32
        %cond3A_783 = arith.cmpi ne, %convert_element_type3A_781, %cond3A_782 : i32
        scf.if %cond3A_783 {
          %sub3A = arith.constant 2 : i32
          %sub3A_798 = arith.subi %add3A_744, %sub3A : i32
          %mul3A_799 = arith.constant 128 : i32
          %mul3A_800 = arith.muli %sub3A_798, %mul3A_799 : i32
          %add3A_801 = arith.addi %add3A_144, %mul3A_800 : i32
          %dma_wait3A_802 = arith.constant 1 : i32
          %dma_wait3A_803 = arith.constant 0 : i32
          %dma_wait3A_804 = arith.constant 0 : i32
          %dma_wait3A_805 = tpu.memref_slice %arg7[%dma_wait3A_802, %dma_wait3A_803, %dma_wait3A_804] : memref<4x128x128xf32, #tpu.memory_space<vmem>> -> memref<1x128x128xf32, #tpu.memory_space<vmem>>
          %dma_wait3A_806 = tpu.memref_squeeze %dma_wait3A_805 : memref<1x128x128xf32, #tpu.memory_space<vmem>> -> memref<128x128xf32, #tpu.memory_space<vmem>>
          %dma_wait3A_807 = arith.constant 0 : i32
          %dma_wait3A_808 = tpu.memref_slice %arg4[%add3A_801, %dma_wait3A_807] : memref<3276800x128xf32, #tpu.memory_space<hbm>> -> memref<128x128xf32, #tpu.memory_space<hbm>>
          %dma_wait3A_809 = arith.constant 0 : i32
          %dma_wait3A_810 = tpu.memref_slice %arg4[%add3A_801, %dma_wait3A_809] : memref<3276800x128xf32, #tpu.memory_space<hbm>> -> memref<128x128xf32, #tpu.memory_space<hbm>>
          %dma_wait3A_811 = arith.constant 0 : i32
          %dma_wait3A_812 = arith.constant 0 : i32
          %dma_wait3A_813 = tpu.memref_slice %arg7[%dma_wait3A_802, %dma_wait3A_811, %dma_wait3A_812] : memref<4x128x128xf32, #tpu.memory_space<vmem>> -> memref<1x128x128xf32, #tpu.memory_space<vmem>>
          %dma_wait3A_814 = tpu.memref_squeeze %dma_wait3A_813 : memref<1x128x128xf32, #tpu.memory_space<vmem>> -> memref<128x128xf32, #tpu.memory_space<vmem>>
          tpu.wait_dma2 semaphore(%arg15 : memref<!tpu.dma_semaphore, #tpu.memory_space<semaphore_mem>>) src(%dma_wait3A_814 : memref<128x128xf32, #tpu.memory_space<vmem>>) dst(%dma_wait3A_810 : memref<128x128xf32, #tpu.memory_space<hbm>>)
        } else {
        }
        %add3A_784 = arith.constant 2 : i32
        %add3A_785 = arith.addi %add3A_744, %add3A_784 : i32
        %dma_start3A_786 = arith.constant 1 : i32
        %dma_start3A_787 = arith.constant 1 : i32
        %dma_start3A_788 = arith.constant 0 : i32
        %dma_start3A_789 = arith.constant 0 : i32
        %dma_start3A_790 = tpu.memref_slice %arg7[%dma_start3A_787, %dma_start3A_788, %dma_start3A_789] : memref<4x128x128xf32, #tpu.memory_space<vmem>> -> memref<1x128x128xf32, #tpu.memory_space<vmem>>
        %dma_start3A_791 = tpu.memref_squeeze %dma_start3A_790 : memref<1x128x128xf32, #tpu.memory_space<vmem>> -> memref<128x128xf32, #tpu.memory_space<vmem>>
        %dma_start3A_792 = arith.constant 0 : i32
        %dma_start3A_793 = tpu.memref_slice %arg6[%dma_start3A_786, %add3A_785, %dma_start3A_792] : memref<2x160x128xi32, #tpu.memory_space<vmem>> -> memref<1x1x128xi32, #tpu.memory_space<vmem>>
        %dma_start3A_794 = tpu.memref_squeeze %dma_start3A_793 : memref<1x1x128xi32, #tpu.memory_space<vmem>> -> memref<128xi32, #tpu.memory_space<vmem>>
        %dma_start3A_795 = arith.constant 0 : i32
        %dma_start3A_796 = arith.constant 0 : i32
        %dma_start3A_797 = tpu.memref_slice %arg5[%dma_start3A_795, %dma_start3A_796] : memref<128x128xf32, #tpu.memory_space<vmem_shared>> -> memref<128x128xf32, #tpu.memory_space<vmem_shared>>
        tpu.enqueue_indirect_dma source(%dma_start3A_797 : memref<128x128xf32, #tpu.memory_space<vmem_shared>>) target(%dma_start3A_791 : memref<128x128xf32, #tpu.memory_space<vmem>>) offsets(%dma_start3A_794 : memref<128xi32, #tpu.memory_space<vmem>>) semaphore(%arg11 : memref<!tpu.dma_semaphore, #tpu.memory_space<semaphore_mem>>)
      } else {
      }
      %dma_wait3A_752 = arith.constant 1 : i32
      %dma_wait3A_753 = arith.constant 3 : i32
      %dma_wait3A_754 = arith.constant 0 : i32
      %dma_wait3A_755 = arith.constant 0 : i32
      %dma_wait3A_756 = tpu.memref_slice %arg7[%dma_wait3A_753, %dma_wait3A_754, %dma_wait3A_755] : memref<4x128x128xf32, #tpu.memory_space<vmem>> -> memref<1x128x128xf32, #tpu.memory_space<vmem>>
      %dma_wait3A_757 = tpu.memref_squeeze %dma_wait3A_756 : memref<1x128x128xf32, #tpu.memory_space<vmem>> -> memref<128x128xf32, #tpu.memory_space<vmem>>
      %dma_wait3A_758 = arith.constant 0 : i32
      %dma_wait3A_759 = tpu.memref_slice %arg6[%dma_wait3A_752, %add3A_744, %dma_wait3A_758] : memref<2x160x128xi32, #tpu.memory_space<vmem>> -> memref<1x1x128xi32, #tpu.memory_space<vmem>>
      %dma_wait3A_760 = tpu.memref_squeeze %dma_wait3A_759 : memref<1x1x128xi32, #tpu.memory_space<vmem>> -> memref<128xi32, #tpu.memory_space<vmem>>
      %dma_wait3A_761 = arith.constant 0 : i32
      %dma_wait3A_762 = arith.constant 0 : i32
      %dma_wait3A_763 = tpu.memref_slice %arg5[%dma_wait3A_761, %dma_wait3A_762] : memref<128x128xf32, #tpu.memory_space<vmem_shared>> -> memref<128x128xf32, #tpu.memory_space<vmem_shared>>
      tpu.wait_indirect_dma semaphore(%arg13 : memref<!tpu.dma_semaphore, #tpu.memory_space<semaphore_mem>>) src(%dma_wait3A_763 : memref<128x128xf32, #tpu.memory_space<vmem_shared>>) dst(%dma_wait3A_757 : memref<128x128xf32, #tpu.memory_space<vmem>>)
      %mul3A_764 = arith.constant 128 : i32
      %mul3A_765 = arith.muli %add3A_744, %mul3A_764 : i32
      %add3A_766 = arith.addi %add3A_144, %mul3A_765 : i32
      %dma_start3A_767 = arith.constant 3 : i32
      %dma_start3A_768 = arith.constant 0 : i32
      %dma_start3A_769 = arith.constant 0 : i32
      %dma_start3A_770 = tpu.memref_slice %arg7[%dma_start3A_767, %dma_start3A_768, %dma_start3A_769] : memref<4x128x128xf32, #tpu.memory_space<vmem>> -> memref<1x128x128xf32, #tpu.memory_space<vmem>>
      %dma_start3A_771 = tpu.memref_squeeze %dma_start3A_770 : memref<1x128x128xf32, #tpu.memory_space<vmem>> -> memref<128x128xf32, #tpu.memory_space<vmem>>
      %dma_start3A_772 = arith.constant 0 : i32
      %dma_start3A_773 = tpu.memref_slice %arg4[%add3A_766, %dma_start3A_772] : memref<3276800x128xf32, #tpu.memory_space<hbm>> -> memref<128x128xf32, #tpu.memory_space<hbm>>
      %dma_start3A_774 = arith.constant 0 : i32
      %dma_start3A_775 = tpu.memref_slice %arg4[%add3A_766, %dma_start3A_774] : memref<3276800x128xf32, #tpu.memory_space<hbm>> -> memref<128x128xf32, #tpu.memory_space<hbm>>
      %dma_start3A_776 = arith.constant 0 : i32
      %dma_start3A_777 = arith.constant 0 : i32
      %dma_start3A_778 = tpu.memref_slice %arg7[%dma_start3A_767, %dma_start3A_776, %dma_start3A_777] : memref<4x128x128xf32, #tpu.memory_space<vmem>> -> memref<1x128x128xf32, #tpu.memory_space<vmem>>
      %dma_start3A_779 = tpu.memref_squeeze %dma_start3A_778 : memref<1x128x128xf32, #tpu.memory_space<vmem>> -> memref<128x128xf32, #tpu.memory_space<vmem>>
      tpu.enqueue_dma source(%dma_start3A_779 : memref<128x128xf32, #tpu.memory_space<vmem>>) target(%dma_start3A_775 : memref<128x128xf32, #tpu.memory_space<hbm>>) target_semaphore(%arg17 : memref<!tpu.dma_semaphore, #tpu.memory_space<semaphore_mem>>)
    }
    %scan3A_206 = arith.constant 40 : i32
    %add3A_207 = arith.constant 19968 : i32
    %add3A_208 = arith.addi %add3A_144, %add3A_207 : i32
    %dma_wait3A_209 = arith.constant 0 : i32
    %dma_wait3A_210 = arith.constant 0 : i32
    %dma_wait3A_211 = arith.constant 0 : i32
    %dma_wait3A_212 = tpu.memref_slice %arg7[%dma_wait3A_209, %dma_wait3A_210, %dma_wait3A_211] : memref<4x128x128xf32, #tpu.memory_space<vmem>> -> memref<1x128x128xf32, #tpu.memory_space<vmem>>
    %dma_wait3A_213 = tpu.memref_squeeze %dma_wait3A_212 : memref<1x128x128xf32, #tpu.memory_space<vmem>> -> memref<128x128xf32, #tpu.memory_space<vmem>>
    %dma_wait3A_214 = arith.constant 0 : i32
    %dma_wait3A_215 = tpu.memref_slice %arg4[%add3A_208, %dma_wait3A_214] : memref<3276800x128xf32, #tpu.memory_space<hbm>> -> memref<128x128xf32, #tpu.memory_space<hbm>>
    %dma_wait3A_216 = arith.constant 0 : i32
    %dma_wait3A_217 = tpu.memref_slice %arg4[%add3A_208, %dma_wait3A_216] : memref<3276800x128xf32, #tpu.memory_space<hbm>> -> memref<128x128xf32, #tpu.memory_space<hbm>>
    %dma_wait3A_218 = arith.constant 0 : i32
    %dma_wait3A_219 = arith.constant 0 : i32
    %dma_wait3A_220 = tpu.memref_slice %arg7[%dma_wait3A_209, %dma_wait3A_218, %dma_wait3A_219] : memref<4x128x128xf32, #tpu.memory_space<vmem>> -> memref<1x128x128xf32, #tpu.memory_space<vmem>>
    %dma_wait3A_221 = tpu.memref_squeeze %dma_wait3A_220 : memref<1x128x128xf32, #tpu.memory_space<vmem>> -> memref<128x128xf32, #tpu.memory_space<vmem>>
    tpu.wait_dma2 semaphore(%arg14 : memref<!tpu.dma_semaphore, #tpu.memory_space<semaphore_mem>>) src(%dma_wait3A_221 : memref<128x128xf32, #tpu.memory_space<vmem>>) dst(%dma_wait3A_217 : memref<128x128xf32, #tpu.memory_space<hbm>>)
    %add3A_222 = arith.constant 20096 : i32
    %add3A_223 = arith.addi %add3A_144, %add3A_222 : i32
    %dma_wait3A_224 = arith.constant 1 : i32
    %dma_wait3A_225 = arith.constant 0 : i32
    %dma_wait3A_226 = arith.constant 0 : i32
    %dma_wait3A_227 = tpu.memref_slice %arg7[%dma_wait3A_224, %dma_wait3A_225, %dma_wait3A_226] : memref<4x128x128xf32, #tpu.memory_space<vmem>> -> memref<1x128x128xf32, #tpu.memory_space<vmem>>
    %dma_wait3A_228 = tpu.memref_squeeze %dma_wait3A_227 : memref<1x128x128xf32, #tpu.memory_space<vmem>> -> memref<128x128xf32, #tpu.memory_space<vmem>>
    %dma_wait3A_229 = arith.constant 0 : i32
    %dma_wait3A_230 = tpu.memref_slice %arg4[%add3A_223, %dma_wait3A_229] : memref<3276800x128xf32, #tpu.memory_space<hbm>> -> memref<128x128xf32, #tpu.memory_space<hbm>>
    %dma_wait3A_231 = arith.constant 0 : i32
    %dma_wait3A_232 = tpu.memref_slice %arg4[%add3A_223, %dma_wait3A_231] : memref<3276800x128xf32, #tpu.memory_space<hbm>> -> memref<128x128xf32, #tpu.memory_space<hbm>>
    %dma_wait3A_233 = arith.constant 0 : i32
    %dma_wait3A_234 = arith.constant 0 : i32
    %dma_wait3A_235 = tpu.memref_slice %arg7[%dma_wait3A_224, %dma_wait3A_233, %dma_wait3A_234] : memref<4x128x128xf32, #tpu.memory_space<vmem>> -> memref<1x128x128xf32, #tpu.memory_space<vmem>>
    %dma_wait3A_236 = tpu.memref_squeeze %dma_wait3A_235 : memref<1x128x128xf32, #tpu.memory_space<vmem>> -> memref<128x128xf32, #tpu.memory_space<vmem>>
    tpu.wait_dma2 semaphore(%arg15 : memref<!tpu.dma_semaphore, #tpu.memory_space<semaphore_mem>>) src(%dma_wait3A_236 : memref<128x128xf32, #tpu.memory_space<vmem>>) dst(%dma_wait3A_232 : memref<128x128xf32, #tpu.memory_space<hbm>>)
    %add3A_237 = arith.constant 20224 : i32
    %add3A_238 = arith.addi %add3A_144, %add3A_237 : i32
    %dma_wait3A_239 = arith.constant 2 : i32
    %dma_wait3A_240 = arith.constant 0 : i32
    %dma_wait3A_241 = arith.constant 0 : i32
    %dma_wait3A_242 = tpu.memref_slice %arg7[%dma_wait3A_239, %dma_wait3A_240, %dma_wait3A_241] : memref<4x128x128xf32, #tpu.memory_space<vmem>> -> memref<1x128x128xf32, #tpu.memory_space<vmem>>
    %dma_wait3A_243 = tpu.memref_squeeze %dma_wait3A_242 : memref<1x128x128xf32, #tpu.memory_space<vmem>> -> memref<128x128xf32, #tpu.memory_space<vmem>>
    %dma_wait3A_244 = arith.constant 0 : i32
    %dma_wait3A_245 = tpu.memref_slice %arg4[%add3A_238, %dma_wait3A_244] : memref<3276800x128xf32, #tpu.memory_space<hbm>> -> memref<128x128xf32, #tpu.memory_space<hbm>>
    %dma_wait3A_246 = arith.constant 0 : i32
    %dma_wait3A_247 = tpu.memref_slice %arg4[%add3A_238, %dma_wait3A_246] : memref<3276800x128xf32, #tpu.memory_space<hbm>> -> memref<128x128xf32, #tpu.memory_space<hbm>>
    %dma_wait3A_248 = arith.constant 0 : i32
    %dma_wait3A_249 = arith.constant 0 : i32
    %dma_wait3A_250 = tpu.memref_slice %arg7[%dma_wait3A_239, %dma_wait3A_248, %dma_wait3A_249] : memref<4x128x128xf32, #tpu.memory_space<vmem>> -> memref<1x128x128xf32, #tpu.memory_space<vmem>>
    %dma_wait3A_251 = tpu.memref_squeeze %dma_wait3A_250 : memref<1x128x128xf32, #tpu.memory_space<vmem>> -> memref<128x128xf32, #tpu.memory_space<vmem>>
    tpu.wait_dma2 semaphore(%arg16 : memref<!tpu.dma_semaphore, #tpu.memory_space<semaphore_mem>>) src(%dma_wait3A_251 : memref<128x128xf32, #tpu.memory_space<vmem>>) dst(%dma_wait3A_247 : memref<128x128xf32, #tpu.memory_space<hbm>>)
    %add3A_252 = arith.constant 20352 : i32
    %add3A_253 = arith.addi %add3A_144, %add3A_252 : i32
    %dma_wait3A_254 = arith.constant 3 : i32
    %dma_wait3A_255 = arith.constant 0 : i32
    %dma_wait3A_256 = arith.constant 0 : i32
    %dma_wait3A_257 = tpu.memref_slice %arg7[%dma_wait3A_254, %dma_wait3A_255, %dma_wait3A_256] : memref<4x128x128xf32, #tpu.memory_space<vmem>> -> memref<1x128x128xf32, #tpu.memory_space<vmem>>
    %dma_wait3A_258 = tpu.memref_squeeze %dma_wait3A_257 : memref<1x128x128xf32, #tpu.memory_space<vmem>> -> memref<128x128xf32, #tpu.memory_space<vmem>>
    %dma_wait3A_259 = arith.constant 0 : i32
    %dma_wait3A_260 = tpu.memref_slice %arg4[%add3A_253, %dma_wait3A_259] : memref<3276800x128xf32, #tpu.memory_space<hbm>> -> memref<128x128xf32, #tpu.memory_space<hbm>>
    %dma_wait3A_261 = arith.constant 0 : i32
    %dma_wait3A_262 = tpu.memref_slice %arg4[%add3A_253, %dma_wait3A_261] : memref<3276800x128xf32, #tpu.memory_space<hbm>> -> memref<128x128xf32, #tpu.memory_space<hbm>>
    %dma_wait3A_263 = arith.constant 0 : i32
    %dma_wait3A_264 = arith.constant 0 : i32
    %dma_wait3A_265 = tpu.memref_slice %arg7[%dma_wait3A_254, %dma_wait3A_263, %dma_wait3A_264] : memref<4x128x128xf32, #tpu.memory_space<vmem>> -> memref<1x128x128xf32, #tpu.memory_space<vmem>>
    %dma_wait3A_266 = tpu.memref_squeeze %dma_wait3A_265 : memref<1x128x128xf32, #tpu.memory_space<vmem>> -> memref<128x128xf32, #tpu.memory_space<vmem>>
    tpu.wait_dma2 semaphore(%arg17 : memref<!tpu.dma_semaphore, #tpu.memory_space<semaphore_mem>>) src(%dma_wait3A_266 : memref<128x128xf32, #tpu.memory_space<vmem>>) dst(%dma_wait3A_262 : memref<128x128xf32, #tpu.memory_space<hbm>>)
    %add3A_267 = arith.constant 40960 : i32
    %add3A_268 = arith.addi %mul3A_4, %add3A_267 : i32
    %add3A_269 = arith.constant 320 : i32
    %add3A_270 = arith.addi %mul3A_2, %add3A_269 : i32
    %dma_wait3A_271 = arith.constant 0 : i32
    %dma_wait3A_272 = arith.constant 0 : i32
    %dma_wait3A_273 = arith.constant 0 : i32
    %dma_wait3A_274 = tpu.memref_slice %arg6[%dma_wait3A_271, %dma_wait3A_272, %dma_wait3A_273] : memref<2x160x128xi32, #tpu.memory_space<vmem>> -> memref<1x160x128xi32, #tpu.memory_space<vmem>>
    %dma_wait3A_275 = tpu.memref_squeeze %dma_wait3A_274 : memref<1x160x128xi32, #tpu.memory_space<vmem>> -> memref<160x128xi32, #tpu.memory_space<vmem>>
    %dma_wait3A_276 = arith.constant 0 : i32
    %dma_wait3A_277 = tpu.memref_slice %arg2[%add3A_270, %dma_wait3A_276] : memref<25600x128xi32, #tpu.memory_space<hbm>> -> memref<160x128xi32, #tpu.memory_space<hbm>>
    %dma_wait3A_278 = arith.constant 0 : i32
    %dma_wait3A_279 = arith.constant 0 : i32
    %dma_wait3A_280 = tpu.memref_slice %arg6[%dma_wait3A_271, %dma_wait3A_278, %dma_wait3A_279] : memref<2x160x128xi32, #tpu.memory_space<vmem>> -> memref<1x160x128xi32, #tpu.memory_space<vmem>>
    %dma_wait3A_281 = tpu.memref_squeeze %dma_wait3A_280 : memref<1x160x128xi32, #tpu.memory_space<vmem>> -> memref<160x128xi32, #tpu.memory_space<vmem>>
    %dma_wait3A_282 = arith.constant 0 : i32
    %dma_wait3A_283 = tpu.memref_slice %arg2[%add3A_270, %dma_wait3A_282] : memref<25600x128xi32, #tpu.memory_space<hbm>> -> memref<160x128xi32, #tpu.memory_space<hbm>>
    tpu.wait_dma2 semaphore(%arg8 : memref<!tpu.dma_semaphore, #tpu.memory_space<semaphore_mem>>) src(%dma_wait3A_283 : memref<160x128xi32, #tpu.memory_space<hbm>>) dst(%dma_wait3A_281 : memref<160x128xi32, #tpu.memory_space<vmem>>)
    %add3A_284 = arith.constant 480 : i32
    %add3A_285 = arith.addi %mul3A_2, %add3A_284 : i32
    %dma_start3A_286 = arith.constant 1 : i32
    %dma_start3A_287 = arith.constant 0 : i32
    %dma_start3A_288 = arith.constant 0 : i32
    %dma_start3A_289 = tpu.memref_slice %arg6[%dma_start3A_286, %dma_start3A_287, %dma_start3A_288] : memref<2x160x128xi32, #tpu.memory_space<vmem>> -> memref<1x160x128xi32, #tpu.memory_space<vmem>>
    %dma_start3A_290 = tpu.memref_squeeze %dma_start3A_289 : memref<1x160x128xi32, #tpu.memory_space<vmem>> -> memref<160x128xi32, #tpu.memory_space<vmem>>
    %dma_start3A_291 = arith.constant 0 : i32
    %dma_start3A_292 = tpu.memref_slice %arg2[%add3A_285, %dma_start3A_291] : memref<25600x128xi32, #tpu.memory_space<hbm>> -> memref<160x128xi32, #tpu.memory_space<hbm>>
    %dma_start3A_293 = arith.constant 0 : i32
    %dma_start3A_294 = arith.constant 0 : i32
    %dma_start3A_295 = tpu.memref_slice %arg6[%dma_start3A_286, %dma_start3A_293, %dma_start3A_294] : memref<2x160x128xi32, #tpu.memory_space<vmem>> -> memref<1x160x128xi32, #tpu.memory_space<vmem>>
    %dma_start3A_296 = tpu.memref_squeeze %dma_start3A_295 : memref<1x160x128xi32, #tpu.memory_space<vmem>> -> memref<160x128xi32, #tpu.memory_space<vmem>>
    %dma_start3A_297 = arith.constant 0 : i32
    %dma_start3A_298 = tpu.memref_slice %arg2[%add3A_285, %dma_start3A_297] : memref<25600x128xi32, #tpu.memory_space<hbm>> -> memref<160x128xi32, #tpu.memory_space<hbm>>
    tpu.enqueue_dma source(%dma_start3A_298 : memref<160x128xi32, #tpu.memory_space<hbm>>) target(%dma_start3A_296 : memref<160x128xi32, #tpu.memory_space<vmem>>) target_semaphore(%arg9 : memref<!tpu.dma_semaphore, #tpu.memory_space<semaphore_mem>>)
    %dma_start3A_299 = arith.constant 0 : i32
    %dma_start3A_300 = arith.constant 0 : i32
    %dma_start3A_301 = arith.constant 0 : i32
    %dma_start3A_302 = arith.constant 0 : i32
    %dma_start3A_303 = arith.constant 0 : i32
    %dma_start3A_304 = tpu.memref_slice %arg7[%dma_start3A_301, %dma_start3A_302, %dma_start3A_303] : memref<4x128x128xf32, #tpu.memory_space<vmem>> -> memref<1x128x128xf32, #tpu.memory_space<vmem>>
    %dma_start3A_305 = tpu.memref_squeeze %dma_start3A_304 : memref<1x128x128xf32, #tpu.memory_space<vmem>> -> memref<128x128xf32, #tpu.memory_space<vmem>>
    %dma_start3A_306 = arith.constant 0 : i32
    %dma_start3A_307 = tpu.memref_slice %arg6[%dma_start3A_299, %dma_start3A_300, %dma_start3A_306] : memref<2x160x128xi32, #tpu.memory_space<vmem>> -> memref<1x1x128xi32, #tpu.memory_space<vmem>>
    %dma_start3A_308 = tpu.memref_squeeze %dma_start3A_307 : memref<1x1x128xi32, #tpu.memory_space<vmem>> -> memref<128xi32, #tpu.memory_space<vmem>>
    %dma_start3A_309 = arith.constant 0 : i32
    %dma_start3A_310 = arith.constant 0 : i32
    %dma_start3A_311 = tpu.memref_slice %arg5[%dma_start3A_309, %dma_start3A_310] : memref<128x128xf32, #tpu.memory_space<vmem_shared>> -> memref<128x128xf32, #tpu.memory_space<vmem_shared>>
    tpu.enqueue_indirect_dma source(%dma_start3A_311 : memref<128x128xf32, #tpu.memory_space<vmem_shared>>) target(%dma_start3A_305 : memref<128x128xf32, #tpu.memory_space<vmem>>) offsets(%dma_start3A_308 : memref<128xi32, #tpu.memory_space<vmem>>) semaphore(%arg10 : memref<!tpu.dma_semaphore, #tpu.memory_space<semaphore_mem>>)
    %dma_start3A_312 = arith.constant 0 : i32
    %dma_start3A_313 = arith.constant 1 : i32
    %dma_start3A_314 = arith.constant 1 : i32
    %dma_start3A_315 = arith.constant 0 : i32
    %dma_start3A_316 = arith.constant 0 : i32
    %dma_start3A_317 = tpu.memref_slice %arg7[%dma_start3A_314, %dma_start3A_315, %dma_start3A_316] : memref<4x128x128xf32, #tpu.memory_space<vmem>> -> memref<1x128x128xf32, #tpu.memory_space<vmem>>
    %dma_start3A_318 = tpu.memref_squeeze %dma_start3A_317 : memref<1x128x128xf32, #tpu.memory_space<vmem>> -> memref<128x128xf32, #tpu.memory_space<vmem>>
    %dma_start3A_319 = arith.constant 0 : i32
    %dma_start3A_320 = tpu.memref_slice %arg6[%dma_start3A_312, %dma_start3A_313, %dma_start3A_319] : memref<2x160x128xi32, #tpu.memory_space<vmem>> -> memref<1x1x128xi32, #tpu.memory_space<vmem>>
    %dma_start3A_321 = tpu.memref_squeeze %dma_start3A_320 : memref<1x1x128xi32, #tpu.memory_space<vmem>> -> memref<128xi32, #tpu.memory_space<vmem>>
    %dma_start3A_322 = arith.constant 0 : i32
    %dma_start3A_323 = arith.constant 0 : i32
    %dma_start3A_324 = tpu.memref_slice %arg5[%dma_start3A_322, %dma_start3A_323] : memref<128x128xf32, #tpu.memory_space<vmem_shared>> -> memref<128x128xf32, #tpu.memory_space<vmem_shared>>
    tpu.enqueue_indirect_dma source(%dma_start3A_324 : memref<128x128xf32, #tpu.memory_space<vmem_shared>>) target(%dma_start3A_318 : memref<128x128xf32, #tpu.memory_space<vmem>>) offsets(%dma_start3A_321 : memref<128xi32, #tpu.memory_space<vmem>>) semaphore(%arg11 : memref<!tpu.dma_semaphore, #tpu.memory_space<semaphore_mem>>)
    %scan3A_325 = arith.constant 0 : i32
    %scan3A_326 = arith.constant 0 : i32
    %scan3A_327 = arith.constant 40 : i32
    %scan3A_328 = arith.addi %scan3A_326, %scan3A_327 : i32
    %scan3A_329 = arith.constant 1 : i32
    scf.for %scan3A_624 = %scan3A_326 to %scan3A_328 step %scan3A_329  : i32 {
      %mul3A_625 = arith.constant 4 : i32
      %mul3A_626 = arith.muli %scan3A_624, %mul3A_625 : i32
      %add3A_627 = arith.constant 0 : i32
      %add3A_628 = arith.addi %mul3A_626, %add3A_627 : i32
      %add3A_629 = arith.constant 2 : i32
      %add3A_630 = arith.addi %add3A_628, %add3A_629 : i32
      %lt3A = arith.constant 160 : i32
      %lt3A_631 = arith.cmpi slt, %add3A_630, %lt3A : i32
      %convert_element_type3A_632 = arith.extui %lt3A_631 : i1 to i32
      %cond3A_633 = arith.constant 0 : i32
      %cond3A_634 = arith.cmpi ne, %convert_element_type3A_632, %cond3A_633 : i32
      scf.if %cond3A_634 {
        %ge3A = arith.constant 2 : i32
        %ge3A_780 = arith.cmpi sge, %add3A_628, %ge3A : i32
        %convert_element_type3A_781 = arith.extui %ge3A_780 : i1 to i32
        %cond3A_782 = arith.constant 0 : i32
        %cond3A_783 = arith.cmpi ne, %convert_element_type3A_781, %cond3A_782 : i32
        scf.if %cond3A_783 {
          %sub3A = arith.constant 2 : i32
          %sub3A_798 = arith.subi %add3A_628, %sub3A : i32
          %mul3A_799 = arith.constant 128 : i32
          %mul3A_800 = arith.muli %sub3A_798, %mul3A_799 : i32
          %add3A_801 = arith.addi %add3A_268, %mul3A_800 : i32
          %dma_wait3A_802 = arith.constant 2 : i32
          %dma_wait3A_803 = arith.constant 0 : i32
          %dma_wait3A_804 = arith.constant 0 : i32
          %dma_wait3A_805 = tpu.memref_slice %arg7[%dma_wait3A_802, %dma_wait3A_803, %dma_wait3A_804] : memref<4x128x128xf32, #tpu.memory_space<vmem>> -> memref<1x128x128xf32, #tpu.memory_space<vmem>>
          %dma_wait3A_806 = tpu.memref_squeeze %dma_wait3A_805 : memref<1x128x128xf32, #tpu.memory_space<vmem>> -> memref<128x128xf32, #tpu.memory_space<vmem>>
          %dma_wait3A_807 = arith.constant 0 : i32
          %dma_wait3A_808 = tpu.memref_slice %arg4[%add3A_801, %dma_wait3A_807] : memref<3276800x128xf32, #tpu.memory_space<hbm>> -> memref<128x128xf32, #tpu.memory_space<hbm>>
          %dma_wait3A_809 = arith.constant 0 : i32
          %dma_wait3A_810 = tpu.memref_slice %arg4[%add3A_801, %dma_wait3A_809] : memref<3276800x128xf32, #tpu.memory_space<hbm>> -> memref<128x128xf32, #tpu.memory_space<hbm>>
          %dma_wait3A_811 = arith.constant 0 : i32
          %dma_wait3A_812 = arith.constant 0 : i32
          %dma_wait3A_813 = tpu.memref_slice %arg7[%dma_wait3A_802, %dma_wait3A_811, %dma_wait3A_812] : memref<4x128x128xf32, #tpu.memory_space<vmem>> -> memref<1x128x128xf32, #tpu.memory_space<vmem>>
          %dma_wait3A_814 = tpu.memref_squeeze %dma_wait3A_813 : memref<1x128x128xf32, #tpu.memory_space<vmem>> -> memref<128x128xf32, #tpu.memory_space<vmem>>
          tpu.wait_dma2 semaphore(%arg16 : memref<!tpu.dma_semaphore, #tpu.memory_space<semaphore_mem>>) src(%dma_wait3A_814 : memref<128x128xf32, #tpu.memory_space<vmem>>) dst(%dma_wait3A_810 : memref<128x128xf32, #tpu.memory_space<hbm>>)
        } else {
        }
        %add3A_784 = arith.constant 2 : i32
        %add3A_785 = arith.addi %add3A_628, %add3A_784 : i32
        %dma_start3A_786 = arith.constant 0 : i32
        %dma_start3A_787 = arith.constant 2 : i32
        %dma_start3A_788 = arith.constant 0 : i32
        %dma_start3A_789 = arith.constant 0 : i32
        %dma_start3A_790 = tpu.memref_slice %arg7[%dma_start3A_787, %dma_start3A_788, %dma_start3A_789] : memref<4x128x128xf32, #tpu.memory_space<vmem>> -> memref<1x128x128xf32, #tpu.memory_space<vmem>>
        %dma_start3A_791 = tpu.memref_squeeze %dma_start3A_790 : memref<1x128x128xf32, #tpu.memory_space<vmem>> -> memref<128x128xf32, #tpu.memory_space<vmem>>
        %dma_start3A_792 = arith.constant 0 : i32
        %dma_start3A_793 = tpu.memref_slice %arg6[%dma_start3A_786, %add3A_785, %dma_start3A_792] : memref<2x160x128xi32, #tpu.memory_space<vmem>> -> memref<1x1x128xi32, #tpu.memory_space<vmem>>
        %dma_start3A_794 = tpu.memref_squeeze %dma_start3A_793 : memref<1x1x128xi32, #tpu.memory_space<vmem>> -> memref<128xi32, #tpu.memory_space<vmem>>
        %dma_start3A_795 = arith.constant 0 : i32
        %dma_start3A_796 = arith.constant 0 : i32
        %dma_start3A_797 = tpu.memref_slice %arg5[%dma_start3A_795, %dma_start3A_796] : memref<128x128xf32, #tpu.memory_space<vmem_shared>> -> memref<128x128xf32, #tpu.memory_space<vmem_shared>>
        tpu.enqueue_indirect_dma source(%dma_start3A_797 : memref<128x128xf32, #tpu.memory_space<vmem_shared>>) target(%dma_start3A_791 : memref<128x128xf32, #tpu.memory_space<vmem>>) offsets(%dma_start3A_794 : memref<128xi32, #tpu.memory_space<vmem>>) semaphore(%arg12 : memref<!tpu.dma_semaphore, #tpu.memory_space<semaphore_mem>>)
      } else {
      }
      %dma_wait3A_635 = arith.constant 0 : i32
      %dma_wait3A_636 = arith.constant 0 : i32
      %dma_wait3A_637 = arith.constant 0 : i32
      %dma_wait3A_638 = arith.constant 0 : i32
      %dma_wait3A_639 = tpu.memref_slice %arg7[%dma_wait3A_636, %dma_wait3A_637, %dma_wait3A_638] : memref<4x128x128xf32, #tpu.memory_space<vmem>> -> memref<1x128x128xf32, #tpu.memory_space<vmem>>
      %dma_wait3A_640 = tpu.memref_squeeze %dma_wait3A_639 : memref<1x128x128xf32, #tpu.memory_space<vmem>> -> memref<128x128xf32, #tpu.memory_space<vmem>>
      %dma_wait3A_641 = arith.constant 0 : i32
      %dma_wait3A_642 = tpu.memref_slice %arg6[%dma_wait3A_635, %add3A_628, %dma_wait3A_641] : memref<2x160x128xi32, #tpu.memory_space<vmem>> -> memref<1x1x128xi32, #tpu.memory_space<vmem>>
      %dma_wait3A_643 = tpu.memref_squeeze %dma_wait3A_642 : memref<1x1x128xi32, #tpu.memory_space<vmem>> -> memref<128xi32, #tpu.memory_space<vmem>>
      %dma_wait3A_644 = arith.constant 0 : i32
      %dma_wait3A_645 = arith.constant 0 : i32
      %dma_wait3A_646 = tpu.memref_slice %arg5[%dma_wait3A_644, %dma_wait3A_645] : memref<128x128xf32, #tpu.memory_space<vmem_shared>> -> memref<128x128xf32, #tpu.memory_space<vmem_shared>>
      tpu.wait_indirect_dma semaphore(%arg10 : memref<!tpu.dma_semaphore, #tpu.memory_space<semaphore_mem>>) src(%dma_wait3A_646 : memref<128x128xf32, #tpu.memory_space<vmem_shared>>) dst(%dma_wait3A_640 : memref<128x128xf32, #tpu.memory_space<vmem>>)
      %mul3A_647 = arith.constant 128 : i32
      %mul3A_648 = arith.muli %add3A_628, %mul3A_647 : i32
      %add3A_649 = arith.addi %add3A_268, %mul3A_648 : i32
      %dma_start3A_650 = arith.constant 0 : i32
      %dma_start3A_651 = arith.constant 0 : i32
      %dma_start3A_652 = arith.constant 0 : i32
      %dma_start3A_653 = tpu.memref_slice %arg7[%dma_start3A_650, %dma_start3A_651, %dma_start3A_652] : memref<4x128x128xf32, #tpu.memory_space<vmem>> -> memref<1x128x128xf32, #tpu.memory_space<vmem>>
      %dma_start3A_654 = tpu.memref_squeeze %dma_start3A_653 : memref<1x128x128xf32, #tpu.memory_space<vmem>> -> memref<128x128xf32, #tpu.memory_space<vmem>>
      %dma_start3A_655 = arith.constant 0 : i32
      %dma_start3A_656 = tpu.memref_slice %arg4[%add3A_649, %dma_start3A_655] : memref<3276800x128xf32, #tpu.memory_space<hbm>> -> memref<128x128xf32, #tpu.memory_space<hbm>>
      %dma_start3A_657 = arith.constant 0 : i32
      %dma_start3A_658 = tpu.memref_slice %arg4[%add3A_649, %dma_start3A_657] : memref<3276800x128xf32, #tpu.memory_space<hbm>> -> memref<128x128xf32, #tpu.memory_space<hbm>>
      %dma_start3A_659 = arith.constant 0 : i32
      %dma_start3A_660 = arith.constant 0 : i32
      %dma_start3A_661 = tpu.memref_slice %arg7[%dma_start3A_650, %dma_start3A_659, %dma_start3A_660] : memref<4x128x128xf32, #tpu.memory_space<vmem>> -> memref<1x128x128xf32, #tpu.memory_space<vmem>>
      %dma_start3A_662 = tpu.memref_squeeze %dma_start3A_661 : memref<1x128x128xf32, #tpu.memory_space<vmem>> -> memref<128x128xf32, #tpu.memory_space<vmem>>
      tpu.enqueue_dma source(%dma_start3A_662 : memref<128x128xf32, #tpu.memory_space<vmem>>) target(%dma_start3A_658 : memref<128x128xf32, #tpu.memory_space<hbm>>) target_semaphore(%arg14 : memref<!tpu.dma_semaphore, #tpu.memory_space<semaphore_mem>>)
      %mul3A_663 = arith.constant 4 : i32
      %mul3A_664 = arith.muli %scan3A_624, %mul3A_663 : i32
      %add3A_665 = arith.constant 1 : i32
      %add3A_666 = arith.addi %mul3A_664, %add3A_665 : i32
      %add3A_667 = arith.constant 2 : i32
      %add3A_668 = arith.addi %add3A_666, %add3A_667 : i32
      %lt3A_669 = arith.constant 160 : i32
      %lt3A_670 = arith.cmpi slt, %add3A_668, %lt3A_669 : i32
      %convert_element_type3A_671 = arith.extui %lt3A_670 : i1 to i32
      %cond3A_672 = arith.constant 0 : i32
      %cond3A_673 = arith.cmpi ne, %convert_element_type3A_671, %cond3A_672 : i32
      scf.if %cond3A_673 {
        %ge3A = arith.constant 2 : i32
        %ge3A_780 = arith.cmpi sge, %add3A_666, %ge3A : i32
        %convert_element_type3A_781 = arith.extui %ge3A_780 : i1 to i32
        %cond3A_782 = arith.constant 0 : i32
        %cond3A_783 = arith.cmpi ne, %convert_element_type3A_781, %cond3A_782 : i32
        scf.if %cond3A_783 {
          %sub3A = arith.constant 2 : i32
          %sub3A_798 = arith.subi %add3A_666, %sub3A : i32
          %mul3A_799 = arith.constant 128 : i32
          %mul3A_800 = arith.muli %sub3A_798, %mul3A_799 : i32
          %add3A_801 = arith.addi %add3A_268, %mul3A_800 : i32
          %dma_wait3A_802 = arith.constant 3 : i32
          %dma_wait3A_803 = arith.constant 0 : i32
          %dma_wait3A_804 = arith.constant 0 : i32
          %dma_wait3A_805 = tpu.memref_slice %arg7[%dma_wait3A_802, %dma_wait3A_803, %dma_wait3A_804] : memref<4x128x128xf32, #tpu.memory_space<vmem>> -> memref<1x128x128xf32, #tpu.memory_space<vmem>>
          %dma_wait3A_806 = tpu.memref_squeeze %dma_wait3A_805 : memref<1x128x128xf32, #tpu.memory_space<vmem>> -> memref<128x128xf32, #tpu.memory_space<vmem>>
          %dma_wait3A_807 = arith.constant 0 : i32
          %dma_wait3A_808 = tpu.memref_slice %arg4[%add3A_801, %dma_wait3A_807] : memref<3276800x128xf32, #tpu.memory_space<hbm>> -> memref<128x128xf32, #tpu.memory_space<hbm>>
          %dma_wait3A_809 = arith.constant 0 : i32
          %dma_wait3A_810 = tpu.memref_slice %arg4[%add3A_801, %dma_wait3A_809] : memref<3276800x128xf32, #tpu.memory_space<hbm>> -> memref<128x128xf32, #tpu.memory_space<hbm>>
          %dma_wait3A_811 = arith.constant 0 : i32
          %dma_wait3A_812 = arith.constant 0 : i32
          %dma_wait3A_813 = tpu.memref_slice %arg7[%dma_wait3A_802, %dma_wait3A_811, %dma_wait3A_812] : memref<4x128x128xf32, #tpu.memory_space<vmem>> -> memref<1x128x128xf32, #tpu.memory_space<vmem>>
          %dma_wait3A_814 = tpu.memref_squeeze %dma_wait3A_813 : memref<1x128x128xf32, #tpu.memory_space<vmem>> -> memref<128x128xf32, #tpu.memory_space<vmem>>
          tpu.wait_dma2 semaphore(%arg17 : memref<!tpu.dma_semaphore, #tpu.memory_space<semaphore_mem>>) src(%dma_wait3A_814 : memref<128x128xf32, #tpu.memory_space<vmem>>) dst(%dma_wait3A_810 : memref<128x128xf32, #tpu.memory_space<hbm>>)
        } else {
        }
        %add3A_784 = arith.constant 2 : i32
        %add3A_785 = arith.addi %add3A_666, %add3A_784 : i32
        %dma_start3A_786 = arith.constant 0 : i32
        %dma_start3A_787 = arith.constant 3 : i32
        %dma_start3A_788 = arith.constant 0 : i32
        %dma_start3A_789 = arith.constant 0 : i32
        %dma_start3A_790 = tpu.memref_slice %arg7[%dma_start3A_787, %dma_start3A_788, %dma_start3A_789] : memref<4x128x128xf32, #tpu.memory_space<vmem>> -> memref<1x128x128xf32, #tpu.memory_space<vmem>>
        %dma_start3A_791 = tpu.memref_squeeze %dma_start3A_790 : memref<1x128x128xf32, #tpu.memory_space<vmem>> -> memref<128x128xf32, #tpu.memory_space<vmem>>
        %dma_start3A_792 = arith.constant 0 : i32
        %dma_start3A_793 = tpu.memref_slice %arg6[%dma_start3A_786, %add3A_785, %dma_start3A_792] : memref<2x160x128xi32, #tpu.memory_space<vmem>> -> memref<1x1x128xi32, #tpu.memory_space<vmem>>
        %dma_start3A_794 = tpu.memref_squeeze %dma_start3A_793 : memref<1x1x128xi32, #tpu.memory_space<vmem>> -> memref<128xi32, #tpu.memory_space<vmem>>
        %dma_start3A_795 = arith.constant 0 : i32
        %dma_start3A_796 = arith.constant 0 : i32
        %dma_start3A_797 = tpu.memref_slice %arg5[%dma_start3A_795, %dma_start3A_796] : memref<128x128xf32, #tpu.memory_space<vmem_shared>> -> memref<128x128xf32, #tpu.memory_space<vmem_shared>>
        tpu.enqueue_indirect_dma source(%dma_start3A_797 : memref<128x128xf32, #tpu.memory_space<vmem_shared>>) target(%dma_start3A_791 : memref<128x128xf32, #tpu.memory_space<vmem>>) offsets(%dma_start3A_794 : memref<128xi32, #tpu.memory_space<vmem>>) semaphore(%arg13 : memref<!tpu.dma_semaphore, #tpu.memory_space<semaphore_mem>>)
      } else {
      }
      %dma_wait3A_674 = arith.constant 0 : i32
      %dma_wait3A_675 = arith.constant 1 : i32
      %dma_wait3A_676 = arith.constant 0 : i32
      %dma_wait3A_677 = arith.constant 0 : i32
      %dma_wait3A_678 = tpu.memref_slice %arg7[%dma_wait3A_675, %dma_wait3A_676, %dma_wait3A_677] : memref<4x128x128xf32, #tpu.memory_space<vmem>> -> memref<1x128x128xf32, #tpu.memory_space<vmem>>
      %dma_wait3A_679 = tpu.memref_squeeze %dma_wait3A_678 : memref<1x128x128xf32, #tpu.memory_space<vmem>> -> memref<128x128xf32, #tpu.memory_space<vmem>>
      %dma_wait3A_680 = arith.constant 0 : i32
      %dma_wait3A_681 = tpu.memref_slice %arg6[%dma_wait3A_674, %add3A_666, %dma_wait3A_680] : memref<2x160x128xi32, #tpu.memory_space<vmem>> -> memref<1x1x128xi32, #tpu.memory_space<vmem>>
      %dma_wait3A_682 = tpu.memref_squeeze %dma_wait3A_681 : memref<1x1x128xi32, #tpu.memory_space<vmem>> -> memref<128xi32, #tpu.memory_space<vmem>>
      %dma_wait3A_683 = arith.constant 0 : i32
      %dma_wait3A_684 = arith.constant 0 : i32
      %dma_wait3A_685 = tpu.memref_slice %arg5[%dma_wait3A_683, %dma_wait3A_684] : memref<128x128xf32, #tpu.memory_space<vmem_shared>> -> memref<128x128xf32, #tpu.memory_space<vmem_shared>>
      tpu.wait_indirect_dma semaphore(%arg11 : memref<!tpu.dma_semaphore, #tpu.memory_space<semaphore_mem>>) src(%dma_wait3A_685 : memref<128x128xf32, #tpu.memory_space<vmem_shared>>) dst(%dma_wait3A_679 : memref<128x128xf32, #tpu.memory_space<vmem>>)
      %mul3A_686 = arith.constant 128 : i32
      %mul3A_687 = arith.muli %add3A_666, %mul3A_686 : i32
      %add3A_688 = arith.addi %add3A_268, %mul3A_687 : i32
      %dma_start3A_689 = arith.constant 1 : i32
      %dma_start3A_690 = arith.constant 0 : i32
      %dma_start3A_691 = arith.constant 0 : i32
      %dma_start3A_692 = tpu.memref_slice %arg7[%dma_start3A_689, %dma_start3A_690, %dma_start3A_691] : memref<4x128x128xf32, #tpu.memory_space<vmem>> -> memref<1x128x128xf32, #tpu.memory_space<vmem>>
      %dma_start3A_693 = tpu.memref_squeeze %dma_start3A_692 : memref<1x128x128xf32, #tpu.memory_space<vmem>> -> memref<128x128xf32, #tpu.memory_space<vmem>>
      %dma_start3A_694 = arith.constant 0 : i32
      %dma_start3A_695 = tpu.memref_slice %arg4[%add3A_688, %dma_start3A_694] : memref<3276800x128xf32, #tpu.memory_space<hbm>> -> memref<128x128xf32, #tpu.memory_space<hbm>>
      %dma_start3A_696 = arith.constant 0 : i32
      %dma_start3A_697 = tpu.memref_slice %arg4[%add3A_688, %dma_start3A_696] : memref<3276800x128xf32, #tpu.memory_space<hbm>> -> memref<128x128xf32, #tpu.memory_space<hbm>>
      %dma_start3A_698 = arith.constant 0 : i32
      %dma_start3A_699 = arith.constant 0 : i32
      %dma_start3A_700 = tpu.memref_slice %arg7[%dma_start3A_689, %dma_start3A_698, %dma_start3A_699] : memref<4x128x128xf32, #tpu.memory_space<vmem>> -> memref<1x128x128xf32, #tpu.memory_space<vmem>>
      %dma_start3A_701 = tpu.memref_squeeze %dma_start3A_700 : memref<1x128x128xf32, #tpu.memory_space<vmem>> -> memref<128x128xf32, #tpu.memory_space<vmem>>
      tpu.enqueue_dma source(%dma_start3A_701 : memref<128x128xf32, #tpu.memory_space<vmem>>) target(%dma_start3A_697 : memref<128x128xf32, #tpu.memory_space<hbm>>) target_semaphore(%arg15 : memref<!tpu.dma_semaphore, #tpu.memory_space<semaphore_mem>>)
      %mul3A_702 = arith.constant 4 : i32
      %mul3A_703 = arith.muli %scan3A_624, %mul3A_702 : i32
      %add3A_704 = arith.constant 2 : i32
      %add3A_705 = arith.addi %mul3A_703, %add3A_704 : i32
      %add3A_706 = arith.constant 2 : i32
      %add3A_707 = arith.addi %add3A_705, %add3A_706 : i32
      %lt3A_708 = arith.constant 160 : i32
      %lt3A_709 = arith.cmpi slt, %add3A_707, %lt3A_708 : i32
      %convert_element_type3A_710 = arith.extui %lt3A_709 : i1 to i32
      %cond3A_711 = arith.constant 0 : i32
      %cond3A_712 = arith.cmpi ne, %convert_element_type3A_710, %cond3A_711 : i32
      scf.if %cond3A_712 {
        %ge3A = arith.constant 2 : i32
        %ge3A_780 = arith.cmpi sge, %add3A_705, %ge3A : i32
        %convert_element_type3A_781 = arith.extui %ge3A_780 : i1 to i32
        %cond3A_782 = arith.constant 0 : i32
        %cond3A_783 = arith.cmpi ne, %convert_element_type3A_781, %cond3A_782 : i32
        scf.if %cond3A_783 {
          %sub3A = arith.constant 2 : i32
          %sub3A_798 = arith.subi %add3A_705, %sub3A : i32
          %mul3A_799 = arith.constant 128 : i32
          %mul3A_800 = arith.muli %sub3A_798, %mul3A_799 : i32
          %add3A_801 = arith.addi %add3A_268, %mul3A_800 : i32
          %dma_wait3A_802 = arith.constant 0 : i32
          %dma_wait3A_803 = arith.constant 0 : i32
          %dma_wait3A_804 = arith.constant 0 : i32
          %dma_wait3A_805 = tpu.memref_slice %arg7[%dma_wait3A_802, %dma_wait3A_803, %dma_wait3A_804] : memref<4x128x128xf32, #tpu.memory_space<vmem>> -> memref<1x128x128xf32, #tpu.memory_space<vmem>>
          %dma_wait3A_806 = tpu.memref_squeeze %dma_wait3A_805 : memref<1x128x128xf32, #tpu.memory_space<vmem>> -> memref<128x128xf32, #tpu.memory_space<vmem>>
          %dma_wait3A_807 = arith.constant 0 : i32
          %dma_wait3A_808 = tpu.memref_slice %arg4[%add3A_801, %dma_wait3A_807] : memref<3276800x128xf32, #tpu.memory_space<hbm>> -> memref<128x128xf32, #tpu.memory_space<hbm>>
          %dma_wait3A_809 = arith.constant 0 : i32
          %dma_wait3A_810 = tpu.memref_slice %arg4[%add3A_801, %dma_wait3A_809] : memref<3276800x128xf32, #tpu.memory_space<hbm>> -> memref<128x128xf32, #tpu.memory_space<hbm>>
          %dma_wait3A_811 = arith.constant 0 : i32
          %dma_wait3A_812 = arith.constant 0 : i32
          %dma_wait3A_813 = tpu.memref_slice %arg7[%dma_wait3A_802, %dma_wait3A_811, %dma_wait3A_812] : memref<4x128x128xf32, #tpu.memory_space<vmem>> -> memref<1x128x128xf32, #tpu.memory_space<vmem>>
          %dma_wait3A_814 = tpu.memref_squeeze %dma_wait3A_813 : memref<1x128x128xf32, #tpu.memory_space<vmem>> -> memref<128x128xf32, #tpu.memory_space<vmem>>
          tpu.wait_dma2 semaphore(%arg14 : memref<!tpu.dma_semaphore, #tpu.memory_space<semaphore_mem>>) src(%dma_wait3A_814 : memref<128x128xf32, #tpu.memory_space<vmem>>) dst(%dma_wait3A_810 : memref<128x128xf32, #tpu.memory_space<hbm>>)
        } else {
        }
        %add3A_784 = arith.constant 2 : i32
        %add3A_785 = arith.addi %add3A_705, %add3A_784 : i32
        %dma_start3A_786 = arith.constant 0 : i32
        %dma_start3A_787 = arith.constant 0 : i32
        %dma_start3A_788 = arith.constant 0 : i32
        %dma_start3A_789 = arith.constant 0 : i32
        %dma_start3A_790 = tpu.memref_slice %arg7[%dma_start3A_787, %dma_start3A_788, %dma_start3A_789] : memref<4x128x128xf32, #tpu.memory_space<vmem>> -> memref<1x128x128xf32, #tpu.memory_space<vmem>>
        %dma_start3A_791 = tpu.memref_squeeze %dma_start3A_790 : memref<1x128x128xf32, #tpu.memory_space<vmem>> -> memref<128x128xf32, #tpu.memory_space<vmem>>
        %dma_start3A_792 = arith.constant 0 : i32
        %dma_start3A_793 = tpu.memref_slice %arg6[%dma_start3A_786, %add3A_785, %dma_start3A_792] : memref<2x160x128xi32, #tpu.memory_space<vmem>> -> memref<1x1x128xi32, #tpu.memory_space<vmem>>
        %dma_start3A_794 = tpu.memref_squeeze %dma_start3A_793 : memref<1x1x128xi32, #tpu.memory_space<vmem>> -> memref<128xi32, #tpu.memory_space<vmem>>
        %dma_start3A_795 = arith.constant 0 : i32
        %dma_start3A_796 = arith.constant 0 : i32
        %dma_start3A_797 = tpu.memref_slice %arg5[%dma_start3A_795, %dma_start3A_796] : memref<128x128xf32, #tpu.memory_space<vmem_shared>> -> memref<128x128xf32, #tpu.memory_space<vmem_shared>>
        tpu.enqueue_indirect_dma source(%dma_start3A_797 : memref<128x128xf32, #tpu.memory_space<vmem_shared>>) target(%dma_start3A_791 : memref<128x128xf32, #tpu.memory_space<vmem>>) offsets(%dma_start3A_794 : memref<128xi32, #tpu.memory_space<vmem>>) semaphore(%arg10 : memref<!tpu.dma_semaphore, #tpu.memory_space<semaphore_mem>>)
      } else {
      }
      %dma_wait3A_713 = arith.constant 0 : i32
      %dma_wait3A_714 = arith.constant 2 : i32
      %dma_wait3A_715 = arith.constant 0 : i32
      %dma_wait3A_716 = arith.constant 0 : i32
      %dma_wait3A_717 = tpu.memref_slice %arg7[%dma_wait3A_714, %dma_wait3A_715, %dma_wait3A_716] : memref<4x128x128xf32, #tpu.memory_space<vmem>> -> memref<1x128x128xf32, #tpu.memory_space<vmem>>
      %dma_wait3A_718 = tpu.memref_squeeze %dma_wait3A_717 : memref<1x128x128xf32, #tpu.memory_space<vmem>> -> memref<128x128xf32, #tpu.memory_space<vmem>>
      %dma_wait3A_719 = arith.constant 0 : i32
      %dma_wait3A_720 = tpu.memref_slice %arg6[%dma_wait3A_713, %add3A_705, %dma_wait3A_719] : memref<2x160x128xi32, #tpu.memory_space<vmem>> -> memref<1x1x128xi32, #tpu.memory_space<vmem>>
      %dma_wait3A_721 = tpu.memref_squeeze %dma_wait3A_720 : memref<1x1x128xi32, #tpu.memory_space<vmem>> -> memref<128xi32, #tpu.memory_space<vmem>>
      %dma_wait3A_722 = arith.constant 0 : i32
      %dma_wait3A_723 = arith.constant 0 : i32
      %dma_wait3A_724 = tpu.memref_slice %arg5[%dma_wait3A_722, %dma_wait3A_723] : memref<128x128xf32, #tpu.memory_space<vmem_shared>> -> memref<128x128xf32, #tpu.memory_space<vmem_shared>>
      tpu.wait_indirect_dma semaphore(%arg12 : memref<!tpu.dma_semaphore, #tpu.memory_space<semaphore_mem>>) src(%dma_wait3A_724 : memref<128x128xf32, #tpu.memory_space<vmem_shared>>) dst(%dma_wait3A_718 : memref<128x128xf32, #tpu.memory_space<vmem>>)
      %mul3A_725 = arith.constant 128 : i32
      %mul3A_726 = arith.muli %add3A_705, %mul3A_725 : i32
      %add3A_727 = arith.addi %add3A_268, %mul3A_726 : i32
      %dma_start3A_728 = arith.constant 2 : i32
      %dma_start3A_729 = arith.constant 0 : i32
      %dma_start3A_730 = arith.constant 0 : i32
      %dma_start3A_731 = tpu.memref_slice %arg7[%dma_start3A_728, %dma_start3A_729, %dma_start3A_730] : memref<4x128x128xf32, #tpu.memory_space<vmem>> -> memref<1x128x128xf32, #tpu.memory_space<vmem>>
      %dma_start3A_732 = tpu.memref_squeeze %dma_start3A_731 : memref<1x128x128xf32, #tpu.memory_space<vmem>> -> memref<128x128xf32, #tpu.memory_space<vmem>>
      %dma_start3A_733 = arith.constant 0 : i32
      %dma_start3A_734 = tpu.memref_slice %arg4[%add3A_727, %dma_start3A_733] : memref<3276800x128xf32, #tpu.memory_space<hbm>> -> memref<128x128xf32, #tpu.memory_space<hbm>>
      %dma_start3A_735 = arith.constant 0 : i32
      %dma_start3A_736 = tpu.memref_slice %arg4[%add3A_727, %dma_start3A_735] : memref<3276800x128xf32, #tpu.memory_space<hbm>> -> memref<128x128xf32, #tpu.memory_space<hbm>>
      %dma_start3A_737 = arith.constant 0 : i32
      %dma_start3A_738 = arith.constant 0 : i32
      %dma_start3A_739 = tpu.memref_slice %arg7[%dma_start3A_728, %dma_start3A_737, %dma_start3A_738] : memref<4x128x128xf32, #tpu.memory_space<vmem>> -> memref<1x128x128xf32, #tpu.memory_space<vmem>>
      %dma_start3A_740 = tpu.memref_squeeze %dma_start3A_739 : memref<1x128x128xf32, #tpu.memory_space<vmem>> -> memref<128x128xf32, #tpu.memory_space<vmem>>
      tpu.enqueue_dma source(%dma_start3A_740 : memref<128x128xf32, #tpu.memory_space<vmem>>) target(%dma_start3A_736 : memref<128x128xf32, #tpu.memory_space<hbm>>) target_semaphore(%arg16 : memref<!tpu.dma_semaphore, #tpu.memory_space<semaphore_mem>>)
      %mul3A_741 = arith.constant 4 : i32
      %mul3A_742 = arith.muli %scan3A_624, %mul3A_741 : i32
      %add3A_743 = arith.constant 3 : i32
      %add3A_744 = arith.addi %mul3A_742, %add3A_743 : i32
      %add3A_745 = arith.constant 2 : i32
      %add3A_746 = arith.addi %add3A_744, %add3A_745 : i32
      %lt3A_747 = arith.constant 160 : i32
      %lt3A_748 = arith.cmpi slt, %add3A_746, %lt3A_747 : i32
      %convert_element_type3A_749 = arith.extui %lt3A_748 : i1 to i32
      %cond3A_750 = arith.constant 0 : i32
      %cond3A_751 = arith.cmpi ne, %convert_element_type3A_749, %cond3A_750 : i32
      scf.if %cond3A_751 {
        %ge3A = arith.constant 2 : i32
        %ge3A_780 = arith.cmpi sge, %add3A_744, %ge3A : i32
        %convert_element_type3A_781 = arith.extui %ge3A_780 : i1 to i32
        %cond3A_782 = arith.constant 0 : i32
        %cond3A_783 = arith.cmpi ne, %convert_element_type3A_781, %cond3A_782 : i32
        scf.if %cond3A_783 {
          %sub3A = arith.constant 2 : i32
          %sub3A_798 = arith.subi %add3A_744, %sub3A : i32
          %mul3A_799 = arith.constant 128 : i32
          %mul3A_800 = arith.muli %sub3A_798, %mul3A_799 : i32
          %add3A_801 = arith.addi %add3A_268, %mul3A_800 : i32
          %dma_wait3A_802 = arith.constant 1 : i32
          %dma_wait3A_803 = arith.constant 0 : i32
          %dma_wait3A_804 = arith.constant 0 : i32
          %dma_wait3A_805 = tpu.memref_slice %arg7[%dma_wait3A_802, %dma_wait3A_803, %dma_wait3A_804] : memref<4x128x128xf32, #tpu.memory_space<vmem>> -> memref<1x128x128xf32, #tpu.memory_space<vmem>>
          %dma_wait3A_806 = tpu.memref_squeeze %dma_wait3A_805 : memref<1x128x128xf32, #tpu.memory_space<vmem>> -> memref<128x128xf32, #tpu.memory_space<vmem>>
          %dma_wait3A_807 = arith.constant 0 : i32
          %dma_wait3A_808 = tpu.memref_slice %arg4[%add3A_801, %dma_wait3A_807] : memref<3276800x128xf32, #tpu.memory_space<hbm>> -> memref<128x128xf32, #tpu.memory_space<hbm>>
          %dma_wait3A_809 = arith.constant 0 : i32
          %dma_wait3A_810 = tpu.memref_slice %arg4[%add3A_801, %dma_wait3A_809] : memref<3276800x128xf32, #tpu.memory_space<hbm>> -> memref<128x128xf32, #tpu.memory_space<hbm>>
          %dma_wait3A_811 = arith.constant 0 : i32
          %dma_wait3A_812 = arith.constant 0 : i32
          %dma_wait3A_813 = tpu.memref_slice %arg7[%dma_wait3A_802, %dma_wait3A_811, %dma_wait3A_812] : memref<4x128x128xf32, #tpu.memory_space<vmem>> -> memref<1x128x128xf32, #tpu.memory_space<vmem>>
          %dma_wait3A_814 = tpu.memref_squeeze %dma_wait3A_813 : memref<1x128x128xf32, #tpu.memory_space<vmem>> -> memref<128x128xf32, #tpu.memory_space<vmem>>
          tpu.wait_dma2 semaphore(%arg15 : memref<!tpu.dma_semaphore, #tpu.memory_space<semaphore_mem>>) src(%dma_wait3A_814 : memref<128x128xf32, #tpu.memory_space<vmem>>) dst(%dma_wait3A_810 : memref<128x128xf32, #tpu.memory_space<hbm>>)
        } else {
        }
        %add3A_784 = arith.constant 2 : i32
        %add3A_785 = arith.addi %add3A_744, %add3A_784 : i32
        %dma_start3A_786 = arith.constant 0 : i32
        %dma_start3A_787 = arith.constant 1 : i32
        %dma_start3A_788 = arith.constant 0 : i32
        %dma_start3A_789 = arith.constant 0 : i32
        %dma_start3A_790 = tpu.memref_slice %arg7[%dma_start3A_787, %dma_start3A_788, %dma_start3A_789] : memref<4x128x128xf32, #tpu.memory_space<vmem>> -> memref<1x128x128xf32, #tpu.memory_space<vmem>>
        %dma_start3A_791 = tpu.memref_squeeze %dma_start3A_790 : memref<1x128x128xf32, #tpu.memory_space<vmem>> -> memref<128x128xf32, #tpu.memory_space<vmem>>
        %dma_start3A_792 = arith.constant 0 : i32
        %dma_start3A_793 = tpu.memref_slice %arg6[%dma_start3A_786, %add3A_785, %dma_start3A_792] : memref<2x160x128xi32, #tpu.memory_space<vmem>> -> memref<1x1x128xi32, #tpu.memory_space<vmem>>
        %dma_start3A_794 = tpu.memref_squeeze %dma_start3A_793 : memref<1x1x128xi32, #tpu.memory_space<vmem>> -> memref<128xi32, #tpu.memory_space<vmem>>
        %dma_start3A_795 = arith.constant 0 : i32
        %dma_start3A_796 = arith.constant 0 : i32
        %dma_start3A_797 = tpu.memref_slice %arg5[%dma_start3A_795, %dma_start3A_796] : memref<128x128xf32, #tpu.memory_space<vmem_shared>> -> memref<128x128xf32, #tpu.memory_space<vmem_shared>>
        tpu.enqueue_indirect_dma source(%dma_start3A_797 : memref<128x128xf32, #tpu.memory_space<vmem_shared>>) target(%dma_start3A_791 : memref<128x128xf32, #tpu.memory_space<vmem>>) offsets(%dma_start3A_794 : memref<128xi32, #tpu.memory_space<vmem>>) semaphore(%arg11 : memref<!tpu.dma_semaphore, #tpu.memory_space<semaphore_mem>>)
      } else {
      }
      %dma_wait3A_752 = arith.constant 0 : i32
      %dma_wait3A_753 = arith.constant 3 : i32
      %dma_wait3A_754 = arith.constant 0 : i32
      %dma_wait3A_755 = arith.constant 0 : i32
      %dma_wait3A_756 = tpu.memref_slice %arg7[%dma_wait3A_753, %dma_wait3A_754, %dma_wait3A_755] : memref<4x128x128xf32, #tpu.memory_space<vmem>> -> memref<1x128x128xf32, #tpu.memory_space<vmem>>
      %dma_wait3A_757 = tpu.memref_squeeze %dma_wait3A_756 : memref<1x128x128xf32, #tpu.memory_space<vmem>> -> memref<128x128xf32, #tpu.memory_space<vmem>>
      %dma_wait3A_758 = arith.constant 0 : i32
      %dma_wait3A_759 = tpu.memref_slice %arg6[%dma_wait3A_752, %add3A_744, %dma_wait3A_758] : memref<2x160x128xi32, #tpu.memory_space<vmem>> -> memref<1x1x128xi32, #tpu.memory_space<vmem>>
      %dma_wait3A_760 = tpu.memref_squeeze %dma_wait3A_759 : memref<1x1x128xi32, #tpu.memory_space<vmem>> -> memref<128xi32, #tpu.memory_space<vmem>>
      %dma_wait3A_761 = arith.constant 0 : i32
      %dma_wait3A_762 = arith.constant 0 : i32
      %dma_wait3A_763 = tpu.memref_slice %arg5[%dma_wait3A_761, %dma_wait3A_762] : memref<128x128xf32, #tpu.memory_space<vmem_shared>> -> memref<128x128xf32, #tpu.memory_space<vmem_shared>>
      tpu.wait_indirect_dma semaphore(%arg13 : memref<!tpu.dma_semaphore, #tpu.memory_space<semaphore_mem>>) src(%dma_wait3A_763 : memref<128x128xf32, #tpu.memory_space<vmem_shared>>) dst(%dma_wait3A_757 : memref<128x128xf32, #tpu.memory_space<vmem>>)
      %mul3A_764 = arith.constant 128 : i32
      %mul3A_765 = arith.muli %add3A_744, %mul3A_764 : i32
      %add3A_766 = arith.addi %add3A_268, %mul3A_765 : i32
      %dma_start3A_767 = arith.constant 3 : i32
      %dma_start3A_768 = arith.constant 0 : i32
      %dma_start3A_769 = arith.constant 0 : i32
      %dma_start3A_770 = tpu.memref_slice %arg7[%dma_start3A_767, %dma_start3A_768, %dma_start3A_769] : memref<4x128x128xf32, #tpu.memory_space<vmem>> -> memref<1x128x128xf32, #tpu.memory_space<vmem>>
      %dma_start3A_771 = tpu.memref_squeeze %dma_start3A_770 : memref<1x128x128xf32, #tpu.memory_space<vmem>> -> memref<128x128xf32, #tpu.memory_space<vmem>>
      %dma_start3A_772 = arith.constant 0 : i32
      %dma_start3A_773 = tpu.memref_slice %arg4[%add3A_766, %dma_start3A_772] : memref<3276800x128xf32, #tpu.memory_space<hbm>> -> memref<128x128xf32, #tpu.memory_space<hbm>>
      %dma_start3A_774 = arith.constant 0 : i32
      %dma_start3A_775 = tpu.memref_slice %arg4[%add3A_766, %dma_start3A_774] : memref<3276800x128xf32, #tpu.memory_space<hbm>> -> memref<128x128xf32, #tpu.memory_space<hbm>>
      %dma_start3A_776 = arith.constant 0 : i32
      %dma_start3A_777 = arith.constant 0 : i32
      %dma_start3A_778 = tpu.memref_slice %arg7[%dma_start3A_767, %dma_start3A_776, %dma_start3A_777] : memref<4x128x128xf32, #tpu.memory_space<vmem>> -> memref<1x128x128xf32, #tpu.memory_space<vmem>>
      %dma_start3A_779 = tpu.memref_squeeze %dma_start3A_778 : memref<1x128x128xf32, #tpu.memory_space<vmem>> -> memref<128x128xf32, #tpu.memory_space<vmem>>
      tpu.enqueue_dma source(%dma_start3A_779 : memref<128x128xf32, #tpu.memory_space<vmem>>) target(%dma_start3A_775 : memref<128x128xf32, #tpu.memory_space<hbm>>) target_semaphore(%arg17 : memref<!tpu.dma_semaphore, #tpu.memory_space<semaphore_mem>>)
    }
    %scan3A_330 = arith.constant 40 : i32
    %add3A_331 = arith.constant 19968 : i32
    %add3A_332 = arith.addi %add3A_268, %add3A_331 : i32
    %dma_wait3A_333 = arith.constant 0 : i32
    %dma_wait3A_334 = arith.constant 0 : i32
    %dma_wait3A_335 = arith.constant 0 : i32
    %dma_wait3A_336 = tpu.memref_slice %arg7[%dma_wait3A_333, %dma_wait3A_334, %dma_wait3A_335] : memref<4x128x128xf32, #tpu.memory_space<vmem>> -> memref<1x128x128xf32, #tpu.memory_space<vmem>>
    %dma_wait3A_337 = tpu.memref_squeeze %dma_wait3A_336 : memref<1x128x128xf32, #tpu.memory_space<vmem>> -> memref<128x128xf32, #tpu.memory_space<vmem>>
    %dma_wait3A_338 = arith.constant 0 : i32
    %dma_wait3A_339 = tpu.memref_slice %arg4[%add3A_332, %dma_wait3A_338] : memref<3276800x128xf32, #tpu.memory_space<hbm>> -> memref<128x128xf32, #tpu.memory_space<hbm>>
    %dma_wait3A_340 = arith.constant 0 : i32
    %dma_wait3A_341 = tpu.memref_slice %arg4[%add3A_332, %dma_wait3A_340] : memref<3276800x128xf32, #tpu.memory_space<hbm>> -> memref<128x128xf32, #tpu.memory_space<hbm>>
    %dma_wait3A_342 = arith.constant 0 : i32
    %dma_wait3A_343 = arith.constant 0 : i32
    %dma_wait3A_344 = tpu.memref_slice %arg7[%dma_wait3A_333, %dma_wait3A_342, %dma_wait3A_343] : memref<4x128x128xf32, #tpu.memory_space<vmem>> -> memref<1x128x128xf32, #tpu.memory_space<vmem>>
    %dma_wait3A_345 = tpu.memref_squeeze %dma_wait3A_344 : memref<1x128x128xf32, #tpu.memory_space<vmem>> -> memref<128x128xf32, #tpu.memory_space<vmem>>
    tpu.wait_dma2 semaphore(%arg14 : memref<!tpu.dma_semaphore, #tpu.memory_space<semaphore_mem>>) src(%dma_wait3A_345 : memref<128x128xf32, #tpu.memory_space<vmem>>) dst(%dma_wait3A_341 : memref<128x128xf32, #tpu.memory_space<hbm>>)
    %add3A_346 = arith.constant 20096 : i32
    %add3A_347 = arith.addi %add3A_268, %add3A_346 : i32
    %dma_wait3A_348 = arith.constant 1 : i32
    %dma_wait3A_349 = arith.constant 0 : i32
    %dma_wait3A_350 = arith.constant 0 : i32
    %dma_wait3A_351 = tpu.memref_slice %arg7[%dma_wait3A_348, %dma_wait3A_349, %dma_wait3A_350] : memref<4x128x128xf32, #tpu.memory_space<vmem>> -> memref<1x128x128xf32, #tpu.memory_space<vmem>>
    %dma_wait3A_352 = tpu.memref_squeeze %dma_wait3A_351 : memref<1x128x128xf32, #tpu.memory_space<vmem>> -> memref<128x128xf32, #tpu.memory_space<vmem>>
    %dma_wait3A_353 = arith.constant 0 : i32
    %dma_wait3A_354 = tpu.memref_slice %arg4[%add3A_347, %dma_wait3A_353] : memref<3276800x128xf32, #tpu.memory_space<hbm>> -> memref<128x128xf32, #tpu.memory_space<hbm>>
    %dma_wait3A_355 = arith.constant 0 : i32
    %dma_wait3A_356 = tpu.memref_slice %arg4[%add3A_347, %dma_wait3A_355] : memref<3276800x128xf32, #tpu.memory_space<hbm>> -> memref<128x128xf32, #tpu.memory_space<hbm>>
    %dma_wait3A_357 = arith.constant 0 : i32
    %dma_wait3A_358 = arith.constant 0 : i32
    %dma_wait3A_359 = tpu.memref_slice %arg7[%dma_wait3A_348, %dma_wait3A_357, %dma_wait3A_358] : memref<4x128x128xf32, #tpu.memory_space<vmem>> -> memref<1x128x128xf32, #tpu.memory_space<vmem>>
    %dma_wait3A_360 = tpu.memref_squeeze %dma_wait3A_359 : memref<1x128x128xf32, #tpu.memory_space<vmem>> -> memref<128x128xf32, #tpu.memory_space<vmem>>
    tpu.wait_dma2 semaphore(%arg15 : memref<!tpu.dma_semaphore, #tpu.memory_space<semaphore_mem>>) src(%dma_wait3A_360 : memref<128x128xf32, #tpu.memory_space<vmem>>) dst(%dma_wait3A_356 : memref<128x128xf32, #tpu.memory_space<hbm>>)
    %add3A_361 = arith.constant 20224 : i32
    %add3A_362 = arith.addi %add3A_268, %add3A_361 : i32
    %dma_wait3A_363 = arith.constant 2 : i32
    %dma_wait3A_364 = arith.constant 0 : i32
    %dma_wait3A_365 = arith.constant 0 : i32
    %dma_wait3A_366 = tpu.memref_slice %arg7[%dma_wait3A_363, %dma_wait3A_364, %dma_wait3A_365] : memref<4x128x128xf32, #tpu.memory_space<vmem>> -> memref<1x128x128xf32, #tpu.memory_space<vmem>>
    %dma_wait3A_367 = tpu.memref_squeeze %dma_wait3A_366 : memref<1x128x128xf32, #tpu.memory_space<vmem>> -> memref<128x128xf32, #tpu.memory_space<vmem>>
    %dma_wait3A_368 = arith.constant 0 : i32
    %dma_wait3A_369 = tpu.memref_slice %arg4[%add3A_362, %dma_wait3A_368] : memref<3276800x128xf32, #tpu.memory_space<hbm>> -> memref<128x128xf32, #tpu.memory_space<hbm>>
    %dma_wait3A_370 = arith.constant 0 : i32
    %dma_wait3A_371 = tpu.memref_slice %arg4[%add3A_362, %dma_wait3A_370] : memref<3276800x128xf32, #tpu.memory_space<hbm>> -> memref<128x128xf32, #tpu.memory_space<hbm>>
    %dma_wait3A_372 = arith.constant 0 : i32
    %dma_wait3A_373 = arith.constant 0 : i32
    %dma_wait3A_374 = tpu.memref_slice %arg7[%dma_wait3A_363, %dma_wait3A_372, %dma_wait3A_373] : memref<4x128x128xf32, #tpu.memory_space<vmem>> -> memref<1x128x128xf32, #tpu.memory_space<vmem>>
    %dma_wait3A_375 = tpu.memref_squeeze %dma_wait3A_374 : memref<1x128x128xf32, #tpu.memory_space<vmem>> -> memref<128x128xf32, #tpu.memory_space<vmem>>
    tpu.wait_dma2 semaphore(%arg16 : memref<!tpu.dma_semaphore, #tpu.memory_space<semaphore_mem>>) src(%dma_wait3A_375 : memref<128x128xf32, #tpu.memory_space<vmem>>) dst(%dma_wait3A_371 : memref<128x128xf32, #tpu.memory_space<hbm>>)
    %add3A_376 = arith.constant 20352 : i32
    %add3A_377 = arith.addi %add3A_268, %add3A_376 : i32
    %dma_wait3A_378 = arith.constant 3 : i32
    %dma_wait3A_379 = arith.constant 0 : i32
    %dma_wait3A_380 = arith.constant 0 : i32
    %dma_wait3A_381 = tpu.memref_slice %arg7[%dma_wait3A_378, %dma_wait3A_379, %dma_wait3A_380] : memref<4x128x128xf32, #tpu.memory_space<vmem>> -> memref<1x128x128xf32, #tpu.memory_space<vmem>>
    %dma_wait3A_382 = tpu.memref_squeeze %dma_wait3A_381 : memref<1x128x128xf32, #tpu.memory_space<vmem>> -> memref<128x128xf32, #tpu.memory_space<vmem>>
    %dma_wait3A_383 = arith.constant 0 : i32
    %dma_wait3A_384 = tpu.memref_slice %arg4[%add3A_377, %dma_wait3A_383] : memref<3276800x128xf32, #tpu.memory_space<hbm>> -> memref<128x128xf32, #tpu.memory_space<hbm>>
    %dma_wait3A_385 = arith.constant 0 : i32
    %dma_wait3A_386 = tpu.memref_slice %arg4[%add3A_377, %dma_wait3A_385] : memref<3276800x128xf32, #tpu.memory_space<hbm>> -> memref<128x128xf32, #tpu.memory_space<hbm>>
    %dma_wait3A_387 = arith.constant 0 : i32
    %dma_wait3A_388 = arith.constant 0 : i32
    %dma_wait3A_389 = tpu.memref_slice %arg7[%dma_wait3A_378, %dma_wait3A_387, %dma_wait3A_388] : memref<4x128x128xf32, #tpu.memory_space<vmem>> -> memref<1x128x128xf32, #tpu.memory_space<vmem>>
    %dma_wait3A_390 = tpu.memref_squeeze %dma_wait3A_389 : memref<1x128x128xf32, #tpu.memory_space<vmem>> -> memref<128x128xf32, #tpu.memory_space<vmem>>
    tpu.wait_dma2 semaphore(%arg17 : memref<!tpu.dma_semaphore, #tpu.memory_space<semaphore_mem>>) src(%dma_wait3A_390 : memref<128x128xf32, #tpu.memory_space<vmem>>) dst(%dma_wait3A_386 : memref<128x128xf32, #tpu.memory_space<hbm>>)
    %add3A_391 = arith.constant 61440 : i32
    %add3A_392 = arith.addi %mul3A_4, %add3A_391 : i32
    %add3A_393 = arith.constant 480 : i32
    %add3A_394 = arith.addi %mul3A_2, %add3A_393 : i32
    %dma_wait3A_395 = arith.constant 1 : i32
    %dma_wait3A_396 = arith.constant 0 : i32
    %dma_wait3A_397 = arith.constant 0 : i32
    %dma_wait3A_398 = tpu.memref_slice %arg6[%dma_wait3A_395, %dma_wait3A_396, %dma_wait3A_397] : memref<2x160x128xi32, #tpu.memory_space<vmem>> -> memref<1x160x128xi32, #tpu.memory_space<vmem>>
    %dma_wait3A_399 = tpu.memref_squeeze %dma_wait3A_398 : memref<1x160x128xi32, #tpu.memory_space<vmem>> -> memref<160x128xi32, #tpu.memory_space<vmem>>
    %dma_wait3A_400 = arith.constant 0 : i32
    %dma_wait3A_401 = tpu.memref_slice %arg2[%add3A_394, %dma_wait3A_400] : memref<25600x128xi32, #tpu.memory_space<hbm>> -> memref<160x128xi32, #tpu.memory_space<hbm>>
    %dma_wait3A_402 = arith.constant 0 : i32
    %dma_wait3A_403 = arith.constant 0 : i32
    %dma_wait3A_404 = tpu.memref_slice %arg6[%dma_wait3A_395, %dma_wait3A_402, %dma_wait3A_403] : memref<2x160x128xi32, #tpu.memory_space<vmem>> -> memref<1x160x128xi32, #tpu.memory_space<vmem>>
    %dma_wait3A_405 = tpu.memref_squeeze %dma_wait3A_404 : memref<1x160x128xi32, #tpu.memory_space<vmem>> -> memref<160x128xi32, #tpu.memory_space<vmem>>
    %dma_wait3A_406 = arith.constant 0 : i32
    %dma_wait3A_407 = tpu.memref_slice %arg2[%add3A_394, %dma_wait3A_406] : memref<25600x128xi32, #tpu.memory_space<hbm>> -> memref<160x128xi32, #tpu.memory_space<hbm>>
    tpu.wait_dma2 semaphore(%arg9 : memref<!tpu.dma_semaphore, #tpu.memory_space<semaphore_mem>>) src(%dma_wait3A_407 : memref<160x128xi32, #tpu.memory_space<hbm>>) dst(%dma_wait3A_405 : memref<160x128xi32, #tpu.memory_space<vmem>>)
    %add3A_408 = arith.constant 640 : i32
    %add3A_409 = arith.addi %mul3A_2, %add3A_408 : i32
    %dma_start3A_410 = arith.constant 0 : i32
    %dma_start3A_411 = arith.constant 0 : i32
    %dma_start3A_412 = arith.constant 0 : i32
    %dma_start3A_413 = tpu.memref_slice %arg6[%dma_start3A_410, %dma_start3A_411, %dma_start3A_412] : memref<2x160x128xi32, #tpu.memory_space<vmem>> -> memref<1x160x128xi32, #tpu.memory_space<vmem>>
    %dma_start3A_414 = tpu.memref_squeeze %dma_start3A_413 : memref<1x160x128xi32, #tpu.memory_space<vmem>> -> memref<160x128xi32, #tpu.memory_space<vmem>>
    %dma_start3A_415 = arith.constant 0 : i32
    %dma_start3A_416 = tpu.memref_slice %arg2[%add3A_409, %dma_start3A_415] : memref<25600x128xi32, #tpu.memory_space<hbm>> -> memref<160x128xi32, #tpu.memory_space<hbm>>
    %dma_start3A_417 = arith.constant 0 : i32
    %dma_start3A_418 = arith.constant 0 : i32
    %dma_start3A_419 = tpu.memref_slice %arg6[%dma_start3A_410, %dma_start3A_417, %dma_start3A_418] : memref<2x160x128xi32, #tpu.memory_space<vmem>> -> memref<1x160x128xi32, #tpu.memory_space<vmem>>
    %dma_start3A_420 = tpu.memref_squeeze %dma_start3A_419 : memref<1x160x128xi32, #tpu.memory_space<vmem>> -> memref<160x128xi32, #tpu.memory_space<vmem>>
    %dma_start3A_421 = arith.constant 0 : i32
    %dma_start3A_422 = tpu.memref_slice %arg2[%add3A_409, %dma_start3A_421] : memref<25600x128xi32, #tpu.memory_space<hbm>> -> memref<160x128xi32, #tpu.memory_space<hbm>>
    tpu.enqueue_dma source(%dma_start3A_422 : memref<160x128xi32, #tpu.memory_space<hbm>>) target(%dma_start3A_420 : memref<160x128xi32, #tpu.memory_space<vmem>>) target_semaphore(%arg8 : memref<!tpu.dma_semaphore, #tpu.memory_space<semaphore_mem>>)
    %dma_start3A_423 = arith.constant 1 : i32
    %dma_start3A_424 = arith.constant 0 : i32
    %dma_start3A_425 = arith.constant 0 : i32
    %dma_start3A_426 = arith.constant 0 : i32
    %dma_start3A_427 = arith.constant 0 : i32
    %dma_start3A_428 = tpu.memref_slice %arg7[%dma_start3A_425, %dma_start3A_426, %dma_start3A_427] : memref<4x128x128xf32, #tpu.memory_space<vmem>> -> memref<1x128x128xf32, #tpu.memory_space<vmem>>
    %dma_start3A_429 = tpu.memref_squeeze %dma_start3A_428 : memref<1x128x128xf32, #tpu.memory_space<vmem>> -> memref<128x128xf32, #tpu.memory_space<vmem>>
    %dma_start3A_430 = arith.constant 0 : i32
    %dma_start3A_431 = tpu.memref_slice %arg6[%dma_start3A_423, %dma_start3A_424, %dma_start3A_430] : memref<2x160x128xi32, #tpu.memory_space<vmem>> -> memref<1x1x128xi32, #tpu.memory_space<vmem>>
    %dma_start3A_432 = tpu.memref_squeeze %dma_start3A_431 : memref<1x1x128xi32, #tpu.memory_space<vmem>> -> memref<128xi32, #tpu.memory_space<vmem>>
    %dma_start3A_433 = arith.constant 0 : i32
    %dma_start3A_434 = arith.constant 0 : i32
    %dma_start3A_435 = tpu.memref_slice %arg5[%dma_start3A_433, %dma_start3A_434] : memref<128x128xf32, #tpu.memory_space<vmem_shared>> -> memref<128x128xf32, #tpu.memory_space<vmem_shared>>
    tpu.enqueue_indirect_dma source(%dma_start3A_435 : memref<128x128xf32, #tpu.memory_space<vmem_shared>>) target(%dma_start3A_429 : memref<128x128xf32, #tpu.memory_space<vmem>>) offsets(%dma_start3A_432 : memref<128xi32, #tpu.memory_space<vmem>>) semaphore(%arg10 : memref<!tpu.dma_semaphore, #tpu.memory_space<semaphore_mem>>)
    %dma_start3A_436 = arith.constant 1 : i32
    %dma_start3A_437 = arith.constant 1 : i32
    %dma_start3A_438 = arith.constant 1 : i32
    %dma_start3A_439 = arith.constant 0 : i32
    %dma_start3A_440 = arith.constant 0 : i32
    %dma_start3A_441 = tpu.memref_slice %arg7[%dma_start3A_438, %dma_start3A_439, %dma_start3A_440] : memref<4x128x128xf32, #tpu.memory_space<vmem>> -> memref<1x128x128xf32, #tpu.memory_space<vmem>>
    %dma_start3A_442 = tpu.memref_squeeze %dma_start3A_441 : memref<1x128x128xf32, #tpu.memory_space<vmem>> -> memref<128x128xf32, #tpu.memory_space<vmem>>
    %dma_start3A_443 = arith.constant 0 : i32
    %dma_start3A_444 = tpu.memref_slice %arg6[%dma_start3A_436, %dma_start3A_437, %dma_start3A_443] : memref<2x160x128xi32, #tpu.memory_space<vmem>> -> memref<1x1x128xi32, #tpu.memory_space<vmem>>
    %dma_start3A_445 = tpu.memref_squeeze %dma_start3A_444 : memref<1x1x128xi32, #tpu.memory_space<vmem>> -> memref<128xi32, #tpu.memory_space<vmem>>
    %dma_start3A_446 = arith.constant 0 : i32
    %dma_start3A_447 = arith.constant 0 : i32
    %dma_start3A_448 = tpu.memref_slice %arg5[%dma_start3A_446, %dma_start3A_447] : memref<128x128xf32, #tpu.memory_space<vmem_shared>> -> memref<128x128xf32, #tpu.memory_space<vmem_shared>>
    tpu.enqueue_indirect_dma source(%dma_start3A_448 : memref<128x128xf32, #tpu.memory_space<vmem_shared>>) target(%dma_start3A_442 : memref<128x128xf32, #tpu.memory_space<vmem>>) offsets(%dma_start3A_445 : memref<128xi32, #tpu.memory_space<vmem>>) semaphore(%arg11 : memref<!tpu.dma_semaphore, #tpu.memory_space<semaphore_mem>>)
    %scan3A_449 = arith.constant 0 : i32
    %scan3A_450 = arith.constant 0 : i32
    %scan3A_451 = arith.constant 40 : i32
    %scan3A_452 = arith.addi %scan3A_450, %scan3A_451 : i32
    %scan3A_453 = arith.constant 1 : i32
    scf.for %scan3A_624 = %scan3A_450 to %scan3A_452 step %scan3A_453  : i32 {
      %mul3A_625 = arith.constant 4 : i32
      %mul3A_626 = arith.muli %scan3A_624, %mul3A_625 : i32
      %add3A_627 = arith.constant 0 : i32
      %add3A_628 = arith.addi %mul3A_626, %add3A_627 : i32
      %add3A_629 = arith.constant 2 : i32
      %add3A_630 = arith.addi %add3A_628, %add3A_629 : i32
      %lt3A = arith.constant 160 : i32
      %lt3A_631 = arith.cmpi slt, %add3A_630, %lt3A : i32
      %convert_element_type3A_632 = arith.extui %lt3A_631 : i1 to i32
      %cond3A_633 = arith.constant 0 : i32
      %cond3A_634 = arith.cmpi ne, %convert_element_type3A_632, %cond3A_633 : i32
      scf.if %cond3A_634 {
        %ge3A = arith.constant 2 : i32
        %ge3A_780 = arith.cmpi sge, %add3A_628, %ge3A : i32
        %convert_element_type3A_781 = arith.extui %ge3A_780 : i1 to i32
        %cond3A_782 = arith.constant 0 : i32
        %cond3A_783 = arith.cmpi ne, %convert_element_type3A_781, %cond3A_782 : i32
        scf.if %cond3A_783 {
          %sub3A = arith.constant 2 : i32
          %sub3A_798 = arith.subi %add3A_628, %sub3A : i32
          %mul3A_799 = arith.constant 128 : i32
          %mul3A_800 = arith.muli %sub3A_798, %mul3A_799 : i32
          %add3A_801 = arith.addi %add3A_392, %mul3A_800 : i32
          %dma_wait3A_802 = arith.constant 2 : i32
          %dma_wait3A_803 = arith.constant 0 : i32
          %dma_wait3A_804 = arith.constant 0 : i32
          %dma_wait3A_805 = tpu.memref_slice %arg7[%dma_wait3A_802, %dma_wait3A_803, %dma_wait3A_804] : memref<4x128x128xf32, #tpu.memory_space<vmem>> -> memref<1x128x128xf32, #tpu.memory_space<vmem>>
          %dma_wait3A_806 = tpu.memref_squeeze %dma_wait3A_805 : memref<1x128x128xf32, #tpu.memory_space<vmem>> -> memref<128x128xf32, #tpu.memory_space<vmem>>
          %dma_wait3A_807 = arith.constant 0 : i32
          %dma_wait3A_808 = tpu.memref_slice %arg4[%add3A_801, %dma_wait3A_807] : memref<3276800x128xf32, #tpu.memory_space<hbm>> -> memref<128x128xf32, #tpu.memory_space<hbm>>
          %dma_wait3A_809 = arith.constant 0 : i32
          %dma_wait3A_810 = tpu.memref_slice %arg4[%add3A_801, %dma_wait3A_809] : memref<3276800x128xf32, #tpu.memory_space<hbm>> -> memref<128x128xf32, #tpu.memory_space<hbm>>
          %dma_wait3A_811 = arith.constant 0 : i32
          %dma_wait3A_812 = arith.constant 0 : i32
          %dma_wait3A_813 = tpu.memref_slice %arg7[%dma_wait3A_802, %dma_wait3A_811, %dma_wait3A_812] : memref<4x128x128xf32, #tpu.memory_space<vmem>> -> memref<1x128x128xf32, #tpu.memory_space<vmem>>
          %dma_wait3A_814 = tpu.memref_squeeze %dma_wait3A_813 : memref<1x128x128xf32, #tpu.memory_space<vmem>> -> memref<128x128xf32, #tpu.memory_space<vmem>>
          tpu.wait_dma2 semaphore(%arg16 : memref<!tpu.dma_semaphore, #tpu.memory_space<semaphore_mem>>) src(%dma_wait3A_814 : memref<128x128xf32, #tpu.memory_space<vmem>>) dst(%dma_wait3A_810 : memref<128x128xf32, #tpu.memory_space<hbm>>)
        } else {
        }
        %add3A_784 = arith.constant 2 : i32
        %add3A_785 = arith.addi %add3A_628, %add3A_784 : i32
        %dma_start3A_786 = arith.constant 1 : i32
        %dma_start3A_787 = arith.constant 2 : i32
        %dma_start3A_788 = arith.constant 0 : i32
        %dma_start3A_789 = arith.constant 0 : i32
        %dma_start3A_790 = tpu.memref_slice %arg7[%dma_start3A_787, %dma_start3A_788, %dma_start3A_789] : memref<4x128x128xf32, #tpu.memory_space<vmem>> -> memref<1x128x128xf32, #tpu.memory_space<vmem>>
        %dma_start3A_791 = tpu.memref_squeeze %dma_start3A_790 : memref<1x128x128xf32, #tpu.memory_space<vmem>> -> memref<128x128xf32, #tpu.memory_space<vmem>>
        %dma_start3A_792 = arith.constant 0 : i32
        %dma_start3A_793 = tpu.memref_slice %arg6[%dma_start3A_786, %add3A_785, %dma_start3A_792] : memref<2x160x128xi32, #tpu.memory_space<vmem>> -> memref<1x1x128xi32, #tpu.memory_space<vmem>>
        %dma_start3A_794 = tpu.memref_squeeze %dma_start3A_793 : memref<1x1x128xi32, #tpu.memory_space<vmem>> -> memref<128xi32, #tpu.memory_space<vmem>>
        %dma_start3A_795 = arith.constant 0 : i32
        %dma_start3A_796 = arith.constant 0 : i32
        %dma_start3A_797 = tpu.memref_slice %arg5[%dma_start3A_795, %dma_start3A_796] : memref<128x128xf32, #tpu.memory_space<vmem_shared>> -> memref<128x128xf32, #tpu.memory_space<vmem_shared>>
        tpu.enqueue_indirect_dma source(%dma_start3A_797 : memref<128x128xf32, #tpu.memory_space<vmem_shared>>) target(%dma_start3A_791 : memref<128x128xf32, #tpu.memory_space<vmem>>) offsets(%dma_start3A_794 : memref<128xi32, #tpu.memory_space<vmem>>) semaphore(%arg12 : memref<!tpu.dma_semaphore, #tpu.memory_space<semaphore_mem>>)
      } else {
      }
      %dma_wait3A_635 = arith.constant 1 : i32
      %dma_wait3A_636 = arith.constant 0 : i32
      %dma_wait3A_637 = arith.constant 0 : i32
      %dma_wait3A_638 = arith.constant 0 : i32
      %dma_wait3A_639 = tpu.memref_slice %arg7[%dma_wait3A_636, %dma_wait3A_637, %dma_wait3A_638] : memref<4x128x128xf32, #tpu.memory_space<vmem>> -> memref<1x128x128xf32, #tpu.memory_space<vmem>>
      %dma_wait3A_640 = tpu.memref_squeeze %dma_wait3A_639 : memref<1x128x128xf32, #tpu.memory_space<vmem>> -> memref<128x128xf32, #tpu.memory_space<vmem>>
      %dma_wait3A_641 = arith.constant 0 : i32
      %dma_wait3A_642 = tpu.memref_slice %arg6[%dma_wait3A_635, %add3A_628, %dma_wait3A_641] : memref<2x160x128xi32, #tpu.memory_space<vmem>> -> memref<1x1x128xi32, #tpu.memory_space<vmem>>
      %dma_wait3A_643 = tpu.memref_squeeze %dma_wait3A_642 : memref<1x1x128xi32, #tpu.memory_space<vmem>> -> memref<128xi32, #tpu.memory_space<vmem>>
      %dma_wait3A_644 = arith.constant 0 : i32
      %dma_wait3A_645 = arith.constant 0 : i32
      %dma_wait3A_646 = tpu.memref_slice %arg5[%dma_wait3A_644, %dma_wait3A_645] : memref<128x128xf32, #tpu.memory_space<vmem_shared>> -> memref<128x128xf32, #tpu.memory_space<vmem_shared>>
      tpu.wait_indirect_dma semaphore(%arg10 : memref<!tpu.dma_semaphore, #tpu.memory_space<semaphore_mem>>) src(%dma_wait3A_646 : memref<128x128xf32, #tpu.memory_space<vmem_shared>>) dst(%dma_wait3A_640 : memref<128x128xf32, #tpu.memory_space<vmem>>)
      %mul3A_647 = arith.constant 128 : i32
      %mul3A_648 = arith.muli %add3A_628, %mul3A_647 : i32
      %add3A_649 = arith.addi %add3A_392, %mul3A_648 : i32
      %dma_start3A_650 = arith.constant 0 : i32
      %dma_start3A_651 = arith.constant 0 : i32
      %dma_start3A_652 = arith.constant 0 : i32
      %dma_start3A_653 = tpu.memref_slice %arg7[%dma_start3A_650, %dma_start3A_651, %dma_start3A_652] : memref<4x128x128xf32, #tpu.memory_space<vmem>> -> memref<1x128x128xf32, #tpu.memory_space<vmem>>
      %dma_start3A_654 = tpu.memref_squeeze %dma_start3A_653 : memref<1x128x128xf32, #tpu.memory_space<vmem>> -> memref<128x128xf32, #tpu.memory_space<vmem>>
      %dma_start3A_655 = arith.constant 0 : i32
      %dma_start3A_656 = tpu.memref_slice %arg4[%add3A_649, %dma_start3A_655] : memref<3276800x128xf32, #tpu.memory_space<hbm>> -> memref<128x128xf32, #tpu.memory_space<hbm>>
      %dma_start3A_657 = arith.constant 0 : i32
      %dma_start3A_658 = tpu.memref_slice %arg4[%add3A_649, %dma_start3A_657] : memref<3276800x128xf32, #tpu.memory_space<hbm>> -> memref<128x128xf32, #tpu.memory_space<hbm>>
      %dma_start3A_659 = arith.constant 0 : i32
      %dma_start3A_660 = arith.constant 0 : i32
      %dma_start3A_661 = tpu.memref_slice %arg7[%dma_start3A_650, %dma_start3A_659, %dma_start3A_660] : memref<4x128x128xf32, #tpu.memory_space<vmem>> -> memref<1x128x128xf32, #tpu.memory_space<vmem>>
      %dma_start3A_662 = tpu.memref_squeeze %dma_start3A_661 : memref<1x128x128xf32, #tpu.memory_space<vmem>> -> memref<128x128xf32, #tpu.memory_space<vmem>>
      tpu.enqueue_dma source(%dma_start3A_662 : memref<128x128xf32, #tpu.memory_space<vmem>>) target(%dma_start3A_658 : memref<128x128xf32, #tpu.memory_space<hbm>>) target_semaphore(%arg14 : memref<!tpu.dma_semaphore, #tpu.memory_space<semaphore_mem>>)
      %mul3A_663 = arith.constant 4 : i32
      %mul3A_664 = arith.muli %scan3A_624, %mul3A_663 : i32
      %add3A_665 = arith.constant 1 : i32
      %add3A_666 = arith.addi %mul3A_664, %add3A_665 : i32
      %add3A_667 = arith.constant 2 : i32
      %add3A_668 = arith.addi %add3A_666, %add3A_667 : i32
      %lt3A_669 = arith.constant 160 : i32
      %lt3A_670 = arith.cmpi slt, %add3A_668, %lt3A_669 : i32
      %convert_element_type3A_671 = arith.extui %lt3A_670 : i1 to i32
      %cond3A_672 = arith.constant 0 : i32
      %cond3A_673 = arith.cmpi ne, %convert_element_type3A_671, %cond3A_672 : i32
      scf.if %cond3A_673 {
        %ge3A = arith.constant 2 : i32
        %ge3A_780 = arith.cmpi sge, %add3A_666, %ge3A : i32
        %convert_element_type3A_781 = arith.extui %ge3A_780 : i1 to i32
        %cond3A_782 = arith.constant 0 : i32
        %cond3A_783 = arith.cmpi ne, %convert_element_type3A_781, %cond3A_782 : i32
        scf.if %cond3A_783 {
          %sub3A = arith.constant 2 : i32
          %sub3A_798 = arith.subi %add3A_666, %sub3A : i32
          %mul3A_799 = arith.constant 128 : i32
          %mul3A_800 = arith.muli %sub3A_798, %mul3A_799 : i32
          %add3A_801 = arith.addi %add3A_392, %mul3A_800 : i32
          %dma_wait3A_802 = arith.constant 3 : i32
          %dma_wait3A_803 = arith.constant 0 : i32
          %dma_wait3A_804 = arith.constant 0 : i32
          %dma_wait3A_805 = tpu.memref_slice %arg7[%dma_wait3A_802, %dma_wait3A_803, %dma_wait3A_804] : memref<4x128x128xf32, #tpu.memory_space<vmem>> -> memref<1x128x128xf32, #tpu.memory_space<vmem>>
          %dma_wait3A_806 = tpu.memref_squeeze %dma_wait3A_805 : memref<1x128x128xf32, #tpu.memory_space<vmem>> -> memref<128x128xf32, #tpu.memory_space<vmem>>
          %dma_wait3A_807 = arith.constant 0 : i32
          %dma_wait3A_808 = tpu.memref_slice %arg4[%add3A_801, %dma_wait3A_807] : memref<3276800x128xf32, #tpu.memory_space<hbm>> -> memref<128x128xf32, #tpu.memory_space<hbm>>
          %dma_wait3A_809 = arith.constant 0 : i32
          %dma_wait3A_810 = tpu.memref_slice %arg4[%add3A_801, %dma_wait3A_809] : memref<3276800x128xf32, #tpu.memory_space<hbm>> -> memref<128x128xf32, #tpu.memory_space<hbm>>
          %dma_wait3A_811 = arith.constant 0 : i32
          %dma_wait3A_812 = arith.constant 0 : i32
          %dma_wait3A_813 = tpu.memref_slice %arg7[%dma_wait3A_802, %dma_wait3A_811, %dma_wait3A_812] : memref<4x128x128xf32, #tpu.memory_space<vmem>> -> memref<1x128x128xf32, #tpu.memory_space<vmem>>
          %dma_wait3A_814 = tpu.memref_squeeze %dma_wait3A_813 : memref<1x128x128xf32, #tpu.memory_space<vmem>> -> memref<128x128xf32, #tpu.memory_space<vmem>>
          tpu.wait_dma2 semaphore(%arg17 : memref<!tpu.dma_semaphore, #tpu.memory_space<semaphore_mem>>) src(%dma_wait3A_814 : memref<128x128xf32, #tpu.memory_space<vmem>>) dst(%dma_wait3A_810 : memref<128x128xf32, #tpu.memory_space<hbm>>)
        } else {
        }
        %add3A_784 = arith.constant 2 : i32
        %add3A_785 = arith.addi %add3A_666, %add3A_784 : i32
        %dma_start3A_786 = arith.constant 1 : i32
        %dma_start3A_787 = arith.constant 3 : i32
        %dma_start3A_788 = arith.constant 0 : i32
        %dma_start3A_789 = arith.constant 0 : i32
        %dma_start3A_790 = tpu.memref_slice %arg7[%dma_start3A_787, %dma_start3A_788, %dma_start3A_789] : memref<4x128x128xf32, #tpu.memory_space<vmem>> -> memref<1x128x128xf32, #tpu.memory_space<vmem>>
        %dma_start3A_791 = tpu.memref_squeeze %dma_start3A_790 : memref<1x128x128xf32, #tpu.memory_space<vmem>> -> memref<128x128xf32, #tpu.memory_space<vmem>>
        %dma_start3A_792 = arith.constant 0 : i32
        %dma_start3A_793 = tpu.memref_slice %arg6[%dma_start3A_786, %add3A_785, %dma_start3A_792] : memref<2x160x128xi32, #tpu.memory_space<vmem>> -> memref<1x1x128xi32, #tpu.memory_space<vmem>>
        %dma_start3A_794 = tpu.memref_squeeze %dma_start3A_793 : memref<1x1x128xi32, #tpu.memory_space<vmem>> -> memref<128xi32, #tpu.memory_space<vmem>>
        %dma_start3A_795 = arith.constant 0 : i32
        %dma_start3A_796 = arith.constant 0 : i32
        %dma_start3A_797 = tpu.memref_slice %arg5[%dma_start3A_795, %dma_start3A_796] : memref<128x128xf32, #tpu.memory_space<vmem_shared>> -> memref<128x128xf32, #tpu.memory_space<vmem_shared>>
        tpu.enqueue_indirect_dma source(%dma_start3A_797 : memref<128x128xf32, #tpu.memory_space<vmem_shared>>) target(%dma_start3A_791 : memref<128x128xf32, #tpu.memory_space<vmem>>) offsets(%dma_start3A_794 : memref<128xi32, #tpu.memory_space<vmem>>) semaphore(%arg13 : memref<!tpu.dma_semaphore, #tpu.memory_space<semaphore_mem>>)
      } else {
      }
      %dma_wait3A_674 = arith.constant 1 : i32
      %dma_wait3A_675 = arith.constant 1 : i32
      %dma_wait3A_676 = arith.constant 0 : i32
      %dma_wait3A_677 = arith.constant 0 : i32
      %dma_wait3A_678 = tpu.memref_slice %arg7[%dma_wait3A_675, %dma_wait3A_676, %dma_wait3A_677] : memref<4x128x128xf32, #tpu.memory_space<vmem>> -> memref<1x128x128xf32, #tpu.memory_space<vmem>>
      %dma_wait3A_679 = tpu.memref_squeeze %dma_wait3A_678 : memref<1x128x128xf32, #tpu.memory_space<vmem>> -> memref<128x128xf32, #tpu.memory_space<vmem>>
      %dma_wait3A_680 = arith.constant 0 : i32
      %dma_wait3A_681 = tpu.memref_slice %arg6[%dma_wait3A_674, %add3A_666, %dma_wait3A_680] : memref<2x160x128xi32, #tpu.memory_space<vmem>> -> memref<1x1x128xi32, #tpu.memory_space<vmem>>
      %dma_wait3A_682 = tpu.memref_squeeze %dma_wait3A_681 : memref<1x1x128xi32, #tpu.memory_space<vmem>> -> memref<128xi32, #tpu.memory_space<vmem>>
      %dma_wait3A_683 = arith.constant 0 : i32
      %dma_wait3A_684 = arith.constant 0 : i32
      %dma_wait3A_685 = tpu.memref_slice %arg5[%dma_wait3A_683, %dma_wait3A_684] : memref<128x128xf32, #tpu.memory_space<vmem_shared>> -> memref<128x128xf32, #tpu.memory_space<vmem_shared>>
      tpu.wait_indirect_dma semaphore(%arg11 : memref<!tpu.dma_semaphore, #tpu.memory_space<semaphore_mem>>) src(%dma_wait3A_685 : memref<128x128xf32, #tpu.memory_space<vmem_shared>>) dst(%dma_wait3A_679 : memref<128x128xf32, #tpu.memory_space<vmem>>)
      %mul3A_686 = arith.constant 128 : i32
      %mul3A_687 = arith.muli %add3A_666, %mul3A_686 : i32
      %add3A_688 = arith.addi %add3A_392, %mul3A_687 : i32
      %dma_start3A_689 = arith.constant 1 : i32
      %dma_start3A_690 = arith.constant 0 : i32
      %dma_start3A_691 = arith.constant 0 : i32
      %dma_start3A_692 = tpu.memref_slice %arg7[%dma_start3A_689, %dma_start3A_690, %dma_start3A_691] : memref<4x128x128xf32, #tpu.memory_space<vmem>> -> memref<1x128x128xf32, #tpu.memory_space<vmem>>
      %dma_start3A_693 = tpu.memref_squeeze %dma_start3A_692 : memref<1x128x128xf32, #tpu.memory_space<vmem>> -> memref<128x128xf32, #tpu.memory_space<vmem>>
      %dma_start3A_694 = arith.constant 0 : i32
      %dma_start3A_695 = tpu.memref_slice %arg4[%add3A_688, %dma_start3A_694] : memref<3276800x128xf32, #tpu.memory_space<hbm>> -> memref<128x128xf32, #tpu.memory_space<hbm>>
      %dma_start3A_696 = arith.constant 0 : i32
      %dma_start3A_697 = tpu.memref_slice %arg4[%add3A_688, %dma_start3A_696] : memref<3276800x128xf32, #tpu.memory_space<hbm>> -> memref<128x128xf32, #tpu.memory_space<hbm>>
      %dma_start3A_698 = arith.constant 0 : i32
      %dma_start3A_699 = arith.constant 0 : i32
      %dma_start3A_700 = tpu.memref_slice %arg7[%dma_start3A_689, %dma_start3A_698, %dma_start3A_699] : memref<4x128x128xf32, #tpu.memory_space<vmem>> -> memref<1x128x128xf32, #tpu.memory_space<vmem>>
      %dma_start3A_701 = tpu.memref_squeeze %dma_start3A_700 : memref<1x128x128xf32, #tpu.memory_space<vmem>> -> memref<128x128xf32, #tpu.memory_space<vmem>>
      tpu.enqueue_dma source(%dma_start3A_701 : memref<128x128xf32, #tpu.memory_space<vmem>>) target(%dma_start3A_697 : memref<128x128xf32, #tpu.memory_space<hbm>>) target_semaphore(%arg15 : memref<!tpu.dma_semaphore, #tpu.memory_space<semaphore_mem>>)
      %mul3A_702 = arith.constant 4 : i32
      %mul3A_703 = arith.muli %scan3A_624, %mul3A_702 : i32
      %add3A_704 = arith.constant 2 : i32
      %add3A_705 = arith.addi %mul3A_703, %add3A_704 : i32
      %add3A_706 = arith.constant 2 : i32
      %add3A_707 = arith.addi %add3A_705, %add3A_706 : i32
      %lt3A_708 = arith.constant 160 : i32
      %lt3A_709 = arith.cmpi slt, %add3A_707, %lt3A_708 : i32
      %convert_element_type3A_710 = arith.extui %lt3A_709 : i1 to i32
      %cond3A_711 = arith.constant 0 : i32
      %cond3A_712 = arith.cmpi ne, %convert_element_type3A_710, %cond3A_711 : i32
      scf.if %cond3A_712 {
        %ge3A = arith.constant 2 : i32
        %ge3A_780 = arith.cmpi sge, %add3A_705, %ge3A : i32
        %convert_element_type3A_781 = arith.extui %ge3A_780 : i1 to i32
        %cond3A_782 = arith.constant 0 : i32
        %cond3A_783 = arith.cmpi ne, %convert_element_type3A_781, %cond3A_782 : i32
        scf.if %cond3A_783 {
          %sub3A = arith.constant 2 : i32
          %sub3A_798 = arith.subi %add3A_705, %sub3A : i32
          %mul3A_799 = arith.constant 128 : i32
          %mul3A_800 = arith.muli %sub3A_798, %mul3A_799 : i32
          %add3A_801 = arith.addi %add3A_392, %mul3A_800 : i32
          %dma_wait3A_802 = arith.constant 0 : i32
          %dma_wait3A_803 = arith.constant 0 : i32
          %dma_wait3A_804 = arith.constant 0 : i32
          %dma_wait3A_805 = tpu.memref_slice %arg7[%dma_wait3A_802, %dma_wait3A_803, %dma_wait3A_804] : memref<4x128x128xf32, #tpu.memory_space<vmem>> -> memref<1x128x128xf32, #tpu.memory_space<vmem>>
          %dma_wait3A_806 = tpu.memref_squeeze %dma_wait3A_805 : memref<1x128x128xf32, #tpu.memory_space<vmem>> -> memref<128x128xf32, #tpu.memory_space<vmem>>
          %dma_wait3A_807 = arith.constant 0 : i32
          %dma_wait3A_808 = tpu.memref_slice %arg4[%add3A_801, %dma_wait3A_807] : memref<3276800x128xf32, #tpu.memory_space<hbm>> -> memref<128x128xf32, #tpu.memory_space<hbm>>
          %dma_wait3A_809 = arith.constant 0 : i32
          %dma_wait3A_810 = tpu.memref_slice %arg4[%add3A_801, %dma_wait3A_809] : memref<3276800x128xf32, #tpu.memory_space<hbm>> -> memref<128x128xf32, #tpu.memory_space<hbm>>
          %dma_wait3A_811 = arith.constant 0 : i32
          %dma_wait3A_812 = arith.constant 0 : i32
          %dma_wait3A_813 = tpu.memref_slice %arg7[%dma_wait3A_802, %dma_wait3A_811, %dma_wait3A_812] : memref<4x128x128xf32, #tpu.memory_space<vmem>> -> memref<1x128x128xf32, #tpu.memory_space<vmem>>
          %dma_wait3A_814 = tpu.memref_squeeze %dma_wait3A_813 : memref<1x128x128xf32, #tpu.memory_space<vmem>> -> memref<128x128xf32, #tpu.memory_space<vmem>>
          tpu.wait_dma2 semaphore(%arg14 : memref<!tpu.dma_semaphore, #tpu.memory_space<semaphore_mem>>) src(%dma_wait3A_814 : memref<128x128xf32, #tpu.memory_space<vmem>>) dst(%dma_wait3A_810 : memref<128x128xf32, #tpu.memory_space<hbm>>)
        } else {
        }
        %add3A_784 = arith.constant 2 : i32
        %add3A_785 = arith.addi %add3A_705, %add3A_784 : i32
        %dma_start3A_786 = arith.constant 1 : i32
        %dma_start3A_787 = arith.constant 0 : i32
        %dma_start3A_788 = arith.constant 0 : i32
        %dma_start3A_789 = arith.constant 0 : i32
        %dma_start3A_790 = tpu.memref_slice %arg7[%dma_start3A_787, %dma_start3A_788, %dma_start3A_789] : memref<4x128x128xf32, #tpu.memory_space<vmem>> -> memref<1x128x128xf32, #tpu.memory_space<vmem>>
        %dma_start3A_791 = tpu.memref_squeeze %dma_start3A_790 : memref<1x128x128xf32, #tpu.memory_space<vmem>> -> memref<128x128xf32, #tpu.memory_space<vmem>>
        %dma_start3A_792 = arith.constant 0 : i32
        %dma_start3A_793 = tpu.memref_slice %arg6[%dma_start3A_786, %add3A_785, %dma_start3A_792] : memref<2x160x128xi32, #tpu.memory_space<vmem>> -> memref<1x1x128xi32, #tpu.memory_space<vmem>>
        %dma_start3A_794 = tpu.memref_squeeze %dma_start3A_793 : memref<1x1x128xi32, #tpu.memory_space<vmem>> -> memref<128xi32, #tpu.memory_space<vmem>>
        %dma_start3A_795 = arith.constant 0 : i32
        %dma_start3A_796 = arith.constant 0 : i32
        %dma_start3A_797 = tpu.memref_slice %arg5[%dma_start3A_795, %dma_start3A_796] : memref<128x128xf32, #tpu.memory_space<vmem_shared>> -> memref<128x128xf32, #tpu.memory_space<vmem_shared>>
        tpu.enqueue_indirect_dma source(%dma_start3A_797 : memref<128x128xf32, #tpu.memory_space<vmem_shared>>) target(%dma_start3A_791 : memref<128x128xf32, #tpu.memory_space<vmem>>) offsets(%dma_start3A_794 : memref<128xi32, #tpu.memory_space<vmem>>) semaphore(%arg10 : memref<!tpu.dma_semaphore, #tpu.memory_space<semaphore_mem>>)
      } else {
      }
      %dma_wait3A_713 = arith.constant 1 : i32
      %dma_wait3A_714 = arith.constant 2 : i32
      %dma_wait3A_715 = arith.constant 0 : i32
      %dma_wait3A_716 = arith.constant 0 : i32
      %dma_wait3A_717 = tpu.memref_slice %arg7[%dma_wait3A_714, %dma_wait3A_715, %dma_wait3A_716] : memref<4x128x128xf32, #tpu.memory_space<vmem>> -> memref<1x128x128xf32, #tpu.memory_space<vmem>>
      %dma_wait3A_718 = tpu.memref_squeeze %dma_wait3A_717 : memref<1x128x128xf32, #tpu.memory_space<vmem>> -> memref<128x128xf32, #tpu.memory_space<vmem>>
      %dma_wait3A_719 = arith.constant 0 : i32
      %dma_wait3A_720 = tpu.memref_slice %arg6[%dma_wait3A_713, %add3A_705, %dma_wait3A_719] : memref<2x160x128xi32, #tpu.memory_space<vmem>> -> memref<1x1x128xi32, #tpu.memory_space<vmem>>
      %dma_wait3A_721 = tpu.memref_squeeze %dma_wait3A_720 : memref<1x1x128xi32, #tpu.memory_space<vmem>> -> memref<128xi32, #tpu.memory_space<vmem>>
      %dma_wait3A_722 = arith.constant 0 : i32
      %dma_wait3A_723 = arith.constant 0 : i32
      %dma_wait3A_724 = tpu.memref_slice %arg5[%dma_wait3A_722, %dma_wait3A_723] : memref<128x128xf32, #tpu.memory_space<vmem_shared>> -> memref<128x128xf32, #tpu.memory_space<vmem_shared>>
      tpu.wait_indirect_dma semaphore(%arg12 : memref<!tpu.dma_semaphore, #tpu.memory_space<semaphore_mem>>) src(%dma_wait3A_724 : memref<128x128xf32, #tpu.memory_space<vmem_shared>>) dst(%dma_wait3A_718 : memref<128x128xf32, #tpu.memory_space<vmem>>)
      %mul3A_725 = arith.constant 128 : i32
      %mul3A_726 = arith.muli %add3A_705, %mul3A_725 : i32
      %add3A_727 = arith.addi %add3A_392, %mul3A_726 : i32
      %dma_start3A_728 = arith.constant 2 : i32
      %dma_start3A_729 = arith.constant 0 : i32
      %dma_start3A_730 = arith.constant 0 : i32
      %dma_start3A_731 = tpu.memref_slice %arg7[%dma_start3A_728, %dma_start3A_729, %dma_start3A_730] : memref<4x128x128xf32, #tpu.memory_space<vmem>> -> memref<1x128x128xf32, #tpu.memory_space<vmem>>
      %dma_start3A_732 = tpu.memref_squeeze %dma_start3A_731 : memref<1x128x128xf32, #tpu.memory_space<vmem>> -> memref<128x128xf32, #tpu.memory_space<vmem>>
      %dma_start3A_733 = arith.constant 0 : i32
      %dma_start3A_734 = tpu.memref_slice %arg4[%add3A_727, %dma_start3A_733] : memref<3276800x128xf32, #tpu.memory_space<hbm>> -> memref<128x128xf32, #tpu.memory_space<hbm>>
      %dma_start3A_735 = arith.constant 0 : i32
      %dma_start3A_736 = tpu.memref_slice %arg4[%add3A_727, %dma_start3A_735] : memref<3276800x128xf32, #tpu.memory_space<hbm>> -> memref<128x128xf32, #tpu.memory_space<hbm>>
      %dma_start3A_737 = arith.constant 0 : i32
      %dma_start3A_738 = arith.constant 0 : i32
      %dma_start3A_739 = tpu.memref_slice %arg7[%dma_start3A_728, %dma_start3A_737, %dma_start3A_738] : memref<4x128x128xf32, #tpu.memory_space<vmem>> -> memref<1x128x128xf32, #tpu.memory_space<vmem>>
      %dma_start3A_740 = tpu.memref_squeeze %dma_start3A_739 : memref<1x128x128xf32, #tpu.memory_space<vmem>> -> memref<128x128xf32, #tpu.memory_space<vmem>>
      tpu.enqueue_dma source(%dma_start3A_740 : memref<128x128xf32, #tpu.memory_space<vmem>>) target(%dma_start3A_736 : memref<128x128xf32, #tpu.memory_space<hbm>>) target_semaphore(%arg16 : memref<!tpu.dma_semaphore, #tpu.memory_space<semaphore_mem>>)
      %mul3A_741 = arith.constant 4 : i32
      %mul3A_742 = arith.muli %scan3A_624, %mul3A_741 : i32
      %add3A_743 = arith.constant 3 : i32
      %add3A_744 = arith.addi %mul3A_742, %add3A_743 : i32
      %add3A_745 = arith.constant 2 : i32
      %add3A_746 = arith.addi %add3A_744, %add3A_745 : i32
      %lt3A_747 = arith.constant 160 : i32
      %lt3A_748 = arith.cmpi slt, %add3A_746, %lt3A_747 : i32
      %convert_element_type3A_749 = arith.extui %lt3A_748 : i1 to i32
      %cond3A_750 = arith.constant 0 : i32
      %cond3A_751 = arith.cmpi ne, %convert_element_type3A_749, %cond3A_750 : i32
      scf.if %cond3A_751 {
        %ge3A = arith.constant 2 : i32
        %ge3A_780 = arith.cmpi sge, %add3A_744, %ge3A : i32
        %convert_element_type3A_781 = arith.extui %ge3A_780 : i1 to i32
        %cond3A_782 = arith.constant 0 : i32
        %cond3A_783 = arith.cmpi ne, %convert_element_type3A_781, %cond3A_782 : i32
        scf.if %cond3A_783 {
          %sub3A = arith.constant 2 : i32
          %sub3A_798 = arith.subi %add3A_744, %sub3A : i32
          %mul3A_799 = arith.constant 128 : i32
          %mul3A_800 = arith.muli %sub3A_798, %mul3A_799 : i32
          %add3A_801 = arith.addi %add3A_392, %mul3A_800 : i32
          %dma_wait3A_802 = arith.constant 1 : i32
          %dma_wait3A_803 = arith.constant 0 : i32
          %dma_wait3A_804 = arith.constant 0 : i32
          %dma_wait3A_805 = tpu.memref_slice %arg7[%dma_wait3A_802, %dma_wait3A_803, %dma_wait3A_804] : memref<4x128x128xf32, #tpu.memory_space<vmem>> -> memref<1x128x128xf32, #tpu.memory_space<vmem>>
          %dma_wait3A_806 = tpu.memref_squeeze %dma_wait3A_805 : memref<1x128x128xf32, #tpu.memory_space<vmem>> -> memref<128x128xf32, #tpu.memory_space<vmem>>
          %dma_wait3A_807 = arith.constant 0 : i32
          %dma_wait3A_808 = tpu.memref_slice %arg4[%add3A_801, %dma_wait3A_807] : memref<3276800x128xf32, #tpu.memory_space<hbm>> -> memref<128x128xf32, #tpu.memory_space<hbm>>
          %dma_wait3A_809 = arith.constant 0 : i32
          %dma_wait3A_810 = tpu.memref_slice %arg4[%add3A_801, %dma_wait3A_809] : memref<3276800x128xf32, #tpu.memory_space<hbm>> -> memref<128x128xf32, #tpu.memory_space<hbm>>
          %dma_wait3A_811 = arith.constant 0 : i32
          %dma_wait3A_812 = arith.constant 0 : i32
          %dma_wait3A_813 = tpu.memref_slice %arg7[%dma_wait3A_802, %dma_wait3A_811, %dma_wait3A_812] : memref<4x128x128xf32, #tpu.memory_space<vmem>> -> memref<1x128x128xf32, #tpu.memory_space<vmem>>
          %dma_wait3A_814 = tpu.memref_squeeze %dma_wait3A_813 : memref<1x128x128xf32, #tpu.memory_space<vmem>> -> memref<128x128xf32, #tpu.memory_space<vmem>>
          tpu.wait_dma2 semaphore(%arg15 : memref<!tpu.dma_semaphore, #tpu.memory_space<semaphore_mem>>) src(%dma_wait3A_814 : memref<128x128xf32, #tpu.memory_space<vmem>>) dst(%dma_wait3A_810 : memref<128x128xf32, #tpu.memory_space<hbm>>)
        } else {
        }
        %add3A_784 = arith.constant 2 : i32
        %add3A_785 = arith.addi %add3A_744, %add3A_784 : i32
        %dma_start3A_786 = arith.constant 1 : i32
        %dma_start3A_787 = arith.constant 1 : i32
        %dma_start3A_788 = arith.constant 0 : i32
        %dma_start3A_789 = arith.constant 0 : i32
        %dma_start3A_790 = tpu.memref_slice %arg7[%dma_start3A_787, %dma_start3A_788, %dma_start3A_789] : memref<4x128x128xf32, #tpu.memory_space<vmem>> -> memref<1x128x128xf32, #tpu.memory_space<vmem>>
        %dma_start3A_791 = tpu.memref_squeeze %dma_start3A_790 : memref<1x128x128xf32, #tpu.memory_space<vmem>> -> memref<128x128xf32, #tpu.memory_space<vmem>>
        %dma_start3A_792 = arith.constant 0 : i32
        %dma_start3A_793 = tpu.memref_slice %arg6[%dma_start3A_786, %add3A_785, %dma_start3A_792] : memref<2x160x128xi32, #tpu.memory_space<vmem>> -> memref<1x1x128xi32, #tpu.memory_space<vmem>>
        %dma_start3A_794 = tpu.memref_squeeze %dma_start3A_793 : memref<1x1x128xi32, #tpu.memory_space<vmem>> -> memref<128xi32, #tpu.memory_space<vmem>>
        %dma_start3A_795 = arith.constant 0 : i32
        %dma_start3A_796 = arith.constant 0 : i32
        %dma_start3A_797 = tpu.memref_slice %arg5[%dma_start3A_795, %dma_start3A_796] : memref<128x128xf32, #tpu.memory_space<vmem_shared>> -> memref<128x128xf32, #tpu.memory_space<vmem_shared>>
        tpu.enqueue_indirect_dma source(%dma_start3A_797 : memref<128x128xf32, #tpu.memory_space<vmem_shared>>) target(%dma_start3A_791 : memref<128x128xf32, #tpu.memory_space<vmem>>) offsets(%dma_start3A_794 : memref<128xi32, #tpu.memory_space<vmem>>) semaphore(%arg11 : memref<!tpu.dma_semaphore, #tpu.memory_space<semaphore_mem>>)
      } else {
      }
      %dma_wait3A_752 = arith.constant 1 : i32
      %dma_wait3A_753 = arith.constant 3 : i32
      %dma_wait3A_754 = arith.constant 0 : i32
      %dma_wait3A_755 = arith.constant 0 : i32
      %dma_wait3A_756 = tpu.memref_slice %arg7[%dma_wait3A_753, %dma_wait3A_754, %dma_wait3A_755] : memref<4x128x128xf32, #tpu.memory_space<vmem>> -> memref<1x128x128xf32, #tpu.memory_space<vmem>>
      %dma_wait3A_757 = tpu.memref_squeeze %dma_wait3A_756 : memref<1x128x128xf32, #tpu.memory_space<vmem>> -> memref<128x128xf32, #tpu.memory_space<vmem>>
      %dma_wait3A_758 = arith.constant 0 : i32
      %dma_wait3A_759 = tpu.memref_slice %arg6[%dma_wait3A_752, %add3A_744, %dma_wait3A_758] : memref<2x160x128xi32, #tpu.memory_space<vmem>> -> memref<1x1x128xi32, #tpu.memory_space<vmem>>
      %dma_wait3A_760 = tpu.memref_squeeze %dma_wait3A_759 : memref<1x1x128xi32, #tpu.memory_space<vmem>> -> memref<128xi32, #tpu.memory_space<vmem>>
      %dma_wait3A_761 = arith.constant 0 : i32
      %dma_wait3A_762 = arith.constant 0 : i32
      %dma_wait3A_763 = tpu.memref_slice %arg5[%dma_wait3A_761, %dma_wait3A_762] : memref<128x128xf32, #tpu.memory_space<vmem_shared>> -> memref<128x128xf32, #tpu.memory_space<vmem_shared>>
      tpu.wait_indirect_dma semaphore(%arg13 : memref<!tpu.dma_semaphore, #tpu.memory_space<semaphore_mem>>) src(%dma_wait3A_763 : memref<128x128xf32, #tpu.memory_space<vmem_shared>>) dst(%dma_wait3A_757 : memref<128x128xf32, #tpu.memory_space<vmem>>)
      %mul3A_764 = arith.constant 128 : i32
      %mul3A_765 = arith.muli %add3A_744, %mul3A_764 : i32
      %add3A_766 = arith.addi %add3A_392, %mul3A_765 : i32
      %dma_start3A_767 = arith.constant 3 : i32
      %dma_start3A_768 = arith.constant 0 : i32
      %dma_start3A_769 = arith.constant 0 : i32
      %dma_start3A_770 = tpu.memref_slice %arg7[%dma_start3A_767, %dma_start3A_768, %dma_start3A_769] : memref<4x128x128xf32, #tpu.memory_space<vmem>> -> memref<1x128x128xf32, #tpu.memory_space<vmem>>
      %dma_start3A_771 = tpu.memref_squeeze %dma_start3A_770 : memref<1x128x128xf32, #tpu.memory_space<vmem>> -> memref<128x128xf32, #tpu.memory_space<vmem>>
      %dma_start3A_772 = arith.constant 0 : i32
      %dma_start3A_773 = tpu.memref_slice %arg4[%add3A_766, %dma_start3A_772] : memref<3276800x128xf32, #tpu.memory_space<hbm>> -> memref<128x128xf32, #tpu.memory_space<hbm>>
      %dma_start3A_774 = arith.constant 0 : i32
      %dma_start3A_775 = tpu.memref_slice %arg4[%add3A_766, %dma_start3A_774] : memref<3276800x128xf32, #tpu.memory_space<hbm>> -> memref<128x128xf32, #tpu.memory_space<hbm>>
      %dma_start3A_776 = arith.constant 0 : i32
      %dma_start3A_777 = arith.constant 0 : i32
      %dma_start3A_778 = tpu.memref_slice %arg7[%dma_start3A_767, %dma_start3A_776, %dma_start3A_777] : memref<4x128x128xf32, #tpu.memory_space<vmem>> -> memref<1x128x128xf32, #tpu.memory_space<vmem>>
      %dma_start3A_779 = tpu.memref_squeeze %dma_start3A_778 : memref<1x128x128xf32, #tpu.memory_space<vmem>> -> memref<128x128xf32, #tpu.memory_space<vmem>>
      tpu.enqueue_dma source(%dma_start3A_779 : memref<128x128xf32, #tpu.memory_space<vmem>>) target(%dma_start3A_775 : memref<128x128xf32, #tpu.memory_space<hbm>>) target_semaphore(%arg17 : memref<!tpu.dma_semaphore, #tpu.memory_space<semaphore_mem>>)
    }
    %scan3A_454 = arith.constant 40 : i32
    %add3A_455 = arith.constant 19968 : i32
    %add3A_456 = arith.addi %add3A_392, %add3A_455 : i32
    %dma_wait3A_457 = arith.constant 0 : i32
    %dma_wait3A_458 = arith.constant 0 : i32
    %dma_wait3A_459 = arith.constant 0 : i32
    %dma_wait3A_460 = tpu.memref_slice %arg7[%dma_wait3A_457, %dma_wait3A_458, %dma_wait3A_459] : memref<4x128x128xf32, #tpu.memory_space<vmem>> -> memref<1x128x128xf32, #tpu.memory_space<vmem>>
    %dma_wait3A_461 = tpu.memref_squeeze %dma_wait3A_460 : memref<1x128x128xf32, #tpu.memory_space<vmem>> -> memref<128x128xf32, #tpu.memory_space<vmem>>
    %dma_wait3A_462 = arith.constant 0 : i32
    %dma_wait3A_463 = tpu.memref_slice %arg4[%add3A_456, %dma_wait3A_462] : memref<3276800x128xf32, #tpu.memory_space<hbm>> -> memref<128x128xf32, #tpu.memory_space<hbm>>
    %dma_wait3A_464 = arith.constant 0 : i32
    %dma_wait3A_465 = tpu.memref_slice %arg4[%add3A_456, %dma_wait3A_464] : memref<3276800x128xf32, #tpu.memory_space<hbm>> -> memref<128x128xf32, #tpu.memory_space<hbm>>
    %dma_wait3A_466 = arith.constant 0 : i32
    %dma_wait3A_467 = arith.constant 0 : i32
    %dma_wait3A_468 = tpu.memref_slice %arg7[%dma_wait3A_457, %dma_wait3A_466, %dma_wait3A_467] : memref<4x128x128xf32, #tpu.memory_space<vmem>> -> memref<1x128x128xf32, #tpu.memory_space<vmem>>
    %dma_wait3A_469 = tpu.memref_squeeze %dma_wait3A_468 : memref<1x128x128xf32, #tpu.memory_space<vmem>> -> memref<128x128xf32, #tpu.memory_space<vmem>>
    tpu.wait_dma2 semaphore(%arg14 : memref<!tpu.dma_semaphore, #tpu.memory_space<semaphore_mem>>) src(%dma_wait3A_469 : memref<128x128xf32, #tpu.memory_space<vmem>>) dst(%dma_wait3A_465 : memref<128x128xf32, #tpu.memory_space<hbm>>)
    %add3A_470 = arith.constant 20096 : i32
    %add3A_471 = arith.addi %add3A_392, %add3A_470 : i32
    %dma_wait3A_472 = arith.constant 1 : i32
    %dma_wait3A_473 = arith.constant 0 : i32
    %dma_wait3A_474 = arith.constant 0 : i32
    %dma_wait3A_475 = tpu.memref_slice %arg7[%dma_wait3A_472, %dma_wait3A_473, %dma_wait3A_474] : memref<4x128x128xf32, #tpu.memory_space<vmem>> -> memref<1x128x128xf32, #tpu.memory_space<vmem>>
    %dma_wait3A_476 = tpu.memref_squeeze %dma_wait3A_475 : memref<1x128x128xf32, #tpu.memory_space<vmem>> -> memref<128x128xf32, #tpu.memory_space<vmem>>
    %dma_wait3A_477 = arith.constant 0 : i32
    %dma_wait3A_478 = tpu.memref_slice %arg4[%add3A_471, %dma_wait3A_477] : memref<3276800x128xf32, #tpu.memory_space<hbm>> -> memref<128x128xf32, #tpu.memory_space<hbm>>
    %dma_wait3A_479 = arith.constant 0 : i32
    %dma_wait3A_480 = tpu.memref_slice %arg4[%add3A_471, %dma_wait3A_479] : memref<3276800x128xf32, #tpu.memory_space<hbm>> -> memref<128x128xf32, #tpu.memory_space<hbm>>
    %dma_wait3A_481 = arith.constant 0 : i32
    %dma_wait3A_482 = arith.constant 0 : i32
    %dma_wait3A_483 = tpu.memref_slice %arg7[%dma_wait3A_472, %dma_wait3A_481, %dma_wait3A_482] : memref<4x128x128xf32, #tpu.memory_space<vmem>> -> memref<1x128x128xf32, #tpu.memory_space<vmem>>
    %dma_wait3A_484 = tpu.memref_squeeze %dma_wait3A_483 : memref<1x128x128xf32, #tpu.memory_space<vmem>> -> memref<128x128xf32, #tpu.memory_space<vmem>>
    tpu.wait_dma2 semaphore(%arg15 : memref<!tpu.dma_semaphore, #tpu.memory_space<semaphore_mem>>) src(%dma_wait3A_484 : memref<128x128xf32, #tpu.memory_space<vmem>>) dst(%dma_wait3A_480 : memref<128x128xf32, #tpu.memory_space<hbm>>)
    %add3A_485 = arith.constant 20224 : i32
    %add3A_486 = arith.addi %add3A_392, %add3A_485 : i32
    %dma_wait3A_487 = arith.constant 2 : i32
    %dma_wait3A_488 = arith.constant 0 : i32
    %dma_wait3A_489 = arith.constant 0 : i32
    %dma_wait3A_490 = tpu.memref_slice %arg7[%dma_wait3A_487, %dma_wait3A_488, %dma_wait3A_489] : memref<4x128x128xf32, #tpu.memory_space<vmem>> -> memref<1x128x128xf32, #tpu.memory_space<vmem>>
    %dma_wait3A_491 = tpu.memref_squeeze %dma_wait3A_490 : memref<1x128x128xf32, #tpu.memory_space<vmem>> -> memref<128x128xf32, #tpu.memory_space<vmem>>
    %dma_wait3A_492 = arith.constant 0 : i32
    %dma_wait3A_493 = tpu.memref_slice %arg4[%add3A_486, %dma_wait3A_492] : memref<3276800x128xf32, #tpu.memory_space<hbm>> -> memref<128x128xf32, #tpu.memory_space<hbm>>
    %dma_wait3A_494 = arith.constant 0 : i32
    %dma_wait3A_495 = tpu.memref_slice %arg4[%add3A_486, %dma_wait3A_494] : memref<3276800x128xf32, #tpu.memory_space<hbm>> -> memref<128x128xf32, #tpu.memory_space<hbm>>
    %dma_wait3A_496 = arith.constant 0 : i32
    %dma_wait3A_497 = arith.constant 0 : i32
    %dma_wait3A_498 = tpu.memref_slice %arg7[%dma_wait3A_487, %dma_wait3A_496, %dma_wait3A_497] : memref<4x128x128xf32, #tpu.memory_space<vmem>> -> memref<1x128x128xf32, #tpu.memory_space<vmem>>
    %dma_wait3A_499 = tpu.memref_squeeze %dma_wait3A_498 : memref<1x128x128xf32, #tpu.memory_space<vmem>> -> memref<128x128xf32, #tpu.memory_space<vmem>>
    tpu.wait_dma2 semaphore(%arg16 : memref<!tpu.dma_semaphore, #tpu.memory_space<semaphore_mem>>) src(%dma_wait3A_499 : memref<128x128xf32, #tpu.memory_space<vmem>>) dst(%dma_wait3A_495 : memref<128x128xf32, #tpu.memory_space<hbm>>)
    %add3A_500 = arith.constant 20352 : i32
    %add3A_501 = arith.addi %add3A_392, %add3A_500 : i32
    %dma_wait3A_502 = arith.constant 3 : i32
    %dma_wait3A_503 = arith.constant 0 : i32
    %dma_wait3A_504 = arith.constant 0 : i32
    %dma_wait3A_505 = tpu.memref_slice %arg7[%dma_wait3A_502, %dma_wait3A_503, %dma_wait3A_504] : memref<4x128x128xf32, #tpu.memory_space<vmem>> -> memref<1x128x128xf32, #tpu.memory_space<vmem>>
    %dma_wait3A_506 = tpu.memref_squeeze %dma_wait3A_505 : memref<1x128x128xf32, #tpu.memory_space<vmem>> -> memref<128x128xf32, #tpu.memory_space<vmem>>
    %dma_wait3A_507 = arith.constant 0 : i32
    %dma_wait3A_508 = tpu.memref_slice %arg4[%add3A_501, %dma_wait3A_507] : memref<3276800x128xf32, #tpu.memory_space<hbm>> -> memref<128x128xf32, #tpu.memory_space<hbm>>
    %dma_wait3A_509 = arith.constant 0 : i32
    %dma_wait3A_510 = tpu.memref_slice %arg4[%add3A_501, %dma_wait3A_509] : memref<3276800x128xf32, #tpu.memory_space<hbm>> -> memref<128x128xf32, #tpu.memory_space<hbm>>
    %dma_wait3A_511 = arith.constant 0 : i32
    %dma_wait3A_512 = arith.constant 0 : i32
    %dma_wait3A_513 = tpu.memref_slice %arg7[%dma_wait3A_502, %dma_wait3A_511, %dma_wait3A_512] : memref<4x128x128xf32, #tpu.memory_space<vmem>> -> memref<1x128x128xf32, #tpu.memory_space<vmem>>
    %dma_wait3A_514 = tpu.memref_squeeze %dma_wait3A_513 : memref<1x128x128xf32, #tpu.memory_space<vmem>> -> memref<128x128xf32, #tpu.memory_space<vmem>>
    tpu.wait_dma2 semaphore(%arg17 : memref<!tpu.dma_semaphore, #tpu.memory_space<semaphore_mem>>) src(%dma_wait3A_514 : memref<128x128xf32, #tpu.memory_space<vmem>>) dst(%dma_wait3A_510 : memref<128x128xf32, #tpu.memory_space<hbm>>)
    %add3A_515 = arith.constant 81920 : i32
    %add3A_516 = arith.addi %mul3A_4, %add3A_515 : i32
    %add3A_517 = arith.constant 640 : i32
    %add3A_518 = arith.addi %mul3A_2, %add3A_517 : i32
    %dma_wait3A_519 = arith.constant 0 : i32
    %dma_wait3A_520 = arith.constant 0 : i32
    %dma_wait3A_521 = arith.constant 0 : i32
    %dma_wait3A_522 = tpu.memref_slice %arg6[%dma_wait3A_519, %dma_wait3A_520, %dma_wait3A_521] : memref<2x160x128xi32, #tpu.memory_space<vmem>> -> memref<1x160x128xi32, #tpu.memory_space<vmem>>
    %dma_wait3A_523 = tpu.memref_squeeze %dma_wait3A_522 : memref<1x160x128xi32, #tpu.memory_space<vmem>> -> memref<160x128xi32, #tpu.memory_space<vmem>>
    %dma_wait3A_524 = arith.constant 0 : i32
    %dma_wait3A_525 = tpu.memref_slice %arg2[%add3A_518, %dma_wait3A_524] : memref<25600x128xi32, #tpu.memory_space<hbm>> -> memref<160x128xi32, #tpu.memory_space<hbm>>
    %dma_wait3A_526 = arith.constant 0 : i32
    %dma_wait3A_527 = arith.constant 0 : i32
    %dma_wait3A_528 = tpu.memref_slice %arg6[%dma_wait3A_519, %dma_wait3A_526, %dma_wait3A_527] : memref<2x160x128xi32, #tpu.memory_space<vmem>> -> memref<1x160x128xi32, #tpu.memory_space<vmem>>
    %dma_wait3A_529 = tpu.memref_squeeze %dma_wait3A_528 : memref<1x160x128xi32, #tpu.memory_space<vmem>> -> memref<160x128xi32, #tpu.memory_space<vmem>>
    %dma_wait3A_530 = arith.constant 0 : i32
    %dma_wait3A_531 = tpu.memref_slice %arg2[%add3A_518, %dma_wait3A_530] : memref<25600x128xi32, #tpu.memory_space<hbm>> -> memref<160x128xi32, #tpu.memory_space<hbm>>
    tpu.wait_dma2 semaphore(%arg8 : memref<!tpu.dma_semaphore, #tpu.memory_space<semaphore_mem>>) src(%dma_wait3A_531 : memref<160x128xi32, #tpu.memory_space<hbm>>) dst(%dma_wait3A_529 : memref<160x128xi32, #tpu.memory_space<vmem>>)
    %dma_start3A_532 = arith.constant 0 : i32
    %dma_start3A_533 = arith.constant 0 : i32
    %dma_start3A_534 = arith.constant 0 : i32
    %dma_start3A_535 = arith.constant 0 : i32
    %dma_start3A_536 = arith.constant 0 : i32
    %dma_start3A_537 = tpu.memref_slice %arg7[%dma_start3A_534, %dma_start3A_535, %dma_start3A_536] : memref<4x128x128xf32, #tpu.memory_space<vmem>> -> memref<1x128x128xf32, #tpu.memory_space<vmem>>
    %dma_start3A_538 = tpu.memref_squeeze %dma_start3A_537 : memref<1x128x128xf32, #tpu.memory_space<vmem>> -> memref<128x128xf32, #tpu.memory_space<vmem>>
    %dma_start3A_539 = arith.constant 0 : i32
    %dma_start3A_540 = tpu.memref_slice %arg6[%dma_start3A_532, %dma_start3A_533, %dma_start3A_539] : memref<2x160x128xi32, #tpu.memory_space<vmem>> -> memref<1x1x128xi32, #tpu.memory_space<vmem>>
    %dma_start3A_541 = tpu.memref_squeeze %dma_start3A_540 : memref<1x1x128xi32, #tpu.memory_space<vmem>> -> memref<128xi32, #tpu.memory_space<vmem>>
    %dma_start3A_542 = arith.constant 0 : i32
    %dma_start3A_543 = arith.constant 0 : i32
    %dma_start3A_544 = tpu.memref_slice %arg5[%dma_start3A_542, %dma_start3A_543] : memref<128x128xf32, #tpu.memory_space<vmem_shared>> -> memref<128x128xf32, #tpu.memory_space<vmem_shared>>
    tpu.enqueue_indirect_dma source(%dma_start3A_544 : memref<128x128xf32, #tpu.memory_space<vmem_shared>>) target(%dma_start3A_538 : memref<128x128xf32, #tpu.memory_space<vmem>>) offsets(%dma_start3A_541 : memref<128xi32, #tpu.memory_space<vmem>>) semaphore(%arg10 : memref<!tpu.dma_semaphore, #tpu.memory_space<semaphore_mem>>)
    %dma_start3A_545 = arith.constant 0 : i32
    %dma_start3A_546 = arith.constant 1 : i32
    %dma_start3A_547 = arith.constant 1 : i32
    %dma_start3A_548 = arith.constant 0 : i32
    %dma_start3A_549 = arith.constant 0 : i32
    %dma_start3A_550 = tpu.memref_slice %arg7[%dma_start3A_547, %dma_start3A_548, %dma_start3A_549] : memref<4x128x128xf32, #tpu.memory_space<vmem>> -> memref<1x128x128xf32, #tpu.memory_space<vmem>>
    %dma_start3A_551 = tpu.memref_squeeze %dma_start3A_550 : memref<1x128x128xf32, #tpu.memory_space<vmem>> -> memref<128x128xf32, #tpu.memory_space<vmem>>
    %dma_start3A_552 = arith.constant 0 : i32
    %dma_start3A_553 = tpu.memref_slice %arg6[%dma_start3A_545, %dma_start3A_546, %dma_start3A_552] : memref<2x160x128xi32, #tpu.memory_space<vmem>> -> memref<1x1x128xi32, #tpu.memory_space<vmem>>
    %dma_start3A_554 = tpu.memref_squeeze %dma_start3A_553 : memref<1x1x128xi32, #tpu.memory_space<vmem>> -> memref<128xi32, #tpu.memory_space<vmem>>
    %dma_start3A_555 = arith.constant 0 : i32
    %dma_start3A_556 = arith.constant 0 : i32
    %dma_start3A_557 = tpu.memref_slice %arg5[%dma_start3A_555, %dma_start3A_556] : memref<128x128xf32, #tpu.memory_space<vmem_shared>> -> memref<128x128xf32, #tpu.memory_space<vmem_shared>>
    tpu.enqueue_indirect_dma source(%dma_start3A_557 : memref<128x128xf32, #tpu.memory_space<vmem_shared>>) target(%dma_start3A_551 : memref<128x128xf32, #tpu.memory_space<vmem>>) offsets(%dma_start3A_554 : memref<128xi32, #tpu.memory_space<vmem>>) semaphore(%arg11 : memref<!tpu.dma_semaphore, #tpu.memory_space<semaphore_mem>>)
    %scan3A_558 = arith.constant 0 : i32
    %scan3A_559 = arith.constant 0 : i32
    %scan3A_560 = arith.constant 40 : i32
    %scan3A_561 = arith.addi %scan3A_559, %scan3A_560 : i32
    %scan3A_562 = arith.constant 1 : i32
    scf.for %scan3A_624 = %scan3A_559 to %scan3A_561 step %scan3A_562  : i32 {
      %mul3A_625 = arith.constant 4 : i32
      %mul3A_626 = arith.muli %scan3A_624, %mul3A_625 : i32
      %add3A_627 = arith.constant 0 : i32
      %add3A_628 = arith.addi %mul3A_626, %add3A_627 : i32
      %add3A_629 = arith.constant 2 : i32
      %add3A_630 = arith.addi %add3A_628, %add3A_629 : i32
      %lt3A = arith.constant 160 : i32
      %lt3A_631 = arith.cmpi slt, %add3A_630, %lt3A : i32
      %convert_element_type3A_632 = arith.extui %lt3A_631 : i1 to i32
      %cond3A_633 = arith.constant 0 : i32
      %cond3A_634 = arith.cmpi ne, %convert_element_type3A_632, %cond3A_633 : i32
      scf.if %cond3A_634 {
        %ge3A = arith.constant 2 : i32
        %ge3A_780 = arith.cmpi sge, %add3A_628, %ge3A : i32
        %convert_element_type3A_781 = arith.extui %ge3A_780 : i1 to i32
        %cond3A_782 = arith.constant 0 : i32
        %cond3A_783 = arith.cmpi ne, %convert_element_type3A_781, %cond3A_782 : i32
        scf.if %cond3A_783 {
          %sub3A = arith.constant 2 : i32
          %sub3A_798 = arith.subi %add3A_628, %sub3A : i32
          %mul3A_799 = arith.constant 128 : i32
          %mul3A_800 = arith.muli %sub3A_798, %mul3A_799 : i32
          %add3A_801 = arith.addi %add3A_516, %mul3A_800 : i32
          %dma_wait3A_802 = arith.constant 2 : i32
          %dma_wait3A_803 = arith.constant 0 : i32
          %dma_wait3A_804 = arith.constant 0 : i32
          %dma_wait3A_805 = tpu.memref_slice %arg7[%dma_wait3A_802, %dma_wait3A_803, %dma_wait3A_804] : memref<4x128x128xf32, #tpu.memory_space<vmem>> -> memref<1x128x128xf32, #tpu.memory_space<vmem>>
          %dma_wait3A_806 = tpu.memref_squeeze %dma_wait3A_805 : memref<1x128x128xf32, #tpu.memory_space<vmem>> -> memref<128x128xf32, #tpu.memory_space<vmem>>
          %dma_wait3A_807 = arith.constant 0 : i32
          %dma_wait3A_808 = tpu.memref_slice %arg4[%add3A_801, %dma_wait3A_807] : memref<3276800x128xf32, #tpu.memory_space<hbm>> -> memref<128x128xf32, #tpu.memory_space<hbm>>
          %dma_wait3A_809 = arith.constant 0 : i32
          %dma_wait3A_810 = tpu.memref_slice %arg4[%add3A_801, %dma_wait3A_809] : memref<3276800x128xf32, #tpu.memory_space<hbm>> -> memref<128x128xf32, #tpu.memory_space<hbm>>
          %dma_wait3A_811 = arith.constant 0 : i32
          %dma_wait3A_812 = arith.constant 0 : i32
          %dma_wait3A_813 = tpu.memref_slice %arg7[%dma_wait3A_802, %dma_wait3A_811, %dma_wait3A_812] : memref<4x128x128xf32, #tpu.memory_space<vmem>> -> memref<1x128x128xf32, #tpu.memory_space<vmem>>
          %dma_wait3A_814 = tpu.memref_squeeze %dma_wait3A_813 : memref<1x128x128xf32, #tpu.memory_space<vmem>> -> memref<128x128xf32, #tpu.memory_space<vmem>>
          tpu.wait_dma2 semaphore(%arg16 : memref<!tpu.dma_semaphore, #tpu.memory_space<semaphore_mem>>) src(%dma_wait3A_814 : memref<128x128xf32, #tpu.memory_space<vmem>>) dst(%dma_wait3A_810 : memref<128x128xf32, #tpu.memory_space<hbm>>)
        } else {
        }
        %add3A_784 = arith.constant 2 : i32
        %add3A_785 = arith.addi %add3A_628, %add3A_784 : i32
        %dma_start3A_786 = arith.constant 0 : i32
        %dma_start3A_787 = arith.constant 2 : i32
        %dma_start3A_788 = arith.constant 0 : i32
        %dma_start3A_789 = arith.constant 0 : i32
        %dma_start3A_790 = tpu.memref_slice %arg7[%dma_start3A_787, %dma_start3A_788, %dma_start3A_789] : memref<4x128x128xf32, #tpu.memory_space<vmem>> -> memref<1x128x128xf32, #tpu.memory_space<vmem>>
        %dma_start3A_791 = tpu.memref_squeeze %dma_start3A_790 : memref<1x128x128xf32, #tpu.memory_space<vmem>> -> memref<128x128xf32, #tpu.memory_space<vmem>>
        %dma_start3A_792 = arith.constant 0 : i32
        %dma_start3A_793 = tpu.memref_slice %arg6[%dma_start3A_786, %add3A_785, %dma_start3A_792] : memref<2x160x128xi32, #tpu.memory_space<vmem>> -> memref<1x1x128xi32, #tpu.memory_space<vmem>>
        %dma_start3A_794 = tpu.memref_squeeze %dma_start3A_793 : memref<1x1x128xi32, #tpu.memory_space<vmem>> -> memref<128xi32, #tpu.memory_space<vmem>>
        %dma_start3A_795 = arith.constant 0 : i32
        %dma_start3A_796 = arith.constant 0 : i32
        %dma_start3A_797 = tpu.memref_slice %arg5[%dma_start3A_795, %dma_start3A_796] : memref<128x128xf32, #tpu.memory_space<vmem_shared>> -> memref<128x128xf32, #tpu.memory_space<vmem_shared>>
        tpu.enqueue_indirect_dma source(%dma_start3A_797 : memref<128x128xf32, #tpu.memory_space<vmem_shared>>) target(%dma_start3A_791 : memref<128x128xf32, #tpu.memory_space<vmem>>) offsets(%dma_start3A_794 : memref<128xi32, #tpu.memory_space<vmem>>) semaphore(%arg12 : memref<!tpu.dma_semaphore, #tpu.memory_space<semaphore_mem>>)
      } else {
      }
      %dma_wait3A_635 = arith.constant 0 : i32
      %dma_wait3A_636 = arith.constant 0 : i32
      %dma_wait3A_637 = arith.constant 0 : i32
      %dma_wait3A_638 = arith.constant 0 : i32
      %dma_wait3A_639 = tpu.memref_slice %arg7[%dma_wait3A_636, %dma_wait3A_637, %dma_wait3A_638] : memref<4x128x128xf32, #tpu.memory_space<vmem>> -> memref<1x128x128xf32, #tpu.memory_space<vmem>>
      %dma_wait3A_640 = tpu.memref_squeeze %dma_wait3A_639 : memref<1x128x128xf32, #tpu.memory_space<vmem>> -> memref<128x128xf32, #tpu.memory_space<vmem>>
      %dma_wait3A_641 = arith.constant 0 : i32
      %dma_wait3A_642 = tpu.memref_slice %arg6[%dma_wait3A_635, %add3A_628, %dma_wait3A_641] : memref<2x160x128xi32, #tpu.memory_space<vmem>> -> memref<1x1x128xi32, #tpu.memory_space<vmem>>
      %dma_wait3A_643 = tpu.memref_squeeze %dma_wait3A_642 : memref<1x1x128xi32, #tpu.memory_space<vmem>> -> memref<128xi32, #tpu.memory_space<vmem>>
      %dma_wait3A_644 = arith.constant 0 : i32
      %dma_wait3A_645 = arith.constant 0 : i32
      %dma_wait3A_646 = tpu.memref_slice %arg5[%dma_wait3A_644, %dma_wait3A_645] : memref<128x128xf32, #tpu.memory_space<vmem_shared>> -> memref<128x128xf32, #tpu.memory_space<vmem_shared>>
      tpu.wait_indirect_dma semaphore(%arg10 : memref<!tpu.dma_semaphore, #tpu.memory_space<semaphore_mem>>) src(%dma_wait3A_646 : memref<128x128xf32, #tpu.memory_space<vmem_shared>>) dst(%dma_wait3A_640 : memref<128x128xf32, #tpu.memory_space<vmem>>)
      %mul3A_647 = arith.constant 128 : i32
      %mul3A_648 = arith.muli %add3A_628, %mul3A_647 : i32
      %add3A_649 = arith.addi %add3A_516, %mul3A_648 : i32
      %dma_start3A_650 = arith.constant 0 : i32
      %dma_start3A_651 = arith.constant 0 : i32
      %dma_start3A_652 = arith.constant 0 : i32
      %dma_start3A_653 = tpu.memref_slice %arg7[%dma_start3A_650, %dma_start3A_651, %dma_start3A_652] : memref<4x128x128xf32, #tpu.memory_space<vmem>> -> memref<1x128x128xf32, #tpu.memory_space<vmem>>
      %dma_start3A_654 = tpu.memref_squeeze %dma_start3A_653 : memref<1x128x128xf32, #tpu.memory_space<vmem>> -> memref<128x128xf32, #tpu.memory_space<vmem>>
      %dma_start3A_655 = arith.constant 0 : i32
      %dma_start3A_656 = tpu.memref_slice %arg4[%add3A_649, %dma_start3A_655] : memref<3276800x128xf32, #tpu.memory_space<hbm>> -> memref<128x128xf32, #tpu.memory_space<hbm>>
      %dma_start3A_657 = arith.constant 0 : i32
      %dma_start3A_658 = tpu.memref_slice %arg4[%add3A_649, %dma_start3A_657] : memref<3276800x128xf32, #tpu.memory_space<hbm>> -> memref<128x128xf32, #tpu.memory_space<hbm>>
      %dma_start3A_659 = arith.constant 0 : i32
      %dma_start3A_660 = arith.constant 0 : i32
      %dma_start3A_661 = tpu.memref_slice %arg7[%dma_start3A_650, %dma_start3A_659, %dma_start3A_660] : memref<4x128x128xf32, #tpu.memory_space<vmem>> -> memref<1x128x128xf32, #tpu.memory_space<vmem>>
      %dma_start3A_662 = tpu.memref_squeeze %dma_start3A_661 : memref<1x128x128xf32, #tpu.memory_space<vmem>> -> memref<128x128xf32, #tpu.memory_space<vmem>>
      tpu.enqueue_dma source(%dma_start3A_662 : memref<128x128xf32, #tpu.memory_space<vmem>>) target(%dma_start3A_658 : memref<128x128xf32, #tpu.memory_space<hbm>>) target_semaphore(%arg14 : memref<!tpu.dma_semaphore, #tpu.memory_space<semaphore_mem>>)
      %mul3A_663 = arith.constant 4 : i32
      %mul3A_664 = arith.muli %scan3A_624, %mul3A_663 : i32
      %add3A_665 = arith.constant 1 : i32
      %add3A_666 = arith.addi %mul3A_664, %add3A_665 : i32
      %add3A_667 = arith.constant 2 : i32
      %add3A_668 = arith.addi %add3A_666, %add3A_667 : i32
      %lt3A_669 = arith.constant 160 : i32
      %lt3A_670 = arith.cmpi slt, %add3A_668, %lt3A_669 : i32
      %convert_element_type3A_671 = arith.extui %lt3A_670 : i1 to i32
      %cond3A_672 = arith.constant 0 : i32
      %cond3A_673 = arith.cmpi ne, %convert_element_type3A_671, %cond3A_672 : i32
      scf.if %cond3A_673 {
        %ge3A = arith.constant 2 : i32
        %ge3A_780 = arith.cmpi sge, %add3A_666, %ge3A : i32
        %convert_element_type3A_781 = arith.extui %ge3A_780 : i1 to i32
        %cond3A_782 = arith.constant 0 : i32
        %cond3A_783 = arith.cmpi ne, %convert_element_type3A_781, %cond3A_782 : i32
        scf.if %cond3A_783 {
          %sub3A = arith.constant 2 : i32
          %sub3A_798 = arith.subi %add3A_666, %sub3A : i32
          %mul3A_799 = arith.constant 128 : i32
          %mul3A_800 = arith.muli %sub3A_798, %mul3A_799 : i32
          %add3A_801 = arith.addi %add3A_516, %mul3A_800 : i32
          %dma_wait3A_802 = arith.constant 3 : i32
          %dma_wait3A_803 = arith.constant 0 : i32
          %dma_wait3A_804 = arith.constant 0 : i32
          %dma_wait3A_805 = tpu.memref_slice %arg7[%dma_wait3A_802, %dma_wait3A_803, %dma_wait3A_804] : memref<4x128x128xf32, #tpu.memory_space<vmem>> -> memref<1x128x128xf32, #tpu.memory_space<vmem>>
          %dma_wait3A_806 = tpu.memref_squeeze %dma_wait3A_805 : memref<1x128x128xf32, #tpu.memory_space<vmem>> -> memref<128x128xf32, #tpu.memory_space<vmem>>
          %dma_wait3A_807 = arith.constant 0 : i32
          %dma_wait3A_808 = tpu.memref_slice %arg4[%add3A_801, %dma_wait3A_807] : memref<3276800x128xf32, #tpu.memory_space<hbm>> -> memref<128x128xf32, #tpu.memory_space<hbm>>
          %dma_wait3A_809 = arith.constant 0 : i32
          %dma_wait3A_810 = tpu.memref_slice %arg4[%add3A_801, %dma_wait3A_809] : memref<3276800x128xf32, #tpu.memory_space<hbm>> -> memref<128x128xf32, #tpu.memory_space<hbm>>
          %dma_wait3A_811 = arith.constant 0 : i32
          %dma_wait3A_812 = arith.constant 0 : i32
          %dma_wait3A_813 = tpu.memref_slice %arg7[%dma_wait3A_802, %dma_wait3A_811, %dma_wait3A_812] : memref<4x128x128xf32, #tpu.memory_space<vmem>> -> memref<1x128x128xf32, #tpu.memory_space<vmem>>
          %dma_wait3A_814 = tpu.memref_squeeze %dma_wait3A_813 : memref<1x128x128xf32, #tpu.memory_space<vmem>> -> memref<128x128xf32, #tpu.memory_space<vmem>>
          tpu.wait_dma2 semaphore(%arg17 : memref<!tpu.dma_semaphore, #tpu.memory_space<semaphore_mem>>) src(%dma_wait3A_814 : memref<128x128xf32, #tpu.memory_space<vmem>>) dst(%dma_wait3A_810 : memref<128x128xf32, #tpu.memory_space<hbm>>)
        } else {
        }
        %add3A_784 = arith.constant 2 : i32
        %add3A_785 = arith.addi %add3A_666, %add3A_784 : i32
        %dma_start3A_786 = arith.constant 0 : i32
        %dma_start3A_787 = arith.constant 3 : i32
        %dma_start3A_788 = arith.constant 0 : i32
        %dma_start3A_789 = arith.constant 0 : i32
        %dma_start3A_790 = tpu.memref_slice %arg7[%dma_start3A_787, %dma_start3A_788, %dma_start3A_789] : memref<4x128x128xf32, #tpu.memory_space<vmem>> -> memref<1x128x128xf32, #tpu.memory_space<vmem>>
        %dma_start3A_791 = tpu.memref_squeeze %dma_start3A_790 : memref<1x128x128xf32, #tpu.memory_space<vmem>> -> memref<128x128xf32, #tpu.memory_space<vmem>>
        %dma_start3A_792 = arith.constant 0 : i32
        %dma_start3A_793 = tpu.memref_slice %arg6[%dma_start3A_786, %add3A_785, %dma_start3A_792] : memref<2x160x128xi32, #tpu.memory_space<vmem>> -> memref<1x1x128xi32, #tpu.memory_space<vmem>>
        %dma_start3A_794 = tpu.memref_squeeze %dma_start3A_793 : memref<1x1x128xi32, #tpu.memory_space<vmem>> -> memref<128xi32, #tpu.memory_space<vmem>>
        %dma_start3A_795 = arith.constant 0 : i32
        %dma_start3A_796 = arith.constant 0 : i32
        %dma_start3A_797 = tpu.memref_slice %arg5[%dma_start3A_795, %dma_start3A_796] : memref<128x128xf32, #tpu.memory_space<vmem_shared>> -> memref<128x128xf32, #tpu.memory_space<vmem_shared>>
        tpu.enqueue_indirect_dma source(%dma_start3A_797 : memref<128x128xf32, #tpu.memory_space<vmem_shared>>) target(%dma_start3A_791 : memref<128x128xf32, #tpu.memory_space<vmem>>) offsets(%dma_start3A_794 : memref<128xi32, #tpu.memory_space<vmem>>) semaphore(%arg13 : memref<!tpu.dma_semaphore, #tpu.memory_space<semaphore_mem>>)
      } else {
      }
      %dma_wait3A_674 = arith.constant 0 : i32
      %dma_wait3A_675 = arith.constant 1 : i32
      %dma_wait3A_676 = arith.constant 0 : i32
      %dma_wait3A_677 = arith.constant 0 : i32
      %dma_wait3A_678 = tpu.memref_slice %arg7[%dma_wait3A_675, %dma_wait3A_676, %dma_wait3A_677] : memref<4x128x128xf32, #tpu.memory_space<vmem>> -> memref<1x128x128xf32, #tpu.memory_space<vmem>>
      %dma_wait3A_679 = tpu.memref_squeeze %dma_wait3A_678 : memref<1x128x128xf32, #tpu.memory_space<vmem>> -> memref<128x128xf32, #tpu.memory_space<vmem>>
      %dma_wait3A_680 = arith.constant 0 : i32
      %dma_wait3A_681 = tpu.memref_slice %arg6[%dma_wait3A_674, %add3A_666, %dma_wait3A_680] : memref<2x160x128xi32, #tpu.memory_space<vmem>> -> memref<1x1x128xi32, #tpu.memory_space<vmem>>
      %dma_wait3A_682 = tpu.memref_squeeze %dma_wait3A_681 : memref<1x1x128xi32, #tpu.memory_space<vmem>> -> memref<128xi32, #tpu.memory_space<vmem>>
      %dma_wait3A_683 = arith.constant 0 : i32
      %dma_wait3A_684 = arith.constant 0 : i32
      %dma_wait3A_685 = tpu.memref_slice %arg5[%dma_wait3A_683, %dma_wait3A_684] : memref<128x128xf32, #tpu.memory_space<vmem_shared>> -> memref<128x128xf32, #tpu.memory_space<vmem_shared>>
      tpu.wait_indirect_dma semaphore(%arg11 : memref<!tpu.dma_semaphore, #tpu.memory_space<semaphore_mem>>) src(%dma_wait3A_685 : memref<128x128xf32, #tpu.memory_space<vmem_shared>>) dst(%dma_wait3A_679 : memref<128x128xf32, #tpu.memory_space<vmem>>)
      %mul3A_686 = arith.constant 128 : i32
      %mul3A_687 = arith.muli %add3A_666, %mul3A_686 : i32
      %add3A_688 = arith.addi %add3A_516, %mul3A_687 : i32
      %dma_start3A_689 = arith.constant 1 : i32
      %dma_start3A_690 = arith.constant 0 : i32
      %dma_start3A_691 = arith.constant 0 : i32
      %dma_start3A_692 = tpu.memref_slice %arg7[%dma_start3A_689, %dma_start3A_690, %dma_start3A_691] : memref<4x128x128xf32, #tpu.memory_space<vmem>> -> memref<1x128x128xf32, #tpu.memory_space<vmem>>
      %dma_start3A_693 = tpu.memref_squeeze %dma_start3A_692 : memref<1x128x128xf32, #tpu.memory_space<vmem>> -> memref<128x128xf32, #tpu.memory_space<vmem>>
      %dma_start3A_694 = arith.constant 0 : i32
      %dma_start3A_695 = tpu.memref_slice %arg4[%add3A_688, %dma_start3A_694] : memref<3276800x128xf32, #tpu.memory_space<hbm>> -> memref<128x128xf32, #tpu.memory_space<hbm>>
      %dma_start3A_696 = arith.constant 0 : i32
      %dma_start3A_697 = tpu.memref_slice %arg4[%add3A_688, %dma_start3A_696] : memref<3276800x128xf32, #tpu.memory_space<hbm>> -> memref<128x128xf32, #tpu.memory_space<hbm>>
      %dma_start3A_698 = arith.constant 0 : i32
      %dma_start3A_699 = arith.constant 0 : i32
      %dma_start3A_700 = tpu.memref_slice %arg7[%dma_start3A_689, %dma_start3A_698, %dma_start3A_699] : memref<4x128x128xf32, #tpu.memory_space<vmem>> -> memref<1x128x128xf32, #tpu.memory_space<vmem>>
      %dma_start3A_701 = tpu.memref_squeeze %dma_start3A_700 : memref<1x128x128xf32, #tpu.memory_space<vmem>> -> memref<128x128xf32, #tpu.memory_space<vmem>>
      tpu.enqueue_dma source(%dma_start3A_701 : memref<128x128xf32, #tpu.memory_space<vmem>>) target(%dma_start3A_697 : memref<128x128xf32, #tpu.memory_space<hbm>>) target_semaphore(%arg15 : memref<!tpu.dma_semaphore, #tpu.memory_space<semaphore_mem>>)
      %mul3A_702 = arith.constant 4 : i32
      %mul3A_703 = arith.muli %scan3A_624, %mul3A_702 : i32
      %add3A_704 = arith.constant 2 : i32
      %add3A_705 = arith.addi %mul3A_703, %add3A_704 : i32
      %add3A_706 = arith.constant 2 : i32
      %add3A_707 = arith.addi %add3A_705, %add3A_706 : i32
      %lt3A_708 = arith.constant 160 : i32
      %lt3A_709 = arith.cmpi slt, %add3A_707, %lt3A_708 : i32
      %convert_element_type3A_710 = arith.extui %lt3A_709 : i1 to i32
      %cond3A_711 = arith.constant 0 : i32
      %cond3A_712 = arith.cmpi ne, %convert_element_type3A_710, %cond3A_711 : i32
      scf.if %cond3A_712 {
        %ge3A = arith.constant 2 : i32
        %ge3A_780 = arith.cmpi sge, %add3A_705, %ge3A : i32
        %convert_element_type3A_781 = arith.extui %ge3A_780 : i1 to i32
        %cond3A_782 = arith.constant 0 : i32
        %cond3A_783 = arith.cmpi ne, %convert_element_type3A_781, %cond3A_782 : i32
        scf.if %cond3A_783 {
          %sub3A = arith.constant 2 : i32
          %sub3A_798 = arith.subi %add3A_705, %sub3A : i32
          %mul3A_799 = arith.constant 128 : i32
          %mul3A_800 = arith.muli %sub3A_798, %mul3A_799 : i32
          %add3A_801 = arith.addi %add3A_516, %mul3A_800 : i32
          %dma_wait3A_802 = arith.constant 0 : i32
          %dma_wait3A_803 = arith.constant 0 : i32
          %dma_wait3A_804 = arith.constant 0 : i32
          %dma_wait3A_805 = tpu.memref_slice %arg7[%dma_wait3A_802, %dma_wait3A_803, %dma_wait3A_804] : memref<4x128x128xf32, #tpu.memory_space<vmem>> -> memref<1x128x128xf32, #tpu.memory_space<vmem>>
          %dma_wait3A_806 = tpu.memref_squeeze %dma_wait3A_805 : memref<1x128x128xf32, #tpu.memory_space<vmem>> -> memref<128x128xf32, #tpu.memory_space<vmem>>
          %dma_wait3A_807 = arith.constant 0 : i32
          %dma_wait3A_808 = tpu.memref_slice %arg4[%add3A_801, %dma_wait3A_807] : memref<3276800x128xf32, #tpu.memory_space<hbm>> -> memref<128x128xf32, #tpu.memory_space<hbm>>
          %dma_wait3A_809 = arith.constant 0 : i32
          %dma_wait3A_810 = tpu.memref_slice %arg4[%add3A_801, %dma_wait3A_809] : memref<3276800x128xf32, #tpu.memory_space<hbm>> -> memref<128x128xf32, #tpu.memory_space<hbm>>
          %dma_wait3A_811 = arith.constant 0 : i32
          %dma_wait3A_812 = arith.constant 0 : i32
          %dma_wait3A_813 = tpu.memref_slice %arg7[%dma_wait3A_802, %dma_wait3A_811, %dma_wait3A_812] : memref<4x128x128xf32, #tpu.memory_space<vmem>> -> memref<1x128x128xf32, #tpu.memory_space<vmem>>
          %dma_wait3A_814 = tpu.memref_squeeze %dma_wait3A_813 : memref<1x128x128xf32, #tpu.memory_space<vmem>> -> memref<128x128xf32, #tpu.memory_space<vmem>>
          tpu.wait_dma2 semaphore(%arg14 : memref<!tpu.dma_semaphore, #tpu.memory_space<semaphore_mem>>) src(%dma_wait3A_814 : memref<128x128xf32, #tpu.memory_space<vmem>>) dst(%dma_wait3A_810 : memref<128x128xf32, #tpu.memory_space<hbm>>)
        } else {
        }
        %add3A_784 = arith.constant 2 : i32
        %add3A_785 = arith.addi %add3A_705, %add3A_784 : i32
        %dma_start3A_786 = arith.constant 0 : i32
        %dma_start3A_787 = arith.constant 0 : i32
        %dma_start3A_788 = arith.constant 0 : i32
        %dma_start3A_789 = arith.constant 0 : i32
        %dma_start3A_790 = tpu.memref_slice %arg7[%dma_start3A_787, %dma_start3A_788, %dma_start3A_789] : memref<4x128x128xf32, #tpu.memory_space<vmem>> -> memref<1x128x128xf32, #tpu.memory_space<vmem>>
        %dma_start3A_791 = tpu.memref_squeeze %dma_start3A_790 : memref<1x128x128xf32, #tpu.memory_space<vmem>> -> memref<128x128xf32, #tpu.memory_space<vmem>>
        %dma_start3A_792 = arith.constant 0 : i32
        %dma_start3A_793 = tpu.memref_slice %arg6[%dma_start3A_786, %add3A_785, %dma_start3A_792] : memref<2x160x128xi32, #tpu.memory_space<vmem>> -> memref<1x1x128xi32, #tpu.memory_space<vmem>>
        %dma_start3A_794 = tpu.memref_squeeze %dma_start3A_793 : memref<1x1x128xi32, #tpu.memory_space<vmem>> -> memref<128xi32, #tpu.memory_space<vmem>>
        %dma_start3A_795 = arith.constant 0 : i32
        %dma_start3A_796 = arith.constant 0 : i32
        %dma_start3A_797 = tpu.memref_slice %arg5[%dma_start3A_795, %dma_start3A_796] : memref<128x128xf32, #tpu.memory_space<vmem_shared>> -> memref<128x128xf32, #tpu.memory_space<vmem_shared>>
        tpu.enqueue_indirect_dma source(%dma_start3A_797 : memref<128x128xf32, #tpu.memory_space<vmem_shared>>) target(%dma_start3A_791 : memref<128x128xf32, #tpu.memory_space<vmem>>) offsets(%dma_start3A_794 : memref<128xi32, #tpu.memory_space<vmem>>) semaphore(%arg10 : memref<!tpu.dma_semaphore, #tpu.memory_space<semaphore_mem>>)
      } else {
      }
      %dma_wait3A_713 = arith.constant 0 : i32
      %dma_wait3A_714 = arith.constant 2 : i32
      %dma_wait3A_715 = arith.constant 0 : i32
      %dma_wait3A_716 = arith.constant 0 : i32
      %dma_wait3A_717 = tpu.memref_slice %arg7[%dma_wait3A_714, %dma_wait3A_715, %dma_wait3A_716] : memref<4x128x128xf32, #tpu.memory_space<vmem>> -> memref<1x128x128xf32, #tpu.memory_space<vmem>>
      %dma_wait3A_718 = tpu.memref_squeeze %dma_wait3A_717 : memref<1x128x128xf32, #tpu.memory_space<vmem>> -> memref<128x128xf32, #tpu.memory_space<vmem>>
      %dma_wait3A_719 = arith.constant 0 : i32
      %dma_wait3A_720 = tpu.memref_slice %arg6[%dma_wait3A_713, %add3A_705, %dma_wait3A_719] : memref<2x160x128xi32, #tpu.memory_space<vmem>> -> memref<1x1x128xi32, #tpu.memory_space<vmem>>
      %dma_wait3A_721 = tpu.memref_squeeze %dma_wait3A_720 : memref<1x1x128xi32, #tpu.memory_space<vmem>> -> memref<128xi32, #tpu.memory_space<vmem>>
      %dma_wait3A_722 = arith.constant 0 : i32
      %dma_wait3A_723 = arith.constant 0 : i32
      %dma_wait3A_724 = tpu.memref_slice %arg5[%dma_wait3A_722, %dma_wait3A_723] : memref<128x128xf32, #tpu.memory_space<vmem_shared>> -> memref<128x128xf32, #tpu.memory_space<vmem_shared>>
      tpu.wait_indirect_dma semaphore(%arg12 : memref<!tpu.dma_semaphore, #tpu.memory_space<semaphore_mem>>) src(%dma_wait3A_724 : memref<128x128xf32, #tpu.memory_space<vmem_shared>>) dst(%dma_wait3A_718 : memref<128x128xf32, #tpu.memory_space<vmem>>)
      %mul3A_725 = arith.constant 128 : i32
      %mul3A_726 = arith.muli %add3A_705, %mul3A_725 : i32
      %add3A_727 = arith.addi %add3A_516, %mul3A_726 : i32
      %dma_start3A_728 = arith.constant 2 : i32
      %dma_start3A_729 = arith.constant 0 : i32
      %dma_start3A_730 = arith.constant 0 : i32
      %dma_start3A_731 = tpu.memref_slice %arg7[%dma_start3A_728, %dma_start3A_729, %dma_start3A_730] : memref<4x128x128xf32, #tpu.memory_space<vmem>> -> memref<1x128x128xf32, #tpu.memory_space<vmem>>
      %dma_start3A_732 = tpu.memref_squeeze %dma_start3A_731 : memref<1x128x128xf32, #tpu.memory_space<vmem>> -> memref<128x128xf32, #tpu.memory_space<vmem>>
      %dma_start3A_733 = arith.constant 0 : i32
      %dma_start3A_734 = tpu.memref_slice %arg4[%add3A_727, %dma_start3A_733] : memref<3276800x128xf32, #tpu.memory_space<hbm>> -> memref<128x128xf32, #tpu.memory_space<hbm>>
      %dma_start3A_735 = arith.constant 0 : i32
      %dma_start3A_736 = tpu.memref_slice %arg4[%add3A_727, %dma_start3A_735] : memref<3276800x128xf32, #tpu.memory_space<hbm>> -> memref<128x128xf32, #tpu.memory_space<hbm>>
      %dma_start3A_737 = arith.constant 0 : i32
      %dma_start3A_738 = arith.constant 0 : i32
      %dma_start3A_739 = tpu.memref_slice %arg7[%dma_start3A_728, %dma_start3A_737, %dma_start3A_738] : memref<4x128x128xf32, #tpu.memory_space<vmem>> -> memref<1x128x128xf32, #tpu.memory_space<vmem>>
      %dma_start3A_740 = tpu.memref_squeeze %dma_start3A_739 : memref<1x128x128xf32, #tpu.memory_space<vmem>> -> memref<128x128xf32, #tpu.memory_space<vmem>>
      tpu.enqueue_dma source(%dma_start3A_740 : memref<128x128xf32, #tpu.memory_space<vmem>>) target(%dma_start3A_736 : memref<128x128xf32, #tpu.memory_space<hbm>>) target_semaphore(%arg16 : memref<!tpu.dma_semaphore, #tpu.memory_space<semaphore_mem>>)
      %mul3A_741 = arith.constant 4 : i32
      %mul3A_742 = arith.muli %scan3A_624, %mul3A_741 : i32
      %add3A_743 = arith.constant 3 : i32
      %add3A_744 = arith.addi %mul3A_742, %add3A_743 : i32
      %add3A_745 = arith.constant 2 : i32
      %add3A_746 = arith.addi %add3A_744, %add3A_745 : i32
      %lt3A_747 = arith.constant 160 : i32
      %lt3A_748 = arith.cmpi slt, %add3A_746, %lt3A_747 : i32
      %convert_element_type3A_749 = arith.extui %lt3A_748 : i1 to i32
      %cond3A_750 = arith.constant 0 : i32
      %cond3A_751 = arith.cmpi ne, %convert_element_type3A_749, %cond3A_750 : i32
      scf.if %cond3A_751 {
        %ge3A = arith.constant 2 : i32
        %ge3A_780 = arith.cmpi sge, %add3A_744, %ge3A : i32
        %convert_element_type3A_781 = arith.extui %ge3A_780 : i1 to i32
        %cond3A_782 = arith.constant 0 : i32
        %cond3A_783 = arith.cmpi ne, %convert_element_type3A_781, %cond3A_782 : i32
        scf.if %cond3A_783 {
          %sub3A = arith.constant 2 : i32
          %sub3A_798 = arith.subi %add3A_744, %sub3A : i32
          %mul3A_799 = arith.constant 128 : i32
          %mul3A_800 = arith.muli %sub3A_798, %mul3A_799 : i32
          %add3A_801 = arith.addi %add3A_516, %mul3A_800 : i32
          %dma_wait3A_802 = arith.constant 1 : i32
          %dma_wait3A_803 = arith.constant 0 : i32
          %dma_wait3A_804 = arith.constant 0 : i32
          %dma_wait3A_805 = tpu.memref_slice %arg7[%dma_wait3A_802, %dma_wait3A_803, %dma_wait3A_804] : memref<4x128x128xf32, #tpu.memory_space<vmem>> -> memref<1x128x128xf32, #tpu.memory_space<vmem>>
          %dma_wait3A_806 = tpu.memref_squeeze %dma_wait3A_805 : memref<1x128x128xf32, #tpu.memory_space<vmem>> -> memref<128x128xf32, #tpu.memory_space<vmem>>
          %dma_wait3A_807 = arith.constant 0 : i32
          %dma_wait3A_808 = tpu.memref_slice %arg4[%add3A_801, %dma_wait3A_807] : memref<3276800x128xf32, #tpu.memory_space<hbm>> -> memref<128x128xf32, #tpu.memory_space<hbm>>
          %dma_wait3A_809 = arith.constant 0 : i32
          %dma_wait3A_810 = tpu.memref_slice %arg4[%add3A_801, %dma_wait3A_809] : memref<3276800x128xf32, #tpu.memory_space<hbm>> -> memref<128x128xf32, #tpu.memory_space<hbm>>
          %dma_wait3A_811 = arith.constant 0 : i32
          %dma_wait3A_812 = arith.constant 0 : i32
          %dma_wait3A_813 = tpu.memref_slice %arg7[%dma_wait3A_802, %dma_wait3A_811, %dma_wait3A_812] : memref<4x128x128xf32, #tpu.memory_space<vmem>> -> memref<1x128x128xf32, #tpu.memory_space<vmem>>
          %dma_wait3A_814 = tpu.memref_squeeze %dma_wait3A_813 : memref<1x128x128xf32, #tpu.memory_space<vmem>> -> memref<128x128xf32, #tpu.memory_space<vmem>>
          tpu.wait_dma2 semaphore(%arg15 : memref<!tpu.dma_semaphore, #tpu.memory_space<semaphore_mem>>) src(%dma_wait3A_814 : memref<128x128xf32, #tpu.memory_space<vmem>>) dst(%dma_wait3A_810 : memref<128x128xf32, #tpu.memory_space<hbm>>)
        } else {
        }
        %add3A_784 = arith.constant 2 : i32
        %add3A_785 = arith.addi %add3A_744, %add3A_784 : i32
        %dma_start3A_786 = arith.constant 0 : i32
        %dma_start3A_787 = arith.constant 1 : i32
        %dma_start3A_788 = arith.constant 0 : i32
        %dma_start3A_789 = arith.constant 0 : i32
        %dma_start3A_790 = tpu.memref_slice %arg7[%dma_start3A_787, %dma_start3A_788, %dma_start3A_789] : memref<4x128x128xf32, #tpu.memory_space<vmem>> -> memref<1x128x128xf32, #tpu.memory_space<vmem>>
        %dma_start3A_791 = tpu.memref_squeeze %dma_start3A_790 : memref<1x128x128xf32, #tpu.memory_space<vmem>> -> memref<128x128xf32, #tpu.memory_space<vmem>>
        %dma_start3A_792 = arith.constant 0 : i32
        %dma_start3A_793 = tpu.memref_slice %arg6[%dma_start3A_786, %add3A_785, %dma_start3A_792] : memref<2x160x128xi32, #tpu.memory_space<vmem>> -> memref<1x1x128xi32, #tpu.memory_space<vmem>>
        %dma_start3A_794 = tpu.memref_squeeze %dma_start3A_793 : memref<1x1x128xi32, #tpu.memory_space<vmem>> -> memref<128xi32, #tpu.memory_space<vmem>>
        %dma_start3A_795 = arith.constant 0 : i32
        %dma_start3A_796 = arith.constant 0 : i32
        %dma_start3A_797 = tpu.memref_slice %arg5[%dma_start3A_795, %dma_start3A_796] : memref<128x128xf32, #tpu.memory_space<vmem_shared>> -> memref<128x128xf32, #tpu.memory_space<vmem_shared>>
        tpu.enqueue_indirect_dma source(%dma_start3A_797 : memref<128x128xf32, #tpu.memory_space<vmem_shared>>) target(%dma_start3A_791 : memref<128x128xf32, #tpu.memory_space<vmem>>) offsets(%dma_start3A_794 : memref<128xi32, #tpu.memory_space<vmem>>) semaphore(%arg11 : memref<!tpu.dma_semaphore, #tpu.memory_space<semaphore_mem>>)
      } else {
      }
      %dma_wait3A_752 = arith.constant 0 : i32
      %dma_wait3A_753 = arith.constant 3 : i32
      %dma_wait3A_754 = arith.constant 0 : i32
      %dma_wait3A_755 = arith.constant 0 : i32
      %dma_wait3A_756 = tpu.memref_slice %arg7[%dma_wait3A_753, %dma_wait3A_754, %dma_wait3A_755] : memref<4x128x128xf32, #tpu.memory_space<vmem>> -> memref<1x128x128xf32, #tpu.memory_space<vmem>>
      %dma_wait3A_757 = tpu.memref_squeeze %dma_wait3A_756 : memref<1x128x128xf32, #tpu.memory_space<vmem>> -> memref<128x128xf32, #tpu.memory_space<vmem>>
      %dma_wait3A_758 = arith.constant 0 : i32
      %dma_wait3A_759 = tpu.memref_slice %arg6[%dma_wait3A_752, %add3A_744, %dma_wait3A_758] : memref<2x160x128xi32, #tpu.memory_space<vmem>> -> memref<1x1x128xi32, #tpu.memory_space<vmem>>
      %dma_wait3A_760 = tpu.memref_squeeze %dma_wait3A_759 : memref<1x1x128xi32, #tpu.memory_space<vmem>> -> memref<128xi32, #tpu.memory_space<vmem>>
      %dma_wait3A_761 = arith.constant 0 : i32
      %dma_wait3A_762 = arith.constant 0 : i32
      %dma_wait3A_763 = tpu.memref_slice %arg5[%dma_wait3A_761, %dma_wait3A_762] : memref<128x128xf32, #tpu.memory_space<vmem_shared>> -> memref<128x128xf32, #tpu.memory_space<vmem_shared>>
      tpu.wait_indirect_dma semaphore(%arg13 : memref<!tpu.dma_semaphore, #tpu.memory_space<semaphore_mem>>) src(%dma_wait3A_763 : memref<128x128xf32, #tpu.memory_space<vmem_shared>>) dst(%dma_wait3A_757 : memref<128x128xf32, #tpu.memory_space<vmem>>)
      %mul3A_764 = arith.constant 128 : i32
      %mul3A_765 = arith.muli %add3A_744, %mul3A_764 : i32
      %add3A_766 = arith.addi %add3A_516, %mul3A_765 : i32
      %dma_start3A_767 = arith.constant 3 : i32
      %dma_start3A_768 = arith.constant 0 : i32
      %dma_start3A_769 = arith.constant 0 : i32
      %dma_start3A_770 = tpu.memref_slice %arg7[%dma_start3A_767, %dma_start3A_768, %dma_start3A_769] : memref<4x128x128xf32, #tpu.memory_space<vmem>> -> memref<1x128x128xf32, #tpu.memory_space<vmem>>
      %dma_start3A_771 = tpu.memref_squeeze %dma_start3A_770 : memref<1x128x128xf32, #tpu.memory_space<vmem>> -> memref<128x128xf32, #tpu.memory_space<vmem>>
      %dma_start3A_772 = arith.constant 0 : i32
      %dma_start3A_773 = tpu.memref_slice %arg4[%add3A_766, %dma_start3A_772] : memref<3276800x128xf32, #tpu.memory_space<hbm>> -> memref<128x128xf32, #tpu.memory_space<hbm>>
      %dma_start3A_774 = arith.constant 0 : i32
      %dma_start3A_775 = tpu.memref_slice %arg4[%add3A_766, %dma_start3A_774] : memref<3276800x128xf32, #tpu.memory_space<hbm>> -> memref<128x128xf32, #tpu.memory_space<hbm>>
      %dma_start3A_776 = arith.constant 0 : i32
      %dma_start3A_777 = arith.constant 0 : i32
      %dma_start3A_778 = tpu.memref_slice %arg7[%dma_start3A_767, %dma_start3A_776, %dma_start3A_777] : memref<4x128x128xf32, #tpu.memory_space<vmem>> -> memref<1x128x128xf32, #tpu.memory_space<vmem>>
      %dma_start3A_779 = tpu.memref_squeeze %dma_start3A_778 : memref<1x128x128xf32, #tpu.memory_space<vmem>> -> memref<128x128xf32, #tpu.memory_space<vmem>>
      tpu.enqueue_dma source(%dma_start3A_779 : memref<128x128xf32, #tpu.memory_space<vmem>>) target(%dma_start3A_775 : memref<128x128xf32, #tpu.memory_space<hbm>>) target_semaphore(%arg17 : memref<!tpu.dma_semaphore, #tpu.memory_space<semaphore_mem>>)
    }
    %scan3A_563 = arith.constant 40 : i32
    %add3A_564 = arith.constant 19968 : i32
    %add3A_565 = arith.addi %add3A_516, %add3A_564 : i32
    %dma_wait3A_566 = arith.constant 0 : i32
    %dma_wait3A_567 = arith.constant 0 : i32
    %dma_wait3A_568 = arith.constant 0 : i32
    %dma_wait3A_569 = tpu.memref_slice %arg7[%dma_wait3A_566, %dma_wait3A_567, %dma_wait3A_568] : memref<4x128x128xf32, #tpu.memory_space<vmem>> -> memref<1x128x128xf32, #tpu.memory_space<vmem>>
    %dma_wait3A_570 = tpu.memref_squeeze %dma_wait3A_569 : memref<1x128x128xf32, #tpu.memory_space<vmem>> -> memref<128x128xf32, #tpu.memory_space<vmem>>
    %dma_wait3A_571 = arith.constant 0 : i32
    %dma_wait3A_572 = tpu.memref_slice %arg4[%add3A_565, %dma_wait3A_571] : memref<3276800x128xf32, #tpu.memory_space<hbm>> -> memref<128x128xf32, #tpu.memory_space<hbm>>
    %dma_wait3A_573 = arith.constant 0 : i32
    %dma_wait3A_574 = tpu.memref_slice %arg4[%add3A_565, %dma_wait3A_573] : memref<3276800x128xf32, #tpu.memory_space<hbm>> -> memref<128x128xf32, #tpu.memory_space<hbm>>
    %dma_wait3A_575 = arith.constant 0 : i32
    %dma_wait3A_576 = arith.constant 0 : i32
    %dma_wait3A_577 = tpu.memref_slice %arg7[%dma_wait3A_566, %dma_wait3A_575, %dma_wait3A_576] : memref<4x128x128xf32, #tpu.memory_space<vmem>> -> memref<1x128x128xf32, #tpu.memory_space<vmem>>
    %dma_wait3A_578 = tpu.memref_squeeze %dma_wait3A_577 : memref<1x128x128xf32, #tpu.memory_space<vmem>> -> memref<128x128xf32, #tpu.memory_space<vmem>>
    tpu.wait_dma2 semaphore(%arg14 : memref<!tpu.dma_semaphore, #tpu.memory_space<semaphore_mem>>) src(%dma_wait3A_578 : memref<128x128xf32, #tpu.memory_space<vmem>>) dst(%dma_wait3A_574 : memref<128x128xf32, #tpu.memory_space<hbm>>)
    %add3A_579 = arith.constant 20096 : i32
    %add3A_580 = arith.addi %add3A_516, %add3A_579 : i32
    %dma_wait3A_581 = arith.constant 1 : i32
    %dma_wait3A_582 = arith.constant 0 : i32
    %dma_wait3A_583 = arith.constant 0 : i32
    %dma_wait3A_584 = tpu.memref_slice %arg7[%dma_wait3A_581, %dma_wait3A_582, %dma_wait3A_583] : memref<4x128x128xf32, #tpu.memory_space<vmem>> -> memref<1x128x128xf32, #tpu.memory_space<vmem>>
    %dma_wait3A_585 = tpu.memref_squeeze %dma_wait3A_584 : memref<1x128x128xf32, #tpu.memory_space<vmem>> -> memref<128x128xf32, #tpu.memory_space<vmem>>
    %dma_wait3A_586 = arith.constant 0 : i32
    %dma_wait3A_587 = tpu.memref_slice %arg4[%add3A_580, %dma_wait3A_586] : memref<3276800x128xf32, #tpu.memory_space<hbm>> -> memref<128x128xf32, #tpu.memory_space<hbm>>
    %dma_wait3A_588 = arith.constant 0 : i32
    %dma_wait3A_589 = tpu.memref_slice %arg4[%add3A_580, %dma_wait3A_588] : memref<3276800x128xf32, #tpu.memory_space<hbm>> -> memref<128x128xf32, #tpu.memory_space<hbm>>
    %dma_wait3A_590 = arith.constant 0 : i32
    %dma_wait3A_591 = arith.constant 0 : i32
    %dma_wait3A_592 = tpu.memref_slice %arg7[%dma_wait3A_581, %dma_wait3A_590, %dma_wait3A_591] : memref<4x128x128xf32, #tpu.memory_space<vmem>> -> memref<1x128x128xf32, #tpu.memory_space<vmem>>
    %dma_wait3A_593 = tpu.memref_squeeze %dma_wait3A_592 : memref<1x128x128xf32, #tpu.memory_space<vmem>> -> memref<128x128xf32, #tpu.memory_space<vmem>>
    tpu.wait_dma2 semaphore(%arg15 : memref<!tpu.dma_semaphore, #tpu.memory_space<semaphore_mem>>) src(%dma_wait3A_593 : memref<128x128xf32, #tpu.memory_space<vmem>>) dst(%dma_wait3A_589 : memref<128x128xf32, #tpu.memory_space<hbm>>)
    %add3A_594 = arith.constant 20224 : i32
    %add3A_595 = arith.addi %add3A_516, %add3A_594 : i32
    %dma_wait3A_596 = arith.constant 2 : i32
    %dma_wait3A_597 = arith.constant 0 : i32
    %dma_wait3A_598 = arith.constant 0 : i32
    %dma_wait3A_599 = tpu.memref_slice %arg7[%dma_wait3A_596, %dma_wait3A_597, %dma_wait3A_598] : memref<4x128x128xf32, #tpu.memory_space<vmem>> -> memref<1x128x128xf32, #tpu.memory_space<vmem>>
    %dma_wait3A_600 = tpu.memref_squeeze %dma_wait3A_599 : memref<1x128x128xf32, #tpu.memory_space<vmem>> -> memref<128x128xf32, #tpu.memory_space<vmem>>
    %dma_wait3A_601 = arith.constant 0 : i32
    %dma_wait3A_602 = tpu.memref_slice %arg4[%add3A_595, %dma_wait3A_601] : memref<3276800x128xf32, #tpu.memory_space<hbm>> -> memref<128x128xf32, #tpu.memory_space<hbm>>
    %dma_wait3A_603 = arith.constant 0 : i32
    %dma_wait3A_604 = tpu.memref_slice %arg4[%add3A_595, %dma_wait3A_603] : memref<3276800x128xf32, #tpu.memory_space<hbm>> -> memref<128x128xf32, #tpu.memory_space<hbm>>
    %dma_wait3A_605 = arith.constant 0 : i32
    %dma_wait3A_606 = arith.constant 0 : i32
    %dma_wait3A_607 = tpu.memref_slice %arg7[%dma_wait3A_596, %dma_wait3A_605, %dma_wait3A_606] : memref<4x128x128xf32, #tpu.memory_space<vmem>> -> memref<1x128x128xf32, #tpu.memory_space<vmem>>
    %dma_wait3A_608 = tpu.memref_squeeze %dma_wait3A_607 : memref<1x128x128xf32, #tpu.memory_space<vmem>> -> memref<128x128xf32, #tpu.memory_space<vmem>>
    tpu.wait_dma2 semaphore(%arg16 : memref<!tpu.dma_semaphore, #tpu.memory_space<semaphore_mem>>) src(%dma_wait3A_608 : memref<128x128xf32, #tpu.memory_space<vmem>>) dst(%dma_wait3A_604 : memref<128x128xf32, #tpu.memory_space<hbm>>)
    %add3A_609 = arith.constant 20352 : i32
    %add3A_610 = arith.addi %add3A_516, %add3A_609 : i32
    %dma_wait3A_611 = arith.constant 3 : i32
    %dma_wait3A_612 = arith.constant 0 : i32
    %dma_wait3A_613 = arith.constant 0 : i32
    %dma_wait3A_614 = tpu.memref_slice %arg7[%dma_wait3A_611, %dma_wait3A_612, %dma_wait3A_613] : memref<4x128x128xf32, #tpu.memory_space<vmem>> -> memref<1x128x128xf32, #tpu.memory_space<vmem>>
    %dma_wait3A_615 = tpu.memref_squeeze %dma_wait3A_614 : memref<1x128x128xf32, #tpu.memory_space<vmem>> -> memref<128x128xf32, #tpu.memory_space<vmem>>
    %dma_wait3A_616 = arith.constant 0 : i32
    %dma_wait3A_617 = tpu.memref_slice %arg4[%add3A_610, %dma_wait3A_616] : memref<3276800x128xf32, #tpu.memory_space<hbm>> -> memref<128x128xf32, #tpu.memory_space<hbm>>
    %dma_wait3A_618 = arith.constant 0 : i32
    %dma_wait3A_619 = tpu.memref_slice %arg4[%add3A_610, %dma_wait3A_618] : memref<3276800x128xf32, #tpu.memory_space<hbm>> -> memref<128x128xf32, #tpu.memory_space<hbm>>
    %dma_wait3A_620 = arith.constant 0 : i32
    %dma_wait3A_621 = arith.constant 0 : i32
    %dma_wait3A_622 = tpu.memref_slice %arg7[%dma_wait3A_611, %dma_wait3A_620, %dma_wait3A_621] : memref<4x128x128xf32, #tpu.memory_space<vmem>> -> memref<1x128x128xf32, #tpu.memory_space<vmem>>
    %dma_wait3A_623 = tpu.memref_squeeze %dma_wait3A_622 : memref<1x128x128xf32, #tpu.memory_space<vmem>> -> memref<128x128xf32, #tpu.memory_space<vmem>>
    tpu.wait_dma2 semaphore(%arg17 : memref<!tpu.dma_semaphore, #tpu.memory_space<semaphore_mem>>) src(%dma_wait3A_623 : memref<128x128xf32, #tpu.memory_space<vmem>>) dst(%dma_wait3A_619 : memref<128x128xf32, #tpu.memory_space<hbm>>)
    return
  }
}

</mosaic_0001>

<sc_bundles>
// kernel: kernel.3.cloned.1.call-start
scs
__scs_entry_jumppad:
0x0: {  	(pc) =	sbr.rel $0x88, $3  }
0x1: {  	(tag) =	ssettag $0x0;
	lr =	simm.s32 $0x1  }
0x2: {  	[smem:$0x3F9F] =	sst lr;
	_ =	strace $0xD0000000  }
0x3: {  	_ = 	snop  }
0x4: {  	_ = 	snop  }
0x5: {  	_ = 	snop  }
0x6: {  	_ = 	snop  }
0x7: {  	_ = 	snop  }
__scs_overlays_trampoline_lowered:
0x8: {  	[smem:$0x3FAE] =	sst s0  }
0x9: {  	[smem:$0x3FAF] =	sst s1  }
0xa: {  	[smem:$0x3FB0] =	sst s2  }
0xb: {  	[smem:$0x3FB1] =	sst s3  }
0xc: {  	[smem:$0x3FB2] =	sst s4  }
0xd: {  	[smem:$0x3FB3] =	sst s5  }
0xe: {  	[smem:$0x3FB4] =	sst s6  }
0xf: {  	[smem:$0x3FB5] =	sst s7  }
0x10: {  	[smem:$0x3FB6] =	sst s8  }
0x11: {  	[smem:$0x3FB7] =	sst s9;
	s0 =	simm.s32 @!p0 $0x0  }
0x12: {  	s1 =	sld [smem:$0x3F9D];
	s0 =	simm.s32 @p0 $0x1  }
0x13: {  	[smem:$0x3FB8] =	sst s0;
	s0 =	simm.s32 @!p1 $0x0  }
0x14: {  	s2 =	sld [smem:$0x3F9C];
	s0 =	simm.s32 @p1 $0x1  }
0x15: {  	[smem:$0x3FB9] =	sst s0;
	s0 =	simm.s32 @!p2 $0x0  }
0x16: {  	s3 =	sld [smem:$0x3FDB];
	s0 =	simm.s32 @p2 $0x1  }
0x17: {  	s4 =	simm.s32 $0x1BF5;
	[smem:$0x3FBB] =	sst s0  }
0x18: {  	s0 =	sld [smem:$0x3F9E];
	_ =	swait.ge [sflag:s4], $0x0  }
0x19: {  	s7 =	sld [smem:$0x3F9F]  }
0x1a: {  	s8 =	sadd.s32 $0xFFFFE003, lr  }
0x1b: {  	s9 =	sadd.s32 $0xFFFFFEF7, lr;
	s5 =	simm.s32 $0xFFFFFFFF;
	p2 =	slt.u32 s8, $0xFFFFF086  }
0x1c: {  	p1 =	slt.u32 s9, $0xF7A;
	s5 =	simm.s32 @!p2 $0x0  }
0x1d: {  	s5 =	simm.s32 @p1 $0x1;
	p0 =	seq.s32 s7, s2  }
0x1e: {  	s7 =	smul.u32 @!p0 $0xF7A, s2;
	p2 =	seq.s32 @!p0 s5, $0x0  }
0x1f: {  	s9 =	smul.u32 $0xF7A, s1;
	s8 =	simm.s32 @!p0 $0x1BF5;
	p2 =	por !p2, p0  }
0x20: {  	[sflag:s8] =	ssyncset.s32 @!p0 $0xFFFFF086;
	s6 =	sadd.s32 @!p0 s3, s7;
	s7 =	simm.s32 @!p0 $0x108  }
0x21: {  	s3 =	sadd.s32 s3, s9;
	s6 =	sadd.s32 @!p0 $0x88, s6;
	s7 =	simm.s32 @p2 $0x1082  }
0x22: {  	[simem:s7], [sflag:s8] =	dma.local @!p0 [hbm:s6], $0xF7A  }
0x23: {  	s9 =	sor.u32 $0xD0000000, s2;
	s6 =	simm.s32 $0x108;
	_ =	swait.ge @!p0 [sflag:s8], $0x0  }
0x24: {  	s3 =	sadd.s32 $0x88, s3;
	s6 =	simm.s32 @!p1 $0x1082;
	[sflag:s4] =	ssyncset.s32 $0xFFFFF086  }
0x25: {  	[simem:s6], [sflag:s4] =	dma.local [hbm:s3], $0xF7A  }
0x26: {  	[smem:$0x3F9F] =	sst s1;
	(tag) =	ssettag s2;
	_ =	strace s9  }
0x27: {  	s1 =	sld [smem:$0x3FAF]  }
0x28: {  	s2 =	sld [smem:$0x3FB0]  }
0x29: {  	s4 =	sld [smem:$0x3FB2]  }
0x2a: {  	p0 =	seq.s32 s5, $0x0;
	s5 =	sld [smem:$0x3FB3]  }
0x2b: {  	s6 =	sld [smem:$0x3FB4]  }
0x2c: {  	s7 =	sld [smem:$0x3FB5]  }
0x2d: {  	s3 =	simm.s32 $0x108;
	s8 =	sld [smem:$0x3FB6]  }
0x2e: {  	s3 =	simm.s32 @!p0 $0x1082;
	s9 =	sld [smem:$0x3FB7]  }
0x2f: {  	lr =	sadd.s32 s0, s3;
	s0 =	sld [smem:$0x3FAE]  }
0x30: {  	s3 =	sld [smem:$0x3FB1]  }
0x31: {  	[smem:$0x3FBA] =	sst s10  }
0x32: {  	s10 =	sld [smem:$0x3FB8];
	_ =	sdelay $0x3  }
0x33: {  	p0 =	seq.s32 s10, $0x1;
	s10 =	sld [smem:$0x3FBA];
	_ =	sdelay $0x3  }
0x34: {  	[smem:$0x3FBA] =	sst s10  }
0x35: {  	s10 =	sld [smem:$0x3FB9];
	_ =	sdelay $0x3  }
0x36: {  	p1 =	seq.s32 s10, $0x1;
	s10 =	sld [smem:$0x3FBA];
	_ =	sdelay $0x3  }
0x37: {  	[smem:$0x3FBA] =	sst s10  }
0x38: {  	s10 =	sld [smem:$0x3FBB]  }
0x39: {  	_ = 	snop;
	(pc) =	sbr.ind lr, $3  }
0x3a: {  	_ = 	snop  }
0x3b: {  	_ = 	snop  }
0x3c: {  	p2 =	seq.s32 s10, $0x1;
	s10 =	sld [smem:$0x3FBA]  }
0x3d: {  	_ =	shalt  }
0x3e: {  	_ =	shalt  }
0x3f: {  	_ =	shalt  }
0x40: {  	_ =	shalt  }
0x41: {  	_ =	shalt  }
0x42: {  	_ =	shalt  }
0x43: {  	_ =	shalt  }
0x44: {  	_ =	shalt  }
0x45: {  	_ =	shalt  }
0x46: {  	_ =	shalt  }
0x47: {  	_ =	shalt  }
0x48: {  	_ =	shalt  }
0x49: {  	_ =	shalt  }
0x4a: {  	_ =	shalt  }
0x4b: {  	_ =	shalt  }
0x4c: {  	_ =	shalt  }
0x4d: {  	_ =	shalt  }
0x4e: {  	_ =	shalt  }
0x4f: {  	_ =	shalt  }
0x50: {  	_ =	shalt  }
0x51: {  	_ =	shalt  }
0x52: {  	_ =	shalt  }
0x53: {  	_ =	shalt  }
0x54: {  	_ =	shalt  }
0x55: {  	_ =	shalt  }
0x56: {  	_ =	shalt  }
0x57: {  	_ =	shalt  }
0x58: {  	_ =	shalt  }
0x59: {  	_ =	shalt  }
0x5a: {  	_ =	shalt  }
0x5b: {  	_ =	shalt  }
0x5c: {  	_ =	shalt  }
0x5d: {  	_ =	shalt  }
0x5e: {  	_ =	shalt  }
0x5f: {  	_ =	shalt  }
0x60: {  	_ =	shalt  }
0x61: {  	_ =	shalt  }
0x62: {  	_ =	shalt  }
0x63: {  	_ =	shalt  }
0x64: {  	_ =	shalt  }
0x65: {  	_ =	shalt  }
0x66: {  	_ =	shalt  }
0x67: {  	_ =	shalt  }
0x68: {  	_ =	shalt  }
0x69: {  	_ =	shalt  }
0x6a: {  	_ =	shalt  }
0x6b: {  	_ =	shalt  }
0x6c: {  	_ =	shalt  }
0x6d: {  	_ =	shalt  }
0x6e: {  	_ =	shalt  }
0x6f: {  	_ =	shalt  }
0x70: {  	_ =	shalt  }
0x71: {  	_ =	shalt  }
0x72: {  	_ =	shalt  }
0x73: {  	_ =	shalt  }
0x74: {  	_ =	shalt  }
0x75: {  	_ =	shalt  }
0x76: {  	_ =	shalt  }
0x77: {  	_ =	shalt  }
0x78: {  	_ =	shalt  }
0x79: {  	_ =	shalt  }
0x7a: {  	_ =	shalt  }
0x7b: {  	_ =	shalt  }
0x7c: {  	_ =	shalt  }
0x7d: {  	_ =	shalt  }
0x7e: {  	_ =	shalt  }
0x7f: {  	_ =	shalt  }
0x80: {  	_ =	shalt  }
0x81: {  	_ =	shalt  }
0x82: {  	_ =	shalt  }
0x83: {  	_ =	shalt  }
0x84: {  	_ =	shalt  }
0x85: {  	_ =	shalt  }
0x86: {  	_ =	shalt  }
0x87: {  	_ =	shalt  }
.Lfunc_end0:
.L_simem_size_0:
called_computation_lowered:
.L_overlay_start_0:
0x88: {  	s2 =	sld [smem:$0x3FD9]  }
0x89: {  	s3 =	sld [smem:$0x3FFE];
	_ =	sdelay $0x1  }
0x8a: {  	s1 =	srdreg.scid  }
0x8b: {  	s0 =	sand.u32 $0x1, s1  }
0x8c: {  	s17 =	sshll.u32 s0, $0xA;
	s2 =	sadd.s32 s3, s2  }
0x8d: {  	s2 =	sadd.s32 s2, s17  }
0x8e: {  	[smem:$0x3FC6] =	sst s2  }
0x8f: {  	_ = 	snop  }
0x90: {  	s2 =	sld [smem:$0x3FC8]  }
0x91: {  	s18 =	sld [smem:$0x3FD0];
	(tm) =	ssettm $0x1  }
0x92: {  	s4 =	sld [smem:$0x3FFB];
	_ =	sdelay $0x3  }
0x93: {  	_ =	strace s4  }
0x94: {  	s4 =	sld [smem:$0x3FFC];
	_ =	sdelay $0x3  }
0x95: {  	_ =	strace s4  }
0x96: {  	s4 =	sld [smem:$0x3FFD];
	_ =	sdelay $0x3  }
0x97: {  	_ =	strace s4  }
0x98: {  	_ =	strace $0x8FFFFFFF  }
0x99: {  	s19 =	sld [smem:$0x3FDB];
	_ =	sdelay $0x1  }
0x9a: {  	s5 =	simm.s32 $_scs_section_size  }
0x9b: {  	s6 =	simm.s32 $_size__tile_overlayer_lowered;
	s7 =	simm.s32 $_tile_overlayer_lowered  }
0x9c: {  	s22 =	simm.s32 $0x1BFF;
	s21 =	sshll.u32 s7, $0x1;
	s4 =	sadd.s32 s5, s19  }
0x9d: {  	s8 =	simm.s32 $0x0;
	s20 =	sshll.u32 s6, $0x1;
	s6 =	sadd.s32 s21, s4  }
0x9e: {  	[timem:s8], [sflag:s22] =	dma.local [hbm:s6], s20  }
0x9f: {  	_ =	swait.ge [sflag:s22], s20  }
0xa0: {  	s5 =	ssub.s32 $0x0, s20;
	[sflag:s22] =	ssyncset.done $0x0  }
0xa1: {  	[sflag:s22] =	ssyncadd.s32 s5;
	_ =	sdelay $0x1  }
0xa2: {  	s23 =	simm.s32 $0x1B8B  }
0xa3: {  	_ =	swait.ge [sflag:s23], $0x1  }
0xa4: {  	[sflag:s23] =	ssyncset.done $0x0  }
0xa5: {  	s25 =	simm.s32 $0x1B8E;
	s24 =	sld [smem:$0x3FFE];
	[sflag:s23] =	ssyncadd.s32 $0xFFFFFFFF  }
0xa6: {  	s26 =	simm.s32 $execute0_lowered;
	[smem:$0x3FD2] =	sst s25  }
0xa7: {  	s6 =	sshll.u32 s26, $0x1;
	_ =	strace $0x80000046;
	[dreg:$0x1] =	wrdreg $0xFFFFFFFF  }
0xa8: {  	s28 =	simm.s32 $_size_execute0_lowered;
	s4 =	sadd.s32 s4, s6;
	[dreg:$0x0] =	wrdreg $0x0  }
0xa9: {  	s6 =	sshll.u32 s28, $0x1;
	[dreg:$0x2] =	wrdreg s4  }
0xaa: {  	[dreg:$0x3] =	wrdreg s6  }
0xab: {  	[dreg:$0x4] =	wrdreg $0xC0  }
0xac: {  	_ =	task [dreg:s8], $0x5FFFF  }
0xad: {  	[dreg:$0x1] =	wrdreg $0xFFFFFFFF  }
0xae: {  	[dreg:$0x0] =	wrdreg $0x60  }
0xaf: {  	[dreg:$0x2] =	wrdreg s24  }
0xb0: {  	[dreg:$0x3] =	wrdreg s2  }
0xb1: {  	[dreg:$0x4] =	wrdreg s18  }
0xb2: {  	[dreg:$0x5] =	wrdreg $0x0  }
0xb3: {  	[dreg:$0x6] =	wrdreg $0x9  }
0xb4: {  	_ =	task.clear_ibuf [dreg:s8], $0x7FFFF;
	_ =	strace $0x90000046  }
0xb5: {  	s29 =	simm.s32 $0x9;
	_ =	strace $0x80000048  }
0xb6: {  	_ =	swait.ge [sflag:s29], $0x1  }
0xb7: {  	[sflag:s29] =	ssyncadd.s32 $0xFFFFFFFF  }
0xb8: {  	_ =	strace $0x90000048  }
0xb9: {  	_ =	sfence  }
0xba: {  	s30 =	sld [smem:$0x0];
	_ =	sdelay $0x2  }
0xbb: {  	s31 =	sshll.u32 s1, $0xD;
	s1 =	sshrl.u32 s1, $0x2  }
0xbc: {  	s3 =	sand.u32 $0x4000, s31;
	s1 =	sadd.s32 s1, s30  }
0xbd: {  	s0 =	sor.u32 s3, s0;
	s1 =	sshll.u32 s1, $0x11  }
0xbe: {  	s0 =	sor.u32 s1, s0  }
0xbf: {  	s0 =	sadd.s32 $0x8F2B, s0  }
0xc0: {  	[sflag:s0] =	ssyncadd.remote.s32 $0x1  }
0xc1: {  	_ =	sfence.sel $0xFFFF  }
0xc2: {  	[dreg:$0x0] =	wrdreg $0xFFFFFFFF;
	(pc) =	sbr.abs _section_cstart, $3  }
0xc3: {  	[dreg:$0x1] =	wrdreg $0xFFFFFFFF  }
0xc4: {  	_ =	task.clear_ibuf [dreg:s8], $0x2FFFF;
	_ =	strace $0x9FFFFFFF  }
0xc5: {  	(tm) =	ssettm $0x7FFFFFFF  }
tec
execute0_lowered:
.L_overlay_start_1:
0x0: {  	(tag) =	ssettag $0x1  }
0x1: {  	s0 =	rddreg [dreg:$0x0]  }
0x2: {  	s1 =	rddreg [dreg:$0x2];
	s3 =	srdreg.scid  }
0x3: {  	s4 =	stileid.u32;
	s2 =	rddreg [dreg:$0x3]  }
0x4: {  	s28 =	simm.s32 $0x16400;
	s29 =	simm.s32 $0x4;
	s30 =	simm.s32 $0x5  }
0x5: {  	s31 =	simm.s32 $0x6;
	s5 =	sand.u32 $0x1, s3;
	s16 =	smul.u32 $0x320000, s4  }
0x6: {  	s6 =	sshll.u32 s4, $0x1;
	s3 =	simm.s32 $0x0;
	s19 =	smul.u32 $0x1900000, s4  }
0x7: {  	s0 =	sadd.s32 $0x400, s0;
	s11 =	sadd.s32 $0x4F000, s1;
	s18 =	smul.u32 $0x190000, s5  }
0x8: {  	s6 =	sor.u32 s5, s6;
	s8 =	ssub.s32 $0x2, s5;
	s5 =	smul.u32 $0xC80000, s5  }
0x9: {  	p0 =	sne.s32 s4, $0x0;
	s4 =	simm.s32 $0x9;
	s7 =	smul.u32 $0x19000, s6  }
0xa: {  	[smem:$0x7FF] =	sst s3;
	s9 =	sshrl.u32 s8, $0x1;
	s6 =	smul.u32 $0x3200, s6  }
0xb: {  	_ =	strace $0x80000047;
	s8 =	ssub.s32 s8, s9;
	s5 =	sadd.s32 s5, s19  }
0xc: {  	s19 =	simm.s32 $0x400;
	s10 =	sadd.s32 $0x5000, s7;
	s6 =	sadd.s32 s0, s6  }
0xd: {  	s24 =	sadd.s32 $0xA000, s7;
	s12 =	sadd.s32 $0xF000, s7;
	s14 =	sadd.s32 $0x14000, s7  }
0xe: {  	s21 =	smax.u32 s8, $0x1;
	s8 =	simm.s32 $0x0;
	s22 =	sshrl.u32 s10, $0x3  }
0xf: {  	[dreg:$0x9] =	wrdreg s6;
	s25 =	sshrl.u32 s24, $0x3;
	s10 =	sshll.u32 s10, $0x4  }
0x10: {  	s6 =	sshll.u32 s24, $0x4;
	[dreg:$0xe] =	wrdreg s21;
	s23 =	sadd.s32 s0, s22  }
0x11: {  	s26 =	sshrl.u32 s12, $0x3;
	s10 =	sadd.s32 s10, s11;
	[dreg:$0xa] =	wrdreg s23  }
0x12: {  	s15 =	sshll.u32 s12, $0x4;
	s9 =	sadd.s32 s0, s25;
	[dreg:$0x5] =	wrdreg s10  }
0x13: {  	s17 =	sshrl.u32 s14, $0x3;
	s13 =	sadd.s32 s0, s26;
	[dreg:$0xb] =	wrdreg s9  }
0x14: {  	s21 =	simm.s32 $0x80;
	s6 =	sadd.s32 s6, s11;
	[dreg:$0xc] =	wrdreg s13  }
0x15: {  	s7 =	sadd.s32 s15, s11;
	s0 =	sadd.s32 s0, s17;
	[dreg:$0x6] =	wrdreg s6  }
0x16: {  	[dreg:$0x7] =	wrdreg s7;
	s6 =	sshll.u32 s14, $0x4;
	s9 =	sadd.s32 s16, s1  }
0x17: {  	[dreg:$0xd] =	wrdreg s0;
	s23 =	sshrl.u32 s5, $0x3;
	s7 =	sor.u32 $0xC000, s5  }
0x18: {  	s5 =	sor.u32 $0x8000, s5;
	s0 =	simm.s32 $0x8;
	s6 =	sadd.s32 s6, s11  }
0x19: {  	s20 =	sadd.s32 s18, s9;
	s24 =	sshrl.u32 s7, $0x3;
	s5 =	sshrl.u32 s5, $0x3  }
0x1a: {  	[dreg:$0x8] =	wrdreg s6;
	s22 =	sadd.s32 $0x800, s20;
	s6 =	sadd.s32 s23, s1  }
0x1b: {  	s25 =	sadd.s32 $0x50000, s20;
	s26 =	sadd.s32 $0xA0000, s20;
	[dreg:$0xf] =	wrdreg s22  }
0x1c: {  	s16 =	sadd.s32 $0xF0000, s20;
	s17 =	sadd.s32 $0x140000, s20;
	[dreg:$0x10] =	wrdreg s6  }
0x1d: {  	s6 =	sadd.s32 s24, s1;
	s1 =	sadd.s32 s5, s1;
	[dreg:$0x13] =	wrdreg s25  }
0x1e: {  	[dreg:$0x14] =	wrdreg s26;
	s22 =	simm.s32 $0xA400;
	s24 =	simm.s32 $0xE400  }
0x1f: {  	s25 =	simm.s32 $0x12400;
	s26 =	simm.s32 $0x3;
	[dreg:$0x11] =	wrdreg s6  }
0x20: {  	s5 =	simm.s32 $0xA;
	[dreg:$0x12] =	wrdreg s1;
	s1 =	simm.s32 $0x7  }
.LBB2_1:
0x21: {  	s7 =	sshrl.u32 @!p0 s2, $0x3;
	s9 =	simm.s32 @!p0 $0x1C0B;
	s6 =	rddreg [dreg:$0x1]  }
0x22: {  	[spmem:s7], [sflag:s9] =	dma.local @!p0 [hbm:s6], $0x800  }
0x23: {  	s7 =	simm.s32 @!p0 $0xB  }
0x24: {  	_ =	swait.ge @!p0 [sflag:s7], $0x800  }
0x25: {  	[sflag:s7] =	ssyncset.done @!p0 $0x0  }
0x26: {  	[sflag:s7] =	ssyncadd.s32 @!p0 $0xFFFFF800  }
0x27: {  	[bflag:$0x0] =	sbarrier.arrive $0xFFFF  }
0x28: {  	s11 =	simm.s32 $0x1;
	s10 =	rddreg [dreg:$0x9]  }
0x29: {  	[tilespmem:s19], [sflag:$0x1] =	stream.linear.gather [hbm4b:s10+s3], $0x5000, $0x38;
	[tilespmem:$0x1A400] =	vst v63  }
0x2a: {  	_ =	swait.ge [sflag:s11], $0x5000  }
0x2b: {  	[sflag:s11] =	ssyncset.done $0x0  }
0x2c: {  	s13 =	simm.s32 $0x5400;
	s12 =	rddreg [dreg:$0xa];
	[sflag:s11] =	ssyncadd.s32 $0xFFFFB000  }
0x2d: {  	[tilespmem:s13], [sflag:$0x2] =	stream.linear.gather [hbm4b:s12+s3], $0x5000, $0x38;
	[tilespmem:$0x1A400] =	vst v63  }
0x2e: {  	p1 =	por $0x1, $0x1  }
0x2f: {  	[tilespmem:s22], [sflag:$0x3] =	stream.indirect.gather [spmem:s2], $0x80, s19, s21, $0xb8;
	[tilespmem:$0x1A400] =	vst v63  }
0x30: {  	s14 =	simm.s32 $0x480;
	s7 =	simm.s32 @!p1 $0x9  }
0x31: {  	[tilespmem:s24], [sflag:$0x4] =	stream.indirect.gather [spmem:s2], $0x80, s14, s21, $0xb8;
	[tilespmem:$0x1A400] =	vst v63  }
0x32: {  	_ =	swait.ge @!p1 [sflag:s7], $0x4000  }
0x33: {  	[sflag:s7] =	ssyncset.done @!p1 $0x0  }
0x34: {  	s15 =	simm.s32 $0x500;
	[sflag:s7] =	ssyncadd.s32 @!p1 $0xFFFFC000  }
0x35: {  	[tilespmem:s25], [sflag:$0x5] =	stream.indirect.gather [spmem:s2], $0x80, s15, s21, $0xb8;
	[tilespmem:$0x1A400] =	vst v63  }
0x36: {  	_ =	swait.ge [sflag:s26], $0x4000  }
0x37: {  	[sflag:s26] =	ssyncset.done $0x0  }
0x38: {  	s7 =	simm.s32 @!p1 $0xA;
	s12 =	rddreg [dreg:$0x10];
	[sflag:s26] =	ssyncadd.s32 $0xFFFFC000  }
0x39: {  	[hbm4b:s12+s3] =	stream.linear.scatter [tilespmem:s22], [sflag:$0x7], $0x4000, $0x38;
	[tilespmem:$0x1A400] =	vst v63  }
0x3a: {  	_ =	swait.ge @!p1 [sflag:s7], $0x4000  }
0x3b: {  	[sflag:s7] =	ssyncset.done @!p1 $0x0  }
0x3c: {  	s18 =	simm.s32 $0x580;
	[sflag:s7] =	ssyncadd.s32 @!p1 $0xFFFFC000  }
0x3d: {  	[tilespmem:s28], [sflag:$0x6] =	stream.indirect.gather [spmem:s2], $0x80, s18, s21, $0xb8;
	[tilespmem:$0x1A400] =	vst v63  }
0x3e: {  	_ =	swait.ge [sflag:s29], $0x4000  }
0x3f: {  	p1 =	por $0x0, $0x0;
	[sflag:s29] =	ssyncset.done $0x0  }
0x40: {  	s7 =	simm.s32 @!p1 $0x7;
	s19 =	rddreg [dreg:$0xf];
	[sflag:s29] =	ssyncadd.s32 $0xFFFFC000  }
0x41: {  	[hbm4b:s19+s3] =	stream.linear.scatter [tilespmem:s24], [sflag:$0x8], $0x4000, $0x38;
	[tilespmem:$0x1A400] =	vst v63  }
0x42: {  	_ =	swait.ge @!p1 [sflag:s7], $0x4000  }
0x43: {  	s9 =	simm.s32 @!p1 $0x600;
	[sflag:s7] =	ssyncset.done @!p1 $0x0  }
0x44: {  	s10 =	simm.s32 @!p1 $0x80;
	s11 =	simm.s32 @!p1 $0xA400;
	[sflag:s7] =	ssyncadd.s32 @!p1 $0xFFFFC000  }
0x45: {  	[tilespmem:s11], [sflag:$0x3] =	stream.indirect.gather @!p1 [spmem:s2], $0x80, s9, s10, $0xb8;
	[tilespmem:$0x1A400] =	vst v63  }
0x46: {  	_ =	swait.ge [sflag:s30], $0x4000  }
0x47: {  	[sflag:s30] =	ssyncset.done $0x0  }
0x48: {  	s7 =	simm.s32 @!p1 $0x8;
	s13 =	rddreg [dreg:$0x12];
	[sflag:s30] =	ssyncadd.s32 $0xFFFFC000  }
0x49: {  	[hbm4b:s13+s3] =	stream.linear.scatter [tilespmem:s25], [sflag:$0x9], $0x4000, $0x38;
	[tilespmem:$0x1A400] =	vst v63  }
0x4a: {  	s23 =	simm.s32 $0x800;
	_ =	swait.ge @!p1 [sflag:s7], $0x4000  }
0x4b: {  	s20 =	simm.s32 $0x1000;
	p2 =	por $0x0, $0x0;
	[sflag:s7] =	ssyncset.done @!p1 $0x0  }
0x4c: {  	s9 =	simm.s32 @!p1 $0x680;
	s11 =	simm.s32 @!p1 $0xE400;
	[sflag:s7] =	ssyncadd.s32 @!p1 $0xFFFFC000  }
0x4d: {  	[tilespmem:s11], [sflag:$0x4] =	stream.indirect.gather @!p1 [spmem:s2], $0x80, s9, s10, $0xb8;
	[tilespmem:$0x1A400] =	vst v63  }
0x4e: {  	s9 =	sadd.s32 $0x2000, s13;
	s11 =	sadd.s32 $0x2000, s12;
	s12 =	rddreg [dreg:$0x11]  }
0x4f: {  	s10 =	sadd.s32 $0x2000, s19;
	s7 =	sadd.s32 $0x2000, s12;
	_ =	swait.ge [sflag:s31], $0x4000  }
.LBB2_2:
0x50: {  	s13 =	simm.s32 @!p2 $0x9  }
0x51: {  	[sflag:s31] =	ssyncset.done $0x0;
	s18 =	smov.u32 s20;
	s20 =	sadd.s32 $0x800, s20  }
0x52: {  	p1 =	sne.s32 s20, $0x14000;
	[sflag:s31] =	ssyncadd.s32 $0xFFFFC000  }
0x53: {  	[hbm4b:s12+s3] =	stream.linear.scatter [tilespmem:s28], [sflag:$0xA], $0x4000, $0x38;
	[tilespmem:$0x1A400] =	vst v63  }
0x54: {  	s6 =	sshra.s32 s23, $0x2;
	s12 =	smov.u32 s7;
	_ =	swait.ge @!p2 [sflag:s13], $0x4000  }
0x55: {  	s19 =	sadd.s32 $0x500, s6;
	[sflag:s13] =	ssyncset.done @!p2 $0x0  }
0x56: {  	[sflag:s13] =	ssyncadd.s32 @!p2 $0xFFFFC000  }
0x57: {  	[tilespmem:s25], [sflag:$0x5] =	stream.indirect.gather [spmem:s2], $0x80, s19, s21, $0xb8;
	[tilespmem:$0x1A400] =	vst v63  }
0x58: {  	_ =	swait.ge [sflag:s26], $0x4000  }
0x59: {  	s13 =	simm.s32 @!p2 $0xA;
	[sflag:s26] =	ssyncset.done $0x0  }
0x5a: {  	[sflag:s26] =	ssyncadd.s32 $0xFFFFC000  }
0x5b: {  	[hbm4b:s11+s3] =	stream.linear.scatter [tilespmem:s22], [sflag:$0x7], $0x4000, $0x38;
	[tilespmem:$0x1A400] =	vst v63  }
0x5c: {  	_ =	swait.ge @!p2 [sflag:s13], $0x4000  }
0x5d: {  	s6 =	sadd.s32 $0x580, s6;
	[sflag:s13] =	ssyncset.done @!p2 $0x0  }
0x5e: {  	[sflag:s13] =	ssyncadd.s32 @!p2 $0xFFFFC000  }
0x5f: {  	[tilespmem:s28], [sflag:$0x6] =	stream.indirect.gather [spmem:s2], $0x80, s6, s21, $0xb8;
	[tilespmem:$0x1A400] =	vst v63  }
0x60: {  	_ =	swait.ge [sflag:s29], $0x4000  }
0x61: {  	p2 =	seq.s32 s23, $0x13800;
	[sflag:s29] =	ssyncset.done $0x0  }
0x62: {  	s6 =	simm.s32 @!p2 $0x7;
	s13 =	sshra.s32 @!p2 s23, $0x2;
	[sflag:s29] =	ssyncadd.s32 $0xFFFFC000  }
0x63: {  	[hbm4b:s10+s3] =	stream.linear.scatter [tilespmem:s24], [sflag:$0x8], $0x4000, $0x38;
	[tilespmem:$0x1A400] =	vst v63  }
0x64: {  	s19 =	sadd.s32 @!p2 $0x600, s13;
	s13 =	sadd.s32 @!p2 $0x680, s13;
	_ =	swait.ge @!p2 [sflag:s6], $0x4000  }
0x65: {  	s14 =	simm.s32 @!p2 $0x80;
	s15 =	simm.s32 @!p2 $0xA400;
	[sflag:s6] =	ssyncset.done @!p2 $0x0  }
0x66: {  	s23 =	smov.u32 s18;
	[sflag:s6] =	ssyncadd.s32 @!p2 $0xFFFFC000  }
0x67: {  	[tilespmem:s15], [sflag:$0x3] =	stream.indirect.gather @!p2 [spmem:s2], $0x80, s19, s14, $0xb8;
	[tilespmem:$0x1A400] =	vst v63  }
0x68: {  	_ =	swait.ge [sflag:s30], $0x4000  }
0x69: {  	[sflag:s30] =	ssyncset.done $0x0  }
0x6a: {  	s6 =	simm.s32 @!p2 $0x8;
	[sflag:s30] =	ssyncadd.s32 $0xFFFFC000  }
0x6b: {  	[hbm4b:s9+s3] =	stream.linear.scatter [tilespmem:s25], [sflag:$0x9], $0x4000, $0x38;
	[tilespmem:$0x1A400] =	vst v63  }
.Ltmp0:
0x6c: {  	_ =	swait.ge @!p2 [sflag:s6], $0x4000;
	(pc) =	sbr.rel @p1 .LBB2_2-.Ltmp0, $4  }
0x6d: {  	s15 =	simm.s32 @!p2 $0xE400;
	s9 =	sadd.s32 $0x2000, s9;
	[sflag:s6] =	ssyncset.done @!p2 $0x0  }
0x6e: {  	s7 =	sadd.s32 $0x2000, s7;
	s11 =	sadd.s32 $0x2000, s11;
	[sflag:s6] =	ssyncadd.s32 @!p2 $0xFFFFC000  }
0x6f: {  	[tilespmem:s15], [sflag:$0x4] =	stream.indirect.gather @!p2 [spmem:s2], $0x80, s13, s14, $0xb8;
	[tilespmem:$0x1A400] =	vst v63  }
0x70: {  	s10 =	sadd.s32 $0x2000, s10;
	p2 =	seq.s32 s23, $0x0;
	_ =	swait.ge [sflag:s31], $0x4000  }
0x71: {  	[sflag:s31] =	ssyncset.done $0x0  }
0x72: {  	s6 =	simm.s32 @!p2 $0x9;
	[sflag:s31] =	ssyncadd.s32 $0xFFFFC000  }
0x73: {  	[hbm4b:s12+s3] =	stream.linear.scatter [tilespmem:s28], [sflag:$0xA], $0x4000, $0x38;
	[tilespmem:$0x1A400] =	vst v63  }
0x74: {  	_ =	swait.ge @!p2 [sflag:s6], $0x4000  }
0x75: {  	s18 =	sshra.s32 s23, $0x2;
	[sflag:s6] =	ssyncset.done @!p2 $0x0  }
0x76: {  	s19 =	sadd.s32 $0x500, s18;
	[sflag:s6] =	ssyncadd.s32 @!p2 $0xFFFFC000  }
0x77: {  	[tilespmem:s25], [sflag:$0x5] =	stream.indirect.gather [spmem:s2], $0x80, s19, s21, $0xb8;
	[tilespmem:$0x1A400] =	vst v63  }
0x78: {  	_ =	swait.ge [sflag:s26], $0x4000  }
0x79: {  	[sflag:s26] =	ssyncset.done $0x0  }
0x7a: {  	s6 =	simm.s32 @!p2 $0xA;
	[sflag:s26] =	ssyncadd.s32 $0xFFFFC000  }
0x7b: {  	[hbm4b:s11+s3] =	stream.linear.scatter [tilespmem:s22], [sflag:$0x7], $0x4000, $0x38;
	[tilespmem:$0x1A400] =	vst v63  }
0x7c: {  	_ =	swait.ge @!p2 [sflag:s6], $0x4000  }
0x7d: {  	[sflag:s6] =	ssyncset.done @!p2 $0x0  }
0x7e: {  	s20 =	sadd.s32 $0x580, s18;
	[sflag:s6] =	ssyncadd.s32 @!p2 $0xFFFFC000  }
0x7f: {  	[tilespmem:s28], [sflag:$0x6] =	stream.indirect.gather [spmem:s2], $0x80, s20, s21, $0xb8;
	[tilespmem:$0x1A400] =	vst v63  }
0x80: {  	_ =	swait.ge [sflag:s29], $0x4000  }
0x81: {  	p1 =	seq.s32 s23, $0x13800;
	[sflag:s29] =	ssyncset.done $0x0  }
0x82: {  	s6 =	simm.s32 @!p1 $0x7;
	[sflag:s29] =	ssyncadd.s32 $0xFFFFC000  }
0x83: {  	[hbm4b:s10+s3] =	stream.linear.scatter [tilespmem:s24], [sflag:$0x8], $0x4000, $0x38;
	[tilespmem:$0x1A400] =	vst v63  }
0x84: {  	_ =	swait.ge @!p1 [sflag:s6], $0x4000  }
0x85: {  	s12 =	simm.s32 @!p1 $0x80;
	s10 =	sshra.s32 @!p1 s23, $0x2;
	[sflag:s6] =	ssyncset.done @!p1 $0x0  }
0x86: {  	s11 =	sadd.s32 @!p1 $0x600, s10;
	[sflag:s6] =	ssyncadd.s32 @!p1 $0xFFFFC000;
	s6 =	simm.s32 @!p1 $0xA400  }
0x87: {  	[tilespmem:s6], [sflag:$0x3] =	stream.indirect.gather @!p1 [spmem:s2], $0x80, s11, s12, $0xb8;
	[tilespmem:$0x1A400] =	vst v63  }
0x88: {  	_ =	swait.ge [sflag:s30], $0x4000  }
0x89: {  	[sflag:s30] =	ssyncset.done $0x0  }
0x8a: {  	s6 =	simm.s32 @!p1 $0x8;
	[sflag:s30] =	ssyncadd.s32 $0xFFFFC000  }
0x8b: {  	[hbm4b:s9+s3] =	stream.linear.scatter [tilespmem:s25], [sflag:$0x9], $0x4000, $0x38;
	[tilespmem:$0x1A400] =	vst v63  }
0x8c: {  	_ =	swait.ge @!p1 [sflag:s6], $0x4000  }
0x8d: {  	[sflag:s6] =	ssyncset.done @!p1 $0x0  }
0x8e: {  	s9 =	sadd.s32 @!p1 $0x680, s10;
	s10 =	simm.s32 @!p1 $0xE400;
	[sflag:s6] =	ssyncadd.s32 @!p1 $0xFFFFC000  }
0x8f: {  	[tilespmem:s10], [sflag:$0x4] =	stream.indirect.gather @!p1 [spmem:s2], $0x80, s9, s12, $0xb8;
	[tilespmem:$0x1A400] =	vst v63  }
0x90: {  	_ =	swait.ge [sflag:s31], $0x4000  }
0x91: {  	[sflag:s31] =	ssyncset.done $0x0  }
0x92: {  	[sflag:s31] =	ssyncadd.s32 $0xFFFFC000  }
0x93: {  	[hbm4b:s7+s3] =	stream.linear.scatter [tilespmem:s28], [sflag:$0xA], $0x4000, $0x38;
	[tilespmem:$0x1A400] =	vst v63  }
0x94: {  	_ =	swait.ge [sflag:s1], $0x4000  }
0x95: {  	[sflag:s1] =	ssyncset.done $0x0  }
0x96: {  	[sflag:s1] =	ssyncadd.s32 $0xFFFFC000  }
0x97: {  	_ =	swait.ge [sflag:s0], $0x4000  }
0x98: {  	[sflag:s0] =	ssyncset.done $0x0  }
0x99: {  	[sflag:s0] =	ssyncadd.s32 $0xFFFFC000  }
0x9a: {  	_ =	swait.ge [sflag:s4], $0x4000  }
0x9b: {  	[sflag:s4] =	ssyncset.done $0x0  }
0x9c: {  	[sflag:s4] =	ssyncadd.s32 $0xFFFFC000  }
0x9d: {  	_ =	swait.ge [sflag:s5], $0x4000  }
0x9e: {  	[sflag:s5] =	ssyncset.done $0x0  }
0x9f: {  	s11 =	simm.s32 $0x2;
	[sflag:s5] =	ssyncadd.s32 $0xFFFFC000  }
0xa0: {  	_ =	swait.ge [sflag:s11], $0x5000  }
0xa1: {  	s19 =	simm.s32 $0x400;
	[sflag:s11] =	ssyncset.done $0x0  }
0xa2: {  	s12 =	simm.s32 $0x0;
	s13 =	rddreg [dreg:$0xb];
	[sflag:s11] =	ssyncadd.s32 $0xFFFFB000  }
0xa3: {  	[tilespmem:s19], [sflag:$0x1] =	stream.linear.gather [hbm4b:s13+s12], $0x5000, $0x38;
	[tilespmem:$0x1A400] =	vst v63  }
0xa4: {  	s14 =	simm.s32 $0x5400;
	p1 =	por $0x1, $0x1  }
0xa5: {  	[tilespmem:s22], [sflag:$0x3] =	stream.indirect.gather [spmem:s2], $0x80, s14, s21, $0xb8;
	[tilespmem:$0x1A400] =	vst v63  }
0xa6: {  	s15 =	simm.s32 $0x5480;
	s6 =	simm.s32 @!p1 $0x9  }
0xa7: {  	[tilespmem:s24], [sflag:$0x4] =	stream.indirect.gather [spmem:s2], $0x80, s15, s21, $0xb8;
	[tilespmem:$0x1A400] =	vst v63  }
0xa8: {  	_ =	swait.ge @!p1 [sflag:s6], $0x4000  }
0xa9: {  	[sflag:s6] =	ssyncset.done @!p1 $0x0  }
0xaa: {  	s18 =	simm.s32 $0x5500;
	[sflag:s6] =	ssyncadd.s32 @!p1 $0xFFFFC000  }
0xab: {  	[tilespmem:s25], [sflag:$0x5] =	stream.indirect.gather [spmem:s2], $0x80, s18, s21, $0xb8;
	[tilespmem:$0x1A400] =	vst v63  }
0xac: {  	_ =	swait.ge [sflag:s26], $0x4000  }
0xad: {  	[sflag:s26] =	ssyncset.done $0x0  }
0xae: {  	s6 =	simm.s32 @!p1 $0xA;
	s12 =	rddreg [dreg:$0x13];
	[sflag:s26] =	ssyncadd.s32 $0xFFFFC000  }
0xaf: {  	[hbm4b:s12+s3] =	stream.linear.scatter [tilespmem:s22], [sflag:$0x7], $0x4000, $0x38;
	[tilespmem:$0x1A400] =	vst v63  }
0xb0: {  	_ =	swait.ge @!p1 [sflag:s6], $0x4000  }
0xb1: {  	[sflag:s6] =	ssyncset.done @!p1 $0x0  }
0xb2: {  	s20 =	simm.s32 $0x5580;
	[sflag:s6] =	ssyncadd.s32 @!p1 $0xFFFFC000  }
0xb3: {  	[tilespmem:s28], [sflag:$0x6] =	stream.indirect.gather [spmem:s2], $0x80, s20, s21, $0xb8;
	[tilespmem:$0x1A400] =	vst v63  }
0xb4: {  	_ =	swait.ge [sflag:s29], $0x4000  }
0xb5: {  	p1 =	por $0x0, $0x0;
	[sflag:s29] =	ssyncset.done $0x0  }
0xb6: {  	s23 =	sadd.s32 $0x800, s12;
	s7 =	simm.s32 @p1 $0x5;
	[sflag:s29] =	ssyncadd.s32 $0xFFFFC000  }
0xb7: {  	[hbm4b:s23+s3] =	stream.linear.scatter [tilespmem:s24], [sflag:$0x8], $0x4000, $0x38;
	[tilespmem:$0x1A400] =	vst v63  }
0xb8: {  	_ =	swait.ge @p1 [sflag:s7], $0x4000  }
0xb9: {  	s9 =	simm.s32 @p1 $0x12400;
	s10 =	simm.s32 @!p1 $0x7;
	[sflag:s7] =	ssyncset.done @p1 $0x0  }
0xba: {  	s6 =	rddreg [dreg:$0x5];
	[sflag:s7] =	ssyncadd.s32 @p1 $0xFFFFC000;
	s7 =	simm.s32 @p1 $0x0  }
0xbb: {  	[hbm4b:s6+s7] =	stream.linear.scatter @p1 [tilespmem:s9], [sflag:$0x9], $0x4000, $0x38;
	[tilespmem:$0x1A400] =	vst v63  }
0xbc: {  	_ =	swait.ge @!p1 [sflag:s10], $0x4000  }
0xbd: {  	s6 =	simm.s32 @!p1 $0x5600;
	s9 =	simm.s32 @!p1 $0x80;
	[sflag:s10] =	ssyncset.done @!p1 $0x0  }
0xbe: {  	s7 =	simm.s32 @!p1 $0xA400;
	[sflag:s10] =	ssyncadd.s32 @!p1 $0xFFFFC000;
	s10 =	simm.s32 @!p1 $0x5  }
0xbf: {  	[tilespmem:s7], [sflag:$0x3] =	stream.indirect.gather @!p1 [spmem:s2], $0x80, s6, s9, $0xb8;
	[tilespmem:$0x1A400] =	vst v63  }
0xc0: {  	p2 =	por $0x0, $0x0;
	_ =	swait.ge @!p1 [sflag:s10], $0x4000  }
0xc1: {  	s11 =	simm.s32 @!p1 $0x0;
	s6 =	simm.s32 @!p1 $0x12400;
	[sflag:s10] =	ssyncset.done @!p1 $0x0  }
0xc2: {  	s7 =	sadd.s32 @!p1 $0x1000, s12;
	[sflag:s10] =	ssyncadd.s32 @!p1 $0xFFFFC000;
	s10 =	simm.s32 @!p1 $0x8  }
0xc3: {  	[hbm4b:s7+s11] =	stream.linear.scatter @!p1 [tilespmem:s6], [sflag:$0x9], $0x4000, $0x38;
	[tilespmem:$0x1A400] =	vst v63  }
0xc4: {  	s23 =	simm.s32 $0x800;
	s7 =	sadd.s32 $0x2000, s12;
	_ =	swait.ge @!p1 [sflag:s10], $0x4000  }
0xc5: {  	s6 =	simm.s32 @!p1 $0x5680;
	s11 =	simm.s32 @!p1 $0xE400;
	[sflag:s10] =	ssyncset.done @!p1 $0x0  }
0xc6: {  	s20 =	sadd.s32 $0x2000, s7;
	[sflag:s10] =	ssyncadd.s32 @!p1 $0xFFFFC000;
	s10 =	sadd.s32 $0x1800, s12  }
0xc7: {  	[tilespmem:s11], [sflag:$0x4] =	stream.indirect.gather @!p1 [spmem:s2], $0x80, s6, s9, $0xb8;
	[tilespmem:$0x1A400] =	vst v63  }
0xc8: {  	s11 =	simm.s32 $0x1000;
	s9 =	sadd.s32 $0x1800, s7;
	_ =	swait.ge [sflag:s31], $0x4000  }
.LBB2_4:
0xc9: {  	[sflag:s31] =	ssyncset.done $0x0  }
0xca: {  	s6 =	simm.s32 @!p2 $0x9;
	[sflag:s31] =	ssyncadd.s32 $0xFFFFC000  }
0xcb: {  	[hbm4b:s10+s3] =	stream.linear.scatter [tilespmem:s28], [sflag:$0xA], $0x4000, $0x38;
	[tilespmem:$0x1A400] =	vst v63  }
0xcc: {  	_ =	swait.ge @!p2 [sflag:s6], $0x4000  }
0xcd: {  	s14 =	sshra.s32 s23, $0x2;
	[sflag:s6] =	ssyncset.done @!p2 $0x0  }
0xce: {  	s15 =	sadd.s32 $0x5500, s14;
	[sflag:s6] =	ssyncadd.s32 @!p2 $0xFFFFC000  }
0xcf: {  	[tilespmem:s25], [sflag:$0x5] =	stream.indirect.gather [spmem:s2], $0x80, s15, s21, $0xb8;
	[tilespmem:$0x1A400] =	vst v63  }
0xd0: {  	_ =	swait.ge [sflag:s26], $0x4000  }
0xd1: {  	[sflag:s26] =	ssyncset.done $0x0  }
0xd2: {  	s6 =	simm.s32 @!p2 $0xA;
	[sflag:s26] =	ssyncadd.s32 $0xFFFFC000  }
0xd3: {  	[hbm4b:s7+s3] =	stream.linear.scatter [tilespmem:s22], [sflag:$0x7], $0x4000, $0x38;
	[tilespmem:$0x1A400] =	vst v63  }
0xd4: {  	_ =	swait.ge @!p2 [sflag:s6], $0x4000  }
0xd5: {  	[sflag:s6] =	ssyncset.done @!p2 $0x0  }
0xd6: {  	s12 =	smov.u32 s11;
	s15 =	sadd.s32 $0x5580, s14;
	[sflag:s6] =	ssyncadd.s32 @!p2 $0xFFFFC000  }
0xd7: {  	[tilespmem:s28], [sflag:$0x6] =	stream.indirect.gather [spmem:s2], $0x80, s15, s21, $0xb8;
	[tilespmem:$0x1A400] =	vst v63  }
0xd8: {  	s13 =	sadd.s32 $0x1800, s20;
	s18 =	sadd.s32 $0x800, s7;
	_ =	swait.ge [sflag:s29], $0x4000  }
0xd9: {  	s10 =	smov.u32 s9;
	p2 =	seq.s32 s23, $0x13800;
	[sflag:s29] =	ssyncset.done $0x0  }
0xda: {  	s9 =	smov.u32 s13;
	s13 =	simm.s32 @p2 $0x5;
	[sflag:s29] =	ssyncadd.s32 $0xFFFFC000  }
0xdb: {  	[hbm4b:s18+s3] =	stream.linear.scatter [tilespmem:s24], [sflag:$0x8], $0x4000, $0x38;
	[tilespmem:$0x1A400] =	vst v63  }
0xdc: {  	s14 =	sshra.s32 @!p2 s23, $0x2;
	s23 =	smov.u32 s12;
	_ =	swait.ge @p2 [sflag:s13], $0x4000  }
0xdd: {  	s12 =	simm.s32 @p2 $0x0;
	s18 =	simm.s32 @!p2 $0x7;
	[sflag:s13] =	ssyncset.done @p2 $0x0  }
0xde: {  	s15 =	rddreg [dreg:$0x5];
	[sflag:s13] =	ssyncadd.s32 @p2 $0xFFFFC000;
	s13 =	simm.s32 @p2 $0x12400  }
0xdf: {  	[hbm4b:s15+s12] =	stream.linear.scatter @p2 [tilespmem:s13], [sflag:$0x9], $0x4000, $0x38;
	[tilespmem:$0x1A400] =	vst v63  }
0xe0: {  	s11 =	sadd.s32 $0x800, s11;
	_ =	swait.ge @!p2 [sflag:s18], $0x4000  }
0xe1: {  	s6 =	sadd.s32 @!p2 $0x5600, s14;
	s12 =	simm.s32 @!p2 $0x80;
	[sflag:s18] =	ssyncset.done @!p2 $0x0  }
0xe2: {  	s13 =	simm.s32 @!p2 $0xA400;
	s15 =	simm.s32 @!p2 $0x5;
	[sflag:s18] =	ssyncadd.s32 @!p2 $0xFFFFC000  }
0xe3: {  	[tilespmem:s13], [sflag:$0x3] =	stream.indirect.gather @!p2 [spmem:s2], $0x80, s6, s12, $0xb8;
	[tilespmem:$0x1A400] =	vst v63  }
0xe4: {  	p1 =	sne.s32 s11, $0x14000;
	_ =	swait.ge @!p2 [sflag:s15], $0x4000  }
0xe5: {  	s18 =	simm.s32 @!p2 $0x0;
	s6 =	simm.s32 @!p2 $0x12400;
	[sflag:s15] =	ssyncset.done @!p2 $0x0  }
0xe6: {  	s13 =	sadd.s32 @!p2 $0x1000, s7;
	[sflag:s15] =	ssyncadd.s32 @!p2 $0xFFFFC000;
	s15 =	simm.s32 @!p2 $0x8  }
0xe7: {  	[hbm4b:s13+s18] =	stream.linear.scatter @!p2 [tilespmem:s6], [sflag:$0x9], $0x4000, $0x38;
	[tilespmem:$0x1A400] =	vst v63  }
.Ltmp1:
0xe8: {  	_ =	swait.ge @!p2 [sflag:s15], $0x4000;
	(pc) =	sbr.rel @p1 .LBB2_4-.Ltmp1, $4  }
0xe9: {  	s14 =	sadd.s32 @!p2 $0x5680, s14;
	[sflag:s15] =	ssyncset.done @!p2 $0x0  }
0xea: {  	s7 =	smov.u32 s20;
	s6 =	simm.s32 @!p2 $0xE400;
	[sflag:s15] =	ssyncadd.s32 @!p2 $0xFFFFC000  }
0xeb: {  	[tilespmem:s6], [sflag:$0x4] =	stream.indirect.gather @!p2 [spmem:s2], $0x80, s14, s12, $0xb8;
	[tilespmem:$0x1A400] =	vst v63  }
0xec: {  	s20 =	sadd.s32 $0x2000, s20;
	p2 =	seq.s32 s23, $0x0;
	_ =	swait.ge [sflag:s31], $0x4000  }
0xed: {  	[sflag:s31] =	ssyncset.done $0x0  }
0xee: {  	s6 =	simm.s32 @!p2 $0x9;
	[sflag:s31] =	ssyncadd.s32 $0xFFFFC000  }
0xef: {  	[hbm4b:s10+s3] =	stream.linear.scatter [tilespmem:s28], [sflag:$0xA], $0x4000, $0x38;
	[tilespmem:$0x1A400] =	vst v63  }
0xf0: {  	_ =	swait.ge @!p2 [sflag:s6], $0x4000  }
0xf1: {  	s18 =	sshra.s32 s23, $0x2;
	[sflag:s6] =	ssyncset.done @!p2 $0x0  }
0xf2: {  	s11 =	sadd.s32 $0x5500, s18;
	[sflag:s6] =	ssyncadd.s32 @!p2 $0xFFFFC000  }
0xf3: {  	[tilespmem:s25], [sflag:$0x5] =	stream.indirect.gather [spmem:s2], $0x80, s11, s21, $0xb8;
	[tilespmem:$0x1A400] =	vst v63  }
0xf4: {  	_ =	swait.ge [sflag:s26], $0x4000  }
0xf5: {  	[sflag:s26] =	ssyncset.done $0x0  }
0xf6: {  	s6 =	simm.s32 @!p2 $0xA;
	[sflag:s26] =	ssyncadd.s32 $0xFFFFC000  }
0xf7: {  	[hbm4b:s7+s3] =	stream.linear.scatter [tilespmem:s22], [sflag:$0x7], $0x4000, $0x38;
	[tilespmem:$0x1A400] =	vst v63  }
0xf8: {  	_ =	swait.ge @!p2 [sflag:s6], $0x4000  }
0xf9: {  	[sflag:s6] =	ssyncset.done @!p2 $0x0  }
0xfa: {  	s10 =	sadd.s32 $0x5580, s18;
	[sflag:s6] =	ssyncadd.s32 @!p2 $0xFFFFC000  }
0xfb: {  	[tilespmem:s28], [sflag:$0x6] =	stream.indirect.gather [spmem:s2], $0x80, s10, s21, $0xb8;
	[tilespmem:$0x1A400] =	vst v63  }
0xfc: {  	_ =	swait.ge [sflag:s29], $0x4000  }
0xfd: {  	p1 =	seq.s32 s23, $0x13800;
	[sflag:s29] =	ssyncset.done $0x0  }
0xfe: {  	s20 =	sadd.s32 $0x800, s7;
	s10 =	simm.s32 @p1 $0x5;
	[sflag:s29] =	ssyncadd.s32 $0xFFFFC000  }
0xff: {  	[hbm4b:s20+s3] =	stream.linear.scatter [tilespmem:s24], [sflag:$0x8], $0x4000, $0x38;
	[tilespmem:$0x1A400] =	vst v63  }
0x100: {  	_ =	swait.ge @p1 [sflag:s10], $0x4000  }
0x101: {  	s11 =	simm.s32 @p1 $0x12400;
	[sflag:s10] =	ssyncset.done @p1 $0x0  }
0x102: {  	s6 =	rddreg [dreg:$0x5];
	[sflag:s10] =	ssyncadd.s32 @p1 $0xFFFFC000;
	s10 =	simm.s32 @p1 $0x0  }
0x103: {  	[hbm4b:s6+s10] =	stream.linear.scatter @p1 [tilespmem:s11], [sflag:$0x9], $0x4000, $0x38;
	[tilespmem:$0x1A400] =	vst v63  }
0x104: {  	s6 =	simm.s32 @!p1 $0x7  }
0x105: {  	_ =	swait.ge @!p1 [sflag:s6], $0x4000  }
0x106: {  	s12 =	simm.s32 @!p1 $0x80;
	s10 =	sshra.s32 @!p1 s23, $0x2;
	[sflag:s6] =	ssyncset.done @!p1 $0x0  }
0x107: {  	s11 =	sadd.s32 @!p1 $0x5600, s10;
	[sflag:s6] =	ssyncadd.s32 @!p1 $0xFFFFC000;
	s6 =	simm.s32 @!p1 $0xA400  }
0x108: {  	[tilespmem:s6], [sflag:$0x3] =	stream.indirect.gather @!p1 [spmem:s2], $0x80, s11, s12, $0xb8;
	[tilespmem:$0x1A400] =	vst v63  }
0x109: {  	s6 =	simm.s32 @!p1 $0x5  }
0x10a: {  	_ =	swait.ge @!p1 [sflag:s6], $0x4000  }
0x10b: {  	s7 =	sadd.s32 @!p1 $0x1000, s7;
	[sflag:s6] =	ssyncset.done @!p1 $0x0  }
0x10c: {  	s11 =	simm.s32 @!p1 $0x12400;
	[sflag:s6] =	ssyncadd.s32 @!p1 $0xFFFFC000;
	s6 =	simm.s32 @!p1 $0x0  }
0x10d: {  	[hbm4b:s7+s6] =	stream.linear.scatter @!p1 [tilespmem:s11], [sflag:$0x9], $0x4000, $0x38;
	[tilespmem:$0x1A400] =	vst v63  }
0x10e: {  	s6 =	simm.s32 @!p1 $0x8  }
0x10f: {  	_ =	swait.ge @!p1 [sflag:s6], $0x4000  }
0x110: {  	[sflag:s6] =	ssyncset.done @!p1 $0x0  }
0x111: {  	s7 =	sadd.s32 @!p1 $0x5680, s10;
	s10 =	simm.s32 @!p1 $0xE400;
	[sflag:s6] =	ssyncadd.s32 @!p1 $0xFFFFC000  }
0x112: {  	[tilespmem:s10], [sflag:$0x4] =	stream.indirect.gather @!p1 [spmem:s2], $0x80, s7, s12, $0xb8;
	[tilespmem:$0x1A400] =	vst v63  }
0x113: {  	_ =	swait.ge [sflag:s31], $0x4000  }
0x114: {  	[sflag:s31] =	ssyncset.done $0x0  }
0x115: {  	[sflag:s31] =	ssyncadd.s32 $0xFFFFC000  }
0x116: {  	[hbm4b:s9+s3] =	stream.linear.scatter [tilespmem:s28], [sflag:$0xA], $0x4000, $0x38;
	[tilespmem:$0x1A400] =	vst v63  }
0x117: {  	_ =	swait.ge [sflag:s1], $0x4000  }
0x118: {  	[sflag:s1] =	ssyncset.done $0x0  }
0x119: {  	[sflag:s1] =	ssyncadd.s32 $0xFFFFC000  }
0x11a: {  	_ =	swait.ge [sflag:s0], $0x4000  }
0x11b: {  	[sflag:s0] =	ssyncset.done $0x0  }
0x11c: {  	[sflag:s0] =	ssyncadd.s32 $0xFFFFC000  }
0x11d: {  	_ =	swait.ge [sflag:s4], $0x4000  }
0x11e: {  	[sflag:s4] =	ssyncset.done $0x0  }
0x11f: {  	[sflag:s4] =	ssyncadd.s32 $0xFFFFC000  }
0x120: {  	_ =	swait.ge [sflag:s5], $0x4000  }
0x121: {  	[sflag:s5] =	ssyncset.done $0x0  }
0x122: {  	s11 =	simm.s32 $0x1;
	[sflag:s5] =	ssyncadd.s32 $0xFFFFC000  }
0x123: {  	_ =	swait.ge [sflag:s11], $0x5000  }
0x124: {  	s14 =	simm.s32 $0x5400;
	[sflag:s11] =	ssyncset.done $0x0  }
0x125: {  	s12 =	simm.s32 $0x0;
	s13 =	rddreg [dreg:$0xc];
	[sflag:s11] =	ssyncadd.s32 $0xFFFFB000  }
0x126: {  	[tilespmem:s14], [sflag:$0x2] =	stream.linear.gather [hbm4b:s13+s12], $0x5000, $0x38;
	[tilespmem:$0x1A400] =	vst v63  }
0x127: {  	p1 =	por $0x1, $0x1  }
0x128: {  	[tilespmem:s22], [sflag:$0x3] =	stream.indirect.gather [spmem:s2], $0x80, s19, s21, $0xb8;
	[tilespmem:$0x1A400] =	vst v63  }
0x129: {  	s15 =	simm.s32 $0x480;
	s6 =	simm.s32 @!p1 $0x9  }
0x12a: {  	[tilespmem:s24], [sflag:$0x4] =	stream.indirect.gather [spmem:s2], $0x80, s15, s21, $0xb8;
	[tilespmem:$0x1A400] =	vst v63  }
0x12b: {  	_ =	swait.ge @!p1 [sflag:s6], $0x4000  }
0x12c: {  	[sflag:s6] =	ssyncset.done @!p1 $0x0  }
0x12d: {  	s18 =	simm.s32 $0x500;
	[sflag:s6] =	ssyncadd.s32 @!p1 $0xFFFFC000  }
0x12e: {  	[tilespmem:s25], [sflag:$0x5] =	stream.indirect.gather [spmem:s2], $0x80, s18, s21, $0xb8;
	[tilespmem:$0x1A400] =	vst v63  }
0x12f: {  	_ =	swait.ge [sflag:s26], $0x4000  }
0x130: {  	[sflag:s26] =	ssyncset.done $0x0  }
0x131: {  	s6 =	simm.s32 @!p1 $0xA;
	s12 =	rddreg [dreg:$0x14];
	[sflag:s26] =	ssyncadd.s32 $0xFFFFC000  }
0x132: {  	[hbm4b:s12+s3] =	stream.linear.scatter [tilespmem:s22], [sflag:$0x7], $0x4000, $0x38;
	[tilespmem:$0x1A400] =	vst v63  }
0x133: {  	_ =	swait.ge @!p1 [sflag:s6], $0x4000  }
0x134: {  	[sflag:s6] =	ssyncset.done @!p1 $0x0  }
0x135: {  	s20 =	simm.s32 $0x580;
	[sflag:s6] =	ssyncadd.s32 @!p1 $0xFFFFC000  }
0x136: {  	[tilespmem:s28], [sflag:$0x6] =	stream.indirect.gather [spmem:s2], $0x80, s20, s21, $0xb8;
	[tilespmem:$0x1A400] =	vst v63  }
0x137: {  	_ =	swait.ge [sflag:s29], $0x4000  }
0x138: {  	p1 =	por $0x0, $0x0;
	[sflag:s29] =	ssyncset.done $0x0  }
0x139: {  	s23 =	sadd.s32 $0x800, s12;
	s7 =	simm.s32 @p1 $0x5;
	[sflag:s29] =	ssyncadd.s32 $0xFFFFC000  }
0x13a: {  	[hbm4b:s23+s3] =	stream.linear.scatter [tilespmem:s24], [sflag:$0x8], $0x4000, $0x38;
	[tilespmem:$0x1A400] =	vst v63  }
0x13b: {  	_ =	swait.ge @p1 [sflag:s7], $0x4000  }
0x13c: {  	s9 =	simm.s32 @p1 $0x12400;
	s10 =	simm.s32 @!p1 $0x7;
	[sflag:s7] =	ssyncset.done @p1 $0x0  }
0x13d: {  	s6 =	rddreg [dreg:$0x6];
	[sflag:s7] =	ssyncadd.s32 @p1 $0xFFFFC000;
	s7 =	simm.s32 @p1 $0x0  }
0x13e: {  	[hbm4b:s6+s7] =	stream.linear.scatter @p1 [tilespmem:s9], [sflag:$0x9], $0x4000, $0x38;
	[tilespmem:$0x1A400] =	vst v63  }
0x13f: {  	_ =	swait.ge @!p1 [sflag:s10], $0x4000  }
0x140: {  	s6 =	simm.s32 @!p1 $0x600;
	s9 =	simm.s32 @!p1 $0x80;
	[sflag:s10] =	ssyncset.done @!p1 $0x0  }
0x141: {  	s7 =	simm.s32 @!p1 $0xA400;
	[sflag:s10] =	ssyncadd.s32 @!p1 $0xFFFFC000;
	s10 =	simm.s32 @!p1 $0x5  }
0x142: {  	[tilespmem:s7], [sflag:$0x3] =	stream.indirect.gather @!p1 [spmem:s2], $0x80, s6, s9, $0xb8;
	[tilespmem:$0x1A400] =	vst v63  }
0x143: {  	p2 =	por $0x0, $0x0;
	_ =	swait.ge @!p1 [sflag:s10], $0x4000  }
0x144: {  	s11 =	simm.s32 @!p1 $0x0;
	s6 =	simm.s32 @!p1 $0x12400;
	[sflag:s10] =	ssyncset.done @!p1 $0x0  }
0x145: {  	s7 =	sadd.s32 @!p1 $0x1000, s12;
	[sflag:s10] =	ssyncadd.s32 @!p1 $0xFFFFC000;
	s10 =	simm.s32 @!p1 $0x8  }
0x146: {  	[hbm4b:s7+s11] =	stream.linear.scatter @!p1 [tilespmem:s6], [sflag:$0x9], $0x4000, $0x38;
	[tilespmem:$0x1A400] =	vst v63  }
0x147: {  	s23 =	simm.s32 $0x800;
	s7 =	sadd.s32 $0x2000, s12;
	_ =	swait.ge @!p1 [sflag:s10], $0x4000  }
0x148: {  	s6 =	simm.s32 @!p1 $0x680;
	s11 =	simm.s32 @!p1 $0xE400;
	[sflag:s10] =	ssyncset.done @!p1 $0x0  }
0x149: {  	s20 =	sadd.s32 $0x2000, s7;
	[sflag:s10] =	ssyncadd.s32 @!p1 $0xFFFFC000;
	s10 =	sadd.s32 $0x1800, s12  }
0x14a: {  	[tilespmem:s11], [sflag:$0x4] =	stream.indirect.gather @!p1 [spmem:s2], $0x80, s6, s9, $0xb8;
	[tilespmem:$0x1A400] =	vst v63  }
0x14b: {  	s11 =	simm.s32 $0x1000;
	s9 =	sadd.s32 $0x1800, s7;
	_ =	swait.ge [sflag:s31], $0x4000  }
.LBB2_6:
0x14c: {  	[sflag:s31] =	ssyncset.done $0x0  }
0x14d: {  	s6 =	simm.s32 @!p2 $0x9;
	[sflag:s31] =	ssyncadd.s32 $0xFFFFC000  }
0x14e: {  	[hbm4b:s10+s3] =	stream.linear.scatter [tilespmem:s28], [sflag:$0xA], $0x4000, $0x38;
	[tilespmem:$0x1A400] =	vst v63  }
0x14f: {  	_ =	swait.ge @!p2 [sflag:s6], $0x4000  }
0x150: {  	s14 =	sshra.s32 s23, $0x2;
	[sflag:s6] =	ssyncset.done @!p2 $0x0  }
0x151: {  	s15 =	sadd.s32 $0x500, s14;
	[sflag:s6] =	ssyncadd.s32 @!p2 $0xFFFFC000  }
0x152: {  	[tilespmem:s25], [sflag:$0x5] =	stream.indirect.gather [spmem:s2], $0x80, s15, s21, $0xb8;
	[tilespmem:$0x1A400] =	vst v63  }
0x153: {  	_ =	swait.ge [sflag:s26], $0x4000  }
0x154: {  	[sflag:s26] =	ssyncset.done $0x0  }
0x155: {  	s6 =	simm.s32 @!p2 $0xA;
	[sflag:s26] =	ssyncadd.s32 $0xFFFFC000  }
0x156: {  	[hbm4b:s7+s3] =	stream.linear.scatter [tilespmem:s22], [sflag:$0x7], $0x4000, $0x38;
	[tilespmem:$0x1A400] =	vst v63  }
0x157: {  	_ =	swait.ge @!p2 [sflag:s6], $0x4000  }
0x158: {  	[sflag:s6] =	ssyncset.done @!p2 $0x0  }
0x159: {  	s12 =	smov.u32 s11;
	s15 =	sadd.s32 $0x580, s14;
	[sflag:s6] =	ssyncadd.s32 @!p2 $0xFFFFC000  }
0x15a: {  	[tilespmem:s28], [sflag:$0x6] =	stream.indirect.gather [spmem:s2], $0x80, s15, s21, $0xb8;
	[tilespmem:$0x1A400] =	vst v63  }
0x15b: {  	s13 =	sadd.s32 $0x1800, s20;
	s18 =	sadd.s32 $0x800, s7;
	_ =	swait.ge [sflag:s29], $0x4000  }
0x15c: {  	s10 =	smov.u32 s9;
	p2 =	seq.s32 s23, $0x13800;
	[sflag:s29] =	ssyncset.done $0x0  }
0x15d: {  	s9 =	smov.u32 s13;
	s13 =	simm.s32 @p2 $0x5;
	[sflag:s29] =	ssyncadd.s32 $0xFFFFC000  }
0x15e: {  	[hbm4b:s18+s3] =	stream.linear.scatter [tilespmem:s24], [sflag:$0x8], $0x4000, $0x38;
	[tilespmem:$0x1A400] =	vst v63  }
0x15f: {  	s14 =	sshra.s32 @!p2 s23, $0x2;
	s23 =	smov.u32 s12;
	_ =	swait.ge @p2 [sflag:s13], $0x4000  }
0x160: {  	s12 =	simm.s32 @p2 $0x0;
	s18 =	simm.s32 @!p2 $0x7;
	[sflag:s13] =	ssyncset.done @p2 $0x0  }
0x161: {  	s15 =	rddreg [dreg:$0x6];
	[sflag:s13] =	ssyncadd.s32 @p2 $0xFFFFC000;
	s13 =	simm.s32 @p2 $0x12400  }
0x162: {  	[hbm4b:s15+s12] =	stream.linear.scatter @p2 [tilespmem:s13], [sflag:$0x9], $0x4000, $0x38;
	[tilespmem:$0x1A400] =	vst v63  }
0x163: {  	s11 =	sadd.s32 $0x800, s11;
	_ =	swait.ge @!p2 [sflag:s18], $0x4000  }
0x164: {  	s6 =	sadd.s32 @!p2 $0x600, s14;
	s12 =	simm.s32 @!p2 $0x80;
	[sflag:s18] =	ssyncset.done @!p2 $0x0  }
0x165: {  	s13 =	simm.s32 @!p2 $0xA400;
	s15 =	simm.s32 @!p2 $0x5;
	[sflag:s18] =	ssyncadd.s32 @!p2 $0xFFFFC000  }
0x166: {  	[tilespmem:s13], [sflag:$0x3] =	stream.indirect.gather @!p2 [spmem:s2], $0x80, s6, s12, $0xb8;
	[tilespmem:$0x1A400] =	vst v63  }
0x167: {  	p1 =	sne.s32 s11, $0x14000;
	_ =	swait.ge @!p2 [sflag:s15], $0x4000  }
0x168: {  	s18 =	simm.s32 @!p2 $0x0;
	s6 =	simm.s32 @!p2 $0x12400;
	[sflag:s15] =	ssyncset.done @!p2 $0x0  }
0x169: {  	s13 =	sadd.s32 @!p2 $0x1000, s7;
	[sflag:s15] =	ssyncadd.s32 @!p2 $0xFFFFC000;
	s15 =	simm.s32 @!p2 $0x8  }
0x16a: {  	[hbm4b:s13+s18] =	stream.linear.scatter @!p2 [tilespmem:s6], [sflag:$0x9], $0x4000, $0x38;
	[tilespmem:$0x1A400] =	vst v63  }
.Ltmp2:
0x16b: {  	_ =	swait.ge @!p2 [sflag:s15], $0x4000;
	(pc) =	sbr.rel @p1 .LBB2_6-.Ltmp2, $4  }
0x16c: {  	s14 =	sadd.s32 @!p2 $0x680, s14;
	[sflag:s15] =	ssyncset.done @!p2 $0x0  }
0x16d: {  	s7 =	smov.u32 s20;
	s6 =	simm.s32 @!p2 $0xE400;
	[sflag:s15] =	ssyncadd.s32 @!p2 $0xFFFFC000  }
0x16e: {  	[tilespmem:s6], [sflag:$0x4] =	stream.indirect.gather @!p2 [spmem:s2], $0x80, s14, s12, $0xb8;
	[tilespmem:$0x1A400] =	vst v63  }
0x16f: {  	s20 =	sadd.s32 $0x2000, s20;
	p2 =	seq.s32 s23, $0x0;
	_ =	swait.ge [sflag:s31], $0x4000  }
0x170: {  	[sflag:s31] =	ssyncset.done $0x0  }
0x171: {  	s6 =	simm.s32 @!p2 $0x9;
	[sflag:s31] =	ssyncadd.s32 $0xFFFFC000  }
0x172: {  	[hbm4b:s10+s3] =	stream.linear.scatter [tilespmem:s28], [sflag:$0xA], $0x4000, $0x38;
	[tilespmem:$0x1A400] =	vst v63  }
0x173: {  	_ =	swait.ge @!p2 [sflag:s6], $0x4000  }
0x174: {  	s18 =	sshra.s32 s23, $0x2;
	[sflag:s6] =	ssyncset.done @!p2 $0x0  }
0x175: {  	s11 =	sadd.s32 $0x500, s18;
	[sflag:s6] =	ssyncadd.s32 @!p2 $0xFFFFC000  }
0x176: {  	[tilespmem:s25], [sflag:$0x5] =	stream.indirect.gather [spmem:s2], $0x80, s11, s21, $0xb8;
	[tilespmem:$0x1A400] =	vst v63  }
0x177: {  	_ =	swait.ge [sflag:s26], $0x4000  }
0x178: {  	[sflag:s26] =	ssyncset.done $0x0  }
0x179: {  	s6 =	simm.s32 @!p2 $0xA;
	[sflag:s26] =	ssyncadd.s32 $0xFFFFC000  }
0x17a: {  	[hbm4b:s7+s3] =	stream.linear.scatter [tilespmem:s22], [sflag:$0x7], $0x4000, $0x38;
	[tilespmem:$0x1A400] =	vst v63  }
0x17b: {  	_ =	swait.ge @!p2 [sflag:s6], $0x4000  }
0x17c: {  	[sflag:s6] =	ssyncset.done @!p2 $0x0  }
0x17d: {  	s10 =	sadd.s32 $0x580, s18;
	[sflag:s6] =	ssyncadd.s32 @!p2 $0xFFFFC000  }
0x17e: {  	[tilespmem:s28], [sflag:$0x6] =	stream.indirect.gather [spmem:s2], $0x80, s10, s21, $0xb8;
	[tilespmem:$0x1A400] =	vst v63  }
0x17f: {  	_ =	swait.ge [sflag:s29], $0x4000  }
0x180: {  	p1 =	seq.s32 s23, $0x13800;
	[sflag:s29] =	ssyncset.done $0x0  }
0x181: {  	s20 =	sadd.s32 $0x800, s7;
	s10 =	simm.s32 @p1 $0x5;
	[sflag:s29] =	ssyncadd.s32 $0xFFFFC000  }
0x182: {  	[hbm4b:s20+s3] =	stream.linear.scatter [tilespmem:s24], [sflag:$0x8], $0x4000, $0x38;
	[tilespmem:$0x1A400] =	vst v63  }
0x183: {  	_ =	swait.ge @p1 [sflag:s10], $0x4000  }
0x184: {  	s11 =	simm.s32 @p1 $0x12400;
	[sflag:s10] =	ssyncset.done @p1 $0x0  }
0x185: {  	s6 =	rddreg [dreg:$0x6];
	[sflag:s10] =	ssyncadd.s32 @p1 $0xFFFFC000;
	s10 =	simm.s32 @p1 $0x0  }
0x186: {  	[hbm4b:s6+s10] =	stream.linear.scatter @p1 [tilespmem:s11], [sflag:$0x9], $0x4000, $0x38;
	[tilespmem:$0x1A400] =	vst v63  }
0x187: {  	s6 =	simm.s32 @!p1 $0x7  }
0x188: {  	_ =	swait.ge @!p1 [sflag:s6], $0x4000  }
0x189: {  	s12 =	simm.s32 @!p1 $0x80;
	s10 =	sshra.s32 @!p1 s23, $0x2;
	[sflag:s6] =	ssyncset.done @!p1 $0x0  }
0x18a: {  	s11 =	sadd.s32 @!p1 $0x600, s10;
	[sflag:s6] =	ssyncadd.s32 @!p1 $0xFFFFC000;
	s6 =	simm.s32 @!p1 $0xA400  }
0x18b: {  	[tilespmem:s6], [sflag:$0x3] =	stream.indirect.gather @!p1 [spmem:s2], $0x80, s11, s12, $0xb8;
	[tilespmem:$0x1A400] =	vst v63  }
0x18c: {  	s6 =	simm.s32 @!p1 $0x5  }
0x18d: {  	_ =	swait.ge @!p1 [sflag:s6], $0x4000  }
0x18e: {  	s7 =	sadd.s32 @!p1 $0x1000, s7;
	[sflag:s6] =	ssyncset.done @!p1 $0x0  }
0x18f: {  	s11 =	simm.s32 @!p1 $0x12400;
	[sflag:s6] =	ssyncadd.s32 @!p1 $0xFFFFC000;
	s6 =	simm.s32 @!p1 $0x0  }
0x190: {  	[hbm4b:s7+s6] =	stream.linear.scatter @!p1 [tilespmem:s11], [sflag:$0x9], $0x4000, $0x38;
	[tilespmem:$0x1A400] =	vst v63  }
0x191: {  	s6 =	simm.s32 @!p1 $0x8  }
0x192: {  	_ =	swait.ge @!p1 [sflag:s6], $0x4000  }
0x193: {  	[sflag:s6] =	ssyncset.done @!p1 $0x0  }
0x194: {  	s7 =	sadd.s32 @!p1 $0x680, s10;
	s10 =	simm.s32 @!p1 $0xE400;
	[sflag:s6] =	ssyncadd.s32 @!p1 $0xFFFFC000  }
0x195: {  	[tilespmem:s10], [sflag:$0x4] =	stream.indirect.gather @!p1 [spmem:s2], $0x80, s7, s12, $0xb8;
	[tilespmem:$0x1A400] =	vst v63  }
0x196: {  	_ =	swait.ge [sflag:s31], $0x4000  }
0x197: {  	[sflag:s31] =	ssyncset.done $0x0  }
0x198: {  	[sflag:s31] =	ssyncadd.s32 $0xFFFFC000  }
0x199: {  	[hbm4b:s9+s3] =	stream.linear.scatter [tilespmem:s28], [sflag:$0xA], $0x4000, $0x38;
	[tilespmem:$0x1A400] =	vst v63  }
0x19a: {  	_ =	swait.ge [sflag:s1], $0x4000  }
0x19b: {  	[sflag:s1] =	ssyncset.done $0x0  }
0x19c: {  	[sflag:s1] =	ssyncadd.s32 $0xFFFFC000  }
0x19d: {  	_ =	swait.ge [sflag:s0], $0x4000  }
0x19e: {  	[sflag:s0] =	ssyncset.done $0x0  }
0x19f: {  	[sflag:s0] =	ssyncadd.s32 $0xFFFFC000  }
0x1a0: {  	_ =	swait.ge [sflag:s4], $0x4000  }
0x1a1: {  	[sflag:s4] =	ssyncset.done $0x0  }
0x1a2: {  	[sflag:s4] =	ssyncadd.s32 $0xFFFFC000  }
0x1a3: {  	_ =	swait.ge [sflag:s5], $0x4000  }
0x1a4: {  	[sflag:s5] =	ssyncset.done $0x0  }
0x1a5: {  	s11 =	simm.s32 $0x2;
	[sflag:s5] =	ssyncadd.s32 $0xFFFFC000  }
0x1a6: {  	_ =	swait.ge [sflag:s11], $0x5000  }
0x1a7: {  	[sflag:s11] =	ssyncset.done $0x0  }
0x1a8: {  	s12 =	simm.s32 $0x0;
	s13 =	rddreg [dreg:$0xd];
	[sflag:s11] =	ssyncadd.s32 $0xFFFFB000  }
0x1a9: {  	[tilespmem:s19], [sflag:$0x1] =	stream.linear.gather [hbm4b:s13+s12], $0x5000, $0x38;
	[tilespmem:$0x1A400] =	vst v63  }
0x1aa: {  	s14 =	simm.s32 $0x5400;
	p1 =	por $0x1, $0x1  }
0x1ab: {  	[tilespmem:s22], [sflag:$0x3] =	stream.indirect.gather [spmem:s2], $0x80, s14, s21, $0xb8;
	[tilespmem:$0x1A400] =	vst v63  }
0x1ac: {  	s15 =	simm.s32 $0x5480;
	s6 =	simm.s32 @!p1 $0x9  }
0x1ad: {  	[tilespmem:s24], [sflag:$0x4] =	stream.indirect.gather [spmem:s2], $0x80, s15, s21, $0xb8;
	[tilespmem:$0x1A400] =	vst v63  }
0x1ae: {  	_ =	swait.ge @!p1 [sflag:s6], $0x4000  }
0x1af: {  	[sflag:s6] =	ssyncset.done @!p1 $0x0  }
0x1b0: {  	s18 =	simm.s32 $0x5500;
	[sflag:s6] =	ssyncadd.s32 @!p1 $0xFFFFC000  }
0x1b1: {  	[tilespmem:s25], [sflag:$0x5] =	stream.indirect.gather [spmem:s2], $0x80, s18, s21, $0xb8;
	[tilespmem:$0x1A400] =	vst v63  }
0x1b2: {  	_ =	swait.ge [sflag:s26], $0x4000  }
0x1b3: {  	[sflag:s26] =	ssyncset.done $0x0  }
0x1b4: {  	s6 =	simm.s32 @!p1 $0xA;
	[sflag:s26] =	ssyncadd.s32 $0xFFFFC000  }
0x1b5: {  	[hbm4b:s16+s3] =	stream.linear.scatter [tilespmem:s22], [sflag:$0x7], $0x4000, $0x38;
	[tilespmem:$0x1A400] =	vst v63  }
0x1b6: {  	_ =	swait.ge @!p1 [sflag:s6], $0x4000  }
0x1b7: {  	[sflag:s6] =	ssyncset.done @!p1 $0x0  }
0x1b8: {  	s20 =	simm.s32 $0x5580;
	[sflag:s6] =	ssyncadd.s32 @!p1 $0xFFFFC000  }
0x1b9: {  	[tilespmem:s28], [sflag:$0x6] =	stream.indirect.gather [spmem:s2], $0x80, s20, s21, $0xb8;
	[tilespmem:$0x1A400] =	vst v63  }
0x1ba: {  	_ =	swait.ge [sflag:s29], $0x4000  }
0x1bb: {  	p1 =	por $0x0, $0x0;
	[sflag:s29] =	ssyncset.done $0x0  }
0x1bc: {  	s23 =	sadd.s32 $0x800, s16;
	s7 =	simm.s32 @p1 $0x5;
	[sflag:s29] =	ssyncadd.s32 $0xFFFFC000  }
0x1bd: {  	[hbm4b:s23+s3] =	stream.linear.scatter [tilespmem:s24], [sflag:$0x8], $0x4000, $0x38;
	[tilespmem:$0x1A400] =	vst v63  }
0x1be: {  	_ =	swait.ge @p1 [sflag:s7], $0x4000  }
0x1bf: {  	s9 =	simm.s32 @p1 $0x12400;
	s10 =	simm.s32 @!p1 $0x7;
	[sflag:s7] =	ssyncset.done @p1 $0x0  }
0x1c0: {  	s6 =	rddreg [dreg:$0x7];
	[sflag:s7] =	ssyncadd.s32 @p1 $0xFFFFC000;
	s7 =	simm.s32 @p1 $0x0  }
0x1c1: {  	[hbm4b:s6+s7] =	stream.linear.scatter @p1 [tilespmem:s9], [sflag:$0x9], $0x4000, $0x38;
	[tilespmem:$0x1A400] =	vst v63  }
0x1c2: {  	_ =	swait.ge @!p1 [sflag:s10], $0x4000  }
0x1c3: {  	s6 =	simm.s32 @!p1 $0x5600;
	s9 =	simm.s32 @!p1 $0x80;
	[sflag:s10] =	ssyncset.done @!p1 $0x0  }
0x1c4: {  	s7 =	simm.s32 @!p1 $0xA400;
	[sflag:s10] =	ssyncadd.s32 @!p1 $0xFFFFC000;
	s10 =	simm.s32 @!p1 $0x5  }
0x1c5: {  	[tilespmem:s7], [sflag:$0x3] =	stream.indirect.gather @!p1 [spmem:s2], $0x80, s6, s9, $0xb8;
	[tilespmem:$0x1A400] =	vst v63  }
0x1c6: {  	p2 =	por $0x0, $0x0;
	_ =	swait.ge @!p1 [sflag:s10], $0x4000  }
0x1c7: {  	s11 =	simm.s32 @!p1 $0x0;
	s6 =	simm.s32 @!p1 $0x12400;
	[sflag:s10] =	ssyncset.done @!p1 $0x0  }
0x1c8: {  	s7 =	sadd.s32 @!p1 $0x1000, s16;
	[sflag:s10] =	ssyncadd.s32 @!p1 $0xFFFFC000;
	s10 =	simm.s32 @!p1 $0x8  }
0x1c9: {  	[hbm4b:s7+s11] =	stream.linear.scatter @!p1 [tilespmem:s6], [sflag:$0x9], $0x4000, $0x38;
	[tilespmem:$0x1A400] =	vst v63  }
0x1ca: {  	s23 =	simm.s32 $0x800;
	s7 =	sadd.s32 $0x2000, s16;
	_ =	swait.ge @!p1 [sflag:s10], $0x4000  }
0x1cb: {  	s6 =	simm.s32 @!p1 $0x5680;
	s11 =	simm.s32 @!p1 $0xE400;
	[sflag:s10] =	ssyncset.done @!p1 $0x0  }
0x1cc: {  	s20 =	sadd.s32 $0x2000, s7;
	[sflag:s10] =	ssyncadd.s32 @!p1 $0xFFFFC000;
	s10 =	sadd.s32 $0x1800, s16  }
0x1cd: {  	[tilespmem:s11], [sflag:$0x4] =	stream.indirect.gather @!p1 [spmem:s2], $0x80, s6, s9, $0xb8;
	[tilespmem:$0x1A400] =	vst v63  }
0x1ce: {  	s11 =	simm.s32 $0x1000;
	s9 =	sadd.s32 $0x1800, s7;
	_ =	swait.ge [sflag:s31], $0x4000  }
.LBB2_8:
0x1cf: {  	[sflag:s31] =	ssyncset.done $0x0  }
0x1d0: {  	s6 =	simm.s32 @!p2 $0x9;
	[sflag:s31] =	ssyncadd.s32 $0xFFFFC000  }
0x1d1: {  	[hbm4b:s10+s3] =	stream.linear.scatter [tilespmem:s28], [sflag:$0xA], $0x4000, $0x38;
	[tilespmem:$0x1A400] =	vst v63  }
0x1d2: {  	_ =	swait.ge @!p2 [sflag:s6], $0x4000  }
0x1d3: {  	s14 =	sshra.s32 s23, $0x2;
	[sflag:s6] =	ssyncset.done @!p2 $0x0  }
0x1d4: {  	s15 =	sadd.s32 $0x5500, s14;
	[sflag:s6] =	ssyncadd.s32 @!p2 $0xFFFFC000  }
0x1d5: {  	[tilespmem:s25], [sflag:$0x5] =	stream.indirect.gather [spmem:s2], $0x80, s15, s21, $0xb8;
	[tilespmem:$0x1A400] =	vst v63  }
0x1d6: {  	_ =	swait.ge [sflag:s26], $0x4000  }
0x1d7: {  	[sflag:s26] =	ssyncset.done $0x0  }
0x1d8: {  	s6 =	simm.s32 @!p2 $0xA;
	[sflag:s26] =	ssyncadd.s32 $0xFFFFC000  }
0x1d9: {  	[hbm4b:s7+s3] =	stream.linear.scatter [tilespmem:s22], [sflag:$0x7], $0x4000, $0x38;
	[tilespmem:$0x1A400] =	vst v63  }
0x1da: {  	_ =	swait.ge @!p2 [sflag:s6], $0x4000  }
0x1db: {  	[sflag:s6] =	ssyncset.done @!p2 $0x0  }
0x1dc: {  	s12 =	smov.u32 s11;
	s15 =	sadd.s32 $0x5580, s14;
	[sflag:s6] =	ssyncadd.s32 @!p2 $0xFFFFC000  }
0x1dd: {  	[tilespmem:s28], [sflag:$0x6] =	stream.indirect.gather [spmem:s2], $0x80, s15, s21, $0xb8;
	[tilespmem:$0x1A400] =	vst v63  }
0x1de: {  	s13 =	sadd.s32 $0x1800, s20;
	s18 =	sadd.s32 $0x800, s7;
	_ =	swait.ge [sflag:s29], $0x4000  }
0x1df: {  	s10 =	smov.u32 s9;
	p2 =	seq.s32 s23, $0x13800;
	[sflag:s29] =	ssyncset.done $0x0  }
0x1e0: {  	s9 =	smov.u32 s13;
	s13 =	simm.s32 @p2 $0x5;
	[sflag:s29] =	ssyncadd.s32 $0xFFFFC000  }
0x1e1: {  	[hbm4b:s18+s3] =	stream.linear.scatter [tilespmem:s24], [sflag:$0x8], $0x4000, $0x38;
	[tilespmem:$0x1A400] =	vst v63  }
0x1e2: {  	s14 =	sshra.s32 @!p2 s23, $0x2;
	s23 =	smov.u32 s12;
	_ =	swait.ge @p2 [sflag:s13], $0x4000  }
0x1e3: {  	s12 =	simm.s32 @p2 $0x0;
	s18 =	simm.s32 @!p2 $0x7;
	[sflag:s13] =	ssyncset.done @p2 $0x0  }
0x1e4: {  	s15 =	rddreg [dreg:$0x7];
	[sflag:s13] =	ssyncadd.s32 @p2 $0xFFFFC000;
	s13 =	simm.s32 @p2 $0x12400  }
0x1e5: {  	[hbm4b:s15+s12] =	stream.linear.scatter @p2 [tilespmem:s13], [sflag:$0x9], $0x4000, $0x38;
	[tilespmem:$0x1A400] =	vst v63  }
0x1e6: {  	s11 =	sadd.s32 $0x800, s11;
	_ =	swait.ge @!p2 [sflag:s18], $0x4000  }
0x1e7: {  	s6 =	sadd.s32 @!p2 $0x5600, s14;
	s12 =	simm.s32 @!p2 $0x80;
	[sflag:s18] =	ssyncset.done @!p2 $0x0  }
0x1e8: {  	s13 =	simm.s32 @!p2 $0xA400;
	s15 =	simm.s32 @!p2 $0x5;
	[sflag:s18] =	ssyncadd.s32 @!p2 $0xFFFFC000  }
0x1e9: {  	[tilespmem:s13], [sflag:$0x3] =	stream.indirect.gather @!p2 [spmem:s2], $0x80, s6, s12, $0xb8;
	[tilespmem:$0x1A400] =	vst v63  }
0x1ea: {  	p1 =	sne.s32 s11, $0x14000;
	_ =	swait.ge @!p2 [sflag:s15], $0x4000  }
0x1eb: {  	s18 =	simm.s32 @!p2 $0x0;
	s6 =	simm.s32 @!p2 $0x12400;
	[sflag:s15] =	ssyncset.done @!p2 $0x0  }
0x1ec: {  	s13 =	sadd.s32 @!p2 $0x1000, s7;
	[sflag:s15] =	ssyncadd.s32 @!p2 $0xFFFFC000;
	s15 =	simm.s32 @!p2 $0x8  }
0x1ed: {  	[hbm4b:s13+s18] =	stream.linear.scatter @!p2 [tilespmem:s6], [sflag:$0x9], $0x4000, $0x38;
	[tilespmem:$0x1A400] =	vst v63  }
.Ltmp3:
0x1ee: {  	_ =	swait.ge @!p2 [sflag:s15], $0x4000;
	(pc) =	sbr.rel @p1 .LBB2_8-.Ltmp3, $4  }
0x1ef: {  	s14 =	sadd.s32 @!p2 $0x5680, s14;
	[sflag:s15] =	ssyncset.done @!p2 $0x0  }
0x1f0: {  	s7 =	smov.u32 s20;
	s6 =	simm.s32 @!p2 $0xE400;
	[sflag:s15] =	ssyncadd.s32 @!p2 $0xFFFFC000  }
0x1f1: {  	[tilespmem:s6], [sflag:$0x4] =	stream.indirect.gather @!p2 [spmem:s2], $0x80, s14, s12, $0xb8;
	[tilespmem:$0x1A400] =	vst v63  }
0x1f2: {  	s20 =	sadd.s32 $0x2000, s20;
	p2 =	seq.s32 s23, $0x0;
	_ =	swait.ge [sflag:s31], $0x4000  }
0x1f3: {  	[sflag:s31] =	ssyncset.done $0x0  }
0x1f4: {  	s6 =	simm.s32 @!p2 $0x9;
	[sflag:s31] =	ssyncadd.s32 $0xFFFFC000  }
0x1f5: {  	[hbm4b:s10+s3] =	stream.linear.scatter [tilespmem:s28], [sflag:$0xA], $0x4000, $0x38;
	[tilespmem:$0x1A400] =	vst v63  }
0x1f6: {  	_ =	swait.ge @!p2 [sflag:s6], $0x4000  }
0x1f7: {  	s12 =	sshra.s32 s23, $0x2;
	[sflag:s6] =	ssyncset.done @!p2 $0x0  }
0x1f8: {  	s11 =	sadd.s32 $0x5500, s12;
	[sflag:s6] =	ssyncadd.s32 @!p2 $0xFFFFC000  }
0x1f9: {  	[tilespmem:s25], [sflag:$0x5] =	stream.indirect.gather [spmem:s2], $0x80, s11, s21, $0xb8;
	[tilespmem:$0x1A400] =	vst v63  }
0x1fa: {  	_ =	swait.ge [sflag:s26], $0x4000  }
0x1fb: {  	[sflag:s26] =	ssyncset.done $0x0  }
0x1fc: {  	s6 =	simm.s32 @!p2 $0xA;
	[sflag:s26] =	ssyncadd.s32 $0xFFFFC000  }
0x1fd: {  	[hbm4b:s7+s3] =	stream.linear.scatter [tilespmem:s22], [sflag:$0x7], $0x4000, $0x38;
	[tilespmem:$0x1A400] =	vst v63  }
0x1fe: {  	_ =	swait.ge @!p2 [sflag:s6], $0x4000  }
0x1ff: {  	[sflag:s6] =	ssyncset.done @!p2 $0x0  }
0x200: {  	s10 =	sadd.s32 $0x5580, s12;
	[sflag:s6] =	ssyncadd.s32 @!p2 $0xFFFFC000  }
0x201: {  	[tilespmem:s28], [sflag:$0x6] =	stream.indirect.gather [spmem:s2], $0x80, s10, s21, $0xb8;
	[tilespmem:$0x1A400] =	vst v63  }
0x202: {  	_ =	swait.ge [sflag:s29], $0x4000  }
0x203: {  	p1 =	seq.s32 s23, $0x13800;
	[sflag:s29] =	ssyncset.done $0x0  }
0x204: {  	s13 =	sadd.s32 $0x800, s7;
	s10 =	simm.s32 @p1 $0x5;
	[sflag:s29] =	ssyncadd.s32 $0xFFFFC000  }
0x205: {  	[hbm4b:s13+s3] =	stream.linear.scatter [tilespmem:s24], [sflag:$0x8], $0x4000, $0x38;
	[tilespmem:$0x1A400] =	vst v63  }
0x206: {  	_ =	swait.ge @p1 [sflag:s10], $0x4000  }
0x207: {  	s11 =	simm.s32 @p1 $0x12400;
	[sflag:s10] =	ssyncset.done @p1 $0x0  }
0x208: {  	s6 =	rddreg [dreg:$0x7];
	[sflag:s10] =	ssyncadd.s32 @p1 $0xFFFFC000;
	s10 =	simm.s32 @p1 $0x0  }
0x209: {  	[hbm4b:s6+s10] =	stream.linear.scatter @p1 [tilespmem:s11], [sflag:$0x9], $0x4000, $0x38;
	[tilespmem:$0x1A400] =	vst v63  }
0x20a: {  	s6 =	simm.s32 @!p1 $0x7  }
0x20b: {  	_ =	swait.ge @!p1 [sflag:s6], $0x4000  }
0x20c: {  	s12 =	simm.s32 @!p1 $0x80;
	s10 =	sshra.s32 @!p1 s23, $0x2;
	[sflag:s6] =	ssyncset.done @!p1 $0x0  }
0x20d: {  	s11 =	sadd.s32 @!p1 $0x5600, s10;
	[sflag:s6] =	ssyncadd.s32 @!p1 $0xFFFFC000;
	s6 =	simm.s32 @!p1 $0xA400  }
0x20e: {  	[tilespmem:s6], [sflag:$0x3] =	stream.indirect.gather @!p1 [spmem:s2], $0x80, s11, s12, $0xb8;
	[tilespmem:$0x1A400] =	vst v63  }
0x20f: {  	s6 =	simm.s32 @!p1 $0x5  }
0x210: {  	_ =	swait.ge @!p1 [sflag:s6], $0x4000  }
0x211: {  	s7 =	sadd.s32 @!p1 $0x1000, s7;
	[sflag:s6] =	ssyncset.done @!p1 $0x0  }
0x212: {  	s11 =	simm.s32 @!p1 $0x12400;
	[sflag:s6] =	ssyncadd.s32 @!p1 $0xFFFFC000;
	s6 =	simm.s32 @!p1 $0x0  }
0x213: {  	[hbm4b:s7+s6] =	stream.linear.scatter @!p1 [tilespmem:s11], [sflag:$0x9], $0x4000, $0x38;
	[tilespmem:$0x1A400] =	vst v63  }
0x214: {  	s6 =	simm.s32 @!p1 $0x8  }
0x215: {  	_ =	swait.ge @!p1 [sflag:s6], $0x4000  }
0x216: {  	[sflag:s6] =	ssyncset.done @!p1 $0x0  }
0x217: {  	s7 =	sadd.s32 @!p1 $0x5680, s10;
	s10 =	simm.s32 @!p1 $0xE400;
	[sflag:s6] =	ssyncadd.s32 @!p1 $0xFFFFC000  }
0x218: {  	[tilespmem:s10], [sflag:$0x4] =	stream.indirect.gather @!p1 [spmem:s2], $0x80, s7, s12, $0xb8;
	[tilespmem:$0x1A400] =	vst v63  }
0x219: {  	_ =	swait.ge [sflag:s31], $0x4000  }
0x21a: {  	[sflag:s31] =	ssyncset.done $0x0  }
0x21b: {  	[sflag:s31] =	ssyncadd.s32 $0xFFFFC000  }
0x21c: {  	[hbm4b:s9+s3] =	stream.linear.scatter [tilespmem:s28], [sflag:$0xA], $0x4000, $0x38;
	[tilespmem:$0x1A400] =	vst v63  }
0x21d: {  	_ =	swait.ge [sflag:s1], $0x4000  }
0x21e: {  	[sflag:s1] =	ssyncset.done $0x0  }
0x21f: {  	[sflag:s1] =	ssyncadd.s32 $0xFFFFC000  }
0x220: {  	_ =	swait.ge [sflag:s0], $0x4000  }
0x221: {  	[sflag:s0] =	ssyncset.done $0x0  }
0x222: {  	[sflag:s0] =	ssyncadd.s32 $0xFFFFC000  }
0x223: {  	_ =	swait.ge [sflag:s4], $0x4000  }
0x224: {  	[sflag:s4] =	ssyncset.done $0x0  }
0x225: {  	[sflag:s4] =	ssyncadd.s32 $0xFFFFC000  }
0x226: {  	_ =	swait.ge [sflag:s5], $0x4000  }
0x227: {  	[sflag:s5] =	ssyncset.done $0x0  }
0x228: {  	s14 =	simm.s32 $0x1;
	[sflag:s5] =	ssyncadd.s32 $0xFFFFC000  }
0x229: {  	_ =	swait.ge [sflag:s14], $0x5000  }
0x22a: {  	[sflag:s14] =	ssyncset.done $0x0  }
0x22b: {  	p1 =	por $0x1, $0x1;
	[sflag:s14] =	ssyncadd.s32 $0xFFFFB000  }
0x22c: {  	[tilespmem:s22], [sflag:$0x3] =	stream.indirect.gather [spmem:s2], $0x80, s19, s21, $0xb8;
	[tilespmem:$0x1A400] =	vst v63  }
0x22d: {  	s15 =	simm.s32 $0x480;
	s6 =	simm.s32 @!p1 $0x9  }
0x22e: {  	[tilespmem:s24], [sflag:$0x4] =	stream.indirect.gather [spmem:s2], $0x80, s15, s21, $0xb8;
	[tilespmem:$0x1A400] =	vst v63  }
0x22f: {  	_ =	swait.ge @!p1 [sflag:s6], $0x4000  }
0x230: {  	[sflag:s6] =	ssyncset.done @!p1 $0x0  }
0x231: {  	s18 =	simm.s32 $0x500;
	[sflag:s6] =	ssyncadd.s32 @!p1 $0xFFFFC000  }
0x232: {  	[tilespmem:s25], [sflag:$0x5] =	stream.indirect.gather [spmem:s2], $0x80, s18, s21, $0xb8;
	[tilespmem:$0x1A400] =	vst v63  }
0x233: {  	_ =	swait.ge [sflag:s26], $0x4000  }
0x234: {  	[sflag:s26] =	ssyncset.done $0x0  }
0x235: {  	s6 =	simm.s32 @!p1 $0xA;
	[sflag:s26] =	ssyncadd.s32 $0xFFFFC000  }
0x236: {  	[hbm4b:s17+s3] =	stream.linear.scatter [tilespmem:s22], [sflag:$0x7], $0x4000, $0x38;
	[tilespmem:$0x1A400] =	vst v63  }
0x237: {  	_ =	swait.ge @!p1 [sflag:s6], $0x4000  }
0x238: {  	[sflag:s6] =	ssyncset.done @!p1 $0x0  }
0x239: {  	s20 =	simm.s32 $0x580;
	[sflag:s6] =	ssyncadd.s32 @!p1 $0xFFFFC000  }
0x23a: {  	[tilespmem:s28], [sflag:$0x6] =	stream.indirect.gather [spmem:s2], $0x80, s20, s21, $0xb8;
	[tilespmem:$0x1A400] =	vst v63  }
0x23b: {  	_ =	swait.ge [sflag:s29], $0x4000  }
0x23c: {  	p1 =	por $0x0, $0x0;
	[sflag:s29] =	ssyncset.done $0x0  }
0x23d: {  	s23 =	sadd.s32 $0x800, s17;
	s7 =	simm.s32 @p1 $0x5;
	[sflag:s29] =	ssyncadd.s32 $0xFFFFC000  }
0x23e: {  	[hbm4b:s23+s3] =	stream.linear.scatter [tilespmem:s24], [sflag:$0x8], $0x4000, $0x38;
	[tilespmem:$0x1A400] =	vst v63  }
0x23f: {  	_ =	swait.ge @p1 [sflag:s7], $0x4000  }
0x240: {  	s9 =	simm.s32 @p1 $0x12400;
	s10 =	simm.s32 @!p1 $0x7;
	[sflag:s7] =	ssyncset.done @p1 $0x0  }
0x241: {  	s6 =	rddreg [dreg:$0x8];
	[sflag:s7] =	ssyncadd.s32 @p1 $0xFFFFC000;
	s7 =	simm.s32 @p1 $0x0  }
0x242: {  	[hbm4b:s6+s7] =	stream.linear.scatter @p1 [tilespmem:s9], [sflag:$0x9], $0x4000, $0x38;
	[tilespmem:$0x1A400] =	vst v63  }
0x243: {  	_ =	swait.ge @!p1 [sflag:s10], $0x4000  }
0x244: {  	s6 =	simm.s32 @!p1 $0x600;
	s9 =	simm.s32 @!p1 $0x80;
	[sflag:s10] =	ssyncset.done @!p1 $0x0  }
0x245: {  	s7 =	simm.s32 @!p1 $0xA400;
	[sflag:s10] =	ssyncadd.s32 @!p1 $0xFFFFC000;
	s10 =	simm.s32 @!p1 $0x5  }
0x246: {  	[tilespmem:s7], [sflag:$0x3] =	stream.indirect.gather @!p1 [spmem:s2], $0x80, s6, s9, $0xb8;
	[tilespmem:$0x1A400] =	vst v63  }
0x247: {  	p2 =	por $0x0, $0x0;
	_ =	swait.ge @!p1 [sflag:s10], $0x4000  }
0x248: {  	s11 =	simm.s32 @!p1 $0x0;
	s6 =	simm.s32 @!p1 $0x12400;
	[sflag:s10] =	ssyncset.done @!p1 $0x0  }
0x249: {  	s7 =	sadd.s32 @!p1 $0x1000, s17;
	[sflag:s10] =	ssyncadd.s32 @!p1 $0xFFFFC000;
	s10 =	simm.s32 @!p1 $0x8  }
0x24a: {  	[hbm4b:s7+s11] =	stream.linear.scatter @!p1 [tilespmem:s6], [sflag:$0x9], $0x4000, $0x38;
	[tilespmem:$0x1A400] =	vst v63  }
0x24b: {  	s23 =	simm.s32 $0x800;
	s7 =	sadd.s32 $0x2000, s17;
	_ =	swait.ge @!p1 [sflag:s10], $0x4000  }
0x24c: {  	s6 =	simm.s32 @!p1 $0x680;
	s11 =	simm.s32 @!p1 $0xE400;
	[sflag:s10] =	ssyncset.done @!p1 $0x0  }
0x24d: {  	s20 =	sadd.s32 $0x2000, s7;
	[sflag:s10] =	ssyncadd.s32 @!p1 $0xFFFFC000;
	s10 =	sadd.s32 $0x1800, s17  }
0x24e: {  	[tilespmem:s11], [sflag:$0x4] =	stream.indirect.gather @!p1 [spmem:s2], $0x80, s6, s9, $0xb8;
	[tilespmem:$0x1A400] =	vst v63  }
0x24f: {  	s11 =	simm.s32 $0x1000;
	s9 =	sadd.s32 $0x1800, s7;
	_ =	swait.ge [sflag:s31], $0x4000  }
.LBB2_10:
0x250: {  	[sflag:s31] =	ssyncset.done $0x0  }
0x251: {  	s6 =	simm.s32 @!p2 $0x9;
	[sflag:s31] =	ssyncadd.s32 $0xFFFFC000  }
0x252: {  	[hbm4b:s10+s3] =	stream.linear.scatter [tilespmem:s28], [sflag:$0xA], $0x4000, $0x38;
	[tilespmem:$0x1A400] =	vst v63  }
0x253: {  	_ =	swait.ge @!p2 [sflag:s6], $0x4000  }
0x254: {  	s14 =	sshra.s32 s23, $0x2;
	[sflag:s6] =	ssyncset.done @!p2 $0x0  }
0x255: {  	s15 =	sadd.s32 $0x500, s14;
	[sflag:s6] =	ssyncadd.s32 @!p2 $0xFFFFC000  }
0x256: {  	[tilespmem:s25], [sflag:$0x5] =	stream.indirect.gather [spmem:s2], $0x80, s15, s21, $0xb8;
	[tilespmem:$0x1A400] =	vst v63  }
0x257: {  	_ =	swait.ge [sflag:s26], $0x4000  }
0x258: {  	[sflag:s26] =	ssyncset.done $0x0  }
0x259: {  	s6 =	simm.s32 @!p2 $0xA;
	[sflag:s26] =	ssyncadd.s32 $0xFFFFC000  }
0x25a: {  	[hbm4b:s7+s3] =	stream.linear.scatter [tilespmem:s22], [sflag:$0x7], $0x4000, $0x38;
	[tilespmem:$0x1A400] =	vst v63  }
0x25b: {  	_ =	swait.ge @!p2 [sflag:s6], $0x4000  }
0x25c: {  	[sflag:s6] =	ssyncset.done @!p2 $0x0  }
0x25d: {  	s12 =	smov.u32 s11;
	s15 =	sadd.s32 $0x580, s14;
	[sflag:s6] =	ssyncadd.s32 @!p2 $0xFFFFC000  }
0x25e: {  	[tilespmem:s28], [sflag:$0x6] =	stream.indirect.gather [spmem:s2], $0x80, s15, s21, $0xb8;
	[tilespmem:$0x1A400] =	vst v63  }
0x25f: {  	s13 =	sadd.s32 $0x1800, s20;
	s18 =	sadd.s32 $0x800, s7;
	_ =	swait.ge [sflag:s29], $0x4000  }
0x260: {  	s10 =	smov.u32 s9;
	p2 =	seq.s32 s23, $0x13800;
	[sflag:s29] =	ssyncset.done $0x0  }
0x261: {  	s9 =	smov.u32 s13;
	s13 =	simm.s32 @p2 $0x5;
	[sflag:s29] =	ssyncadd.s32 $0xFFFFC000  }
0x262: {  	[hbm4b:s18+s3] =	stream.linear.scatter [tilespmem:s24], [sflag:$0x8], $0x4000, $0x38;
	[tilespmem:$0x1A400] =	vst v63  }
0x263: {  	s14 =	sshra.s32 @!p2 s23, $0x2;
	s23 =	smov.u32 s12;
	_ =	swait.ge @p2 [sflag:s13], $0x4000  }
0x264: {  	s12 =	simm.s32 @p2 $0x0;
	s18 =	simm.s32 @!p2 $0x7;
	[sflag:s13] =	ssyncset.done @p2 $0x0  }
0x265: {  	s15 =	rddreg [dreg:$0x8];
	[sflag:s13] =	ssyncadd.s32 @p2 $0xFFFFC000;
	s13 =	simm.s32 @p2 $0x12400  }
0x266: {  	[hbm4b:s15+s12] =	stream.linear.scatter @p2 [tilespmem:s13], [sflag:$0x9], $0x4000, $0x38;
	[tilespmem:$0x1A400] =	vst v63  }
0x267: {  	s11 =	sadd.s32 $0x800, s11;
	_ =	swait.ge @!p2 [sflag:s18], $0x4000  }
0x268: {  	s6 =	sadd.s32 @!p2 $0x600, s14;
	s12 =	simm.s32 @!p2 $0x80;
	[sflag:s18] =	ssyncset.done @!p2 $0x0  }
0x269: {  	s13 =	simm.s32 @!p2 $0xA400;
	s15 =	simm.s32 @!p2 $0x5;
	[sflag:s18] =	ssyncadd.s32 @!p2 $0xFFFFC000  }
0x26a: {  	[tilespmem:s13], [sflag:$0x3] =	stream.indirect.gather @!p2 [spmem:s2], $0x80, s6, s12, $0xb8;
	[tilespmem:$0x1A400] =	vst v63  }
0x26b: {  	p1 =	sne.s32 s11, $0x14000;
	_ =	swait.ge @!p2 [sflag:s15], $0x4000  }
0x26c: {  	s18 =	simm.s32 @!p2 $0x0;
	s6 =	simm.s32 @!p2 $0x12400;
	[sflag:s15] =	ssyncset.done @!p2 $0x0  }
0x26d: {  	s13 =	sadd.s32 @!p2 $0x1000, s7;
	[sflag:s15] =	ssyncadd.s32 @!p2 $0xFFFFC000;
	s15 =	simm.s32 @!p2 $0x8  }
0x26e: {  	[hbm4b:s13+s18] =	stream.linear.scatter @!p2 [tilespmem:s6], [sflag:$0x9], $0x4000, $0x38;
	[tilespmem:$0x1A400] =	vst v63  }
.Ltmp4:
0x26f: {  	_ =	swait.ge @!p2 [sflag:s15], $0x4000;
	(pc) =	sbr.rel @p1 .LBB2_10-.Ltmp4, $4  }
0x270: {  	s14 =	sadd.s32 @!p2 $0x680, s14;
	[sflag:s15] =	ssyncset.done @!p2 $0x0  }
0x271: {  	s7 =	smov.u32 s20;
	s6 =	simm.s32 @!p2 $0xE400;
	[sflag:s15] =	ssyncadd.s32 @!p2 $0xFFFFC000  }
0x272: {  	[tilespmem:s6], [sflag:$0x4] =	stream.indirect.gather @!p2 [spmem:s2], $0x80, s14, s12, $0xb8;
	[tilespmem:$0x1A400] =	vst v63  }
0x273: {  	s20 =	sadd.s32 $0x2000, s20;
	p2 =	seq.s32 s23, $0x0;
	_ =	swait.ge [sflag:s31], $0x4000  }
0x274: {  	[sflag:s31] =	ssyncset.done $0x0  }
0x275: {  	s6 =	simm.s32 @!p2 $0x9;
	[sflag:s31] =	ssyncadd.s32 $0xFFFFC000  }
0x276: {  	[hbm4b:s10+s3] =	stream.linear.scatter [tilespmem:s28], [sflag:$0xA], $0x4000, $0x38;
	[tilespmem:$0x1A400] =	vst v63  }
0x277: {  	_ =	swait.ge @!p2 [sflag:s6], $0x4000  }
0x278: {  	s18 =	sshra.s32 s23, $0x2;
	[sflag:s6] =	ssyncset.done @!p2 $0x0  }
0x279: {  	s11 =	sadd.s32 $0x500, s18;
	[sflag:s6] =	ssyncadd.s32 @!p2 $0xFFFFC000  }
0x27a: {  	[tilespmem:s25], [sflag:$0x5] =	stream.indirect.gather [spmem:s2], $0x80, s11, s21, $0xb8;
	[tilespmem:$0x1A400] =	vst v63  }
0x27b: {  	_ =	swait.ge [sflag:s26], $0x4000  }
0x27c: {  	[sflag:s26] =	ssyncset.done $0x0  }
0x27d: {  	s6 =	simm.s32 @!p2 $0xA;
	[sflag:s26] =	ssyncadd.s32 $0xFFFFC000  }
0x27e: {  	[hbm4b:s7+s3] =	stream.linear.scatter [tilespmem:s22], [sflag:$0x7], $0x4000, $0x38;
	[tilespmem:$0x1A400] =	vst v63  }
0x27f: {  	_ =	swait.ge @!p2 [sflag:s6], $0x4000  }
0x280: {  	[sflag:s6] =	ssyncset.done @!p2 $0x0  }
0x281: {  	s10 =	sadd.s32 $0x580, s18;
	[sflag:s6] =	ssyncadd.s32 @!p2 $0xFFFFC000  }
0x282: {  	[tilespmem:s28], [sflag:$0x6] =	stream.indirect.gather [spmem:s2], $0x80, s10, s21, $0xb8;
	[tilespmem:$0x1A400] =	vst v63  }
0x283: {  	_ =	swait.ge [sflag:s29], $0x4000  }
0x284: {  	p1 =	seq.s32 s23, $0x13800;
	[sflag:s29] =	ssyncset.done $0x0  }
0x285: {  	s20 =	sadd.s32 $0x800, s7;
	s10 =	simm.s32 @p1 $0x5;
	[sflag:s29] =	ssyncadd.s32 $0xFFFFC000  }
0x286: {  	[hbm4b:s20+s3] =	stream.linear.scatter [tilespmem:s24], [sflag:$0x8], $0x4000, $0x38;
	[tilespmem:$0x1A400] =	vst v63  }
0x287: {  	_ =	swait.ge @p1 [sflag:s10], $0x4000  }
0x288: {  	s12 =	simm.s32 @!p1 $0x7;
	s11 =	simm.s32 @p1 $0x12400;
	[sflag:s10] =	ssyncset.done @p1 $0x0  }
0x289: {  	s6 =	rddreg [dreg:$0x8];
	[sflag:s10] =	ssyncadd.s32 @p1 $0xFFFFC000;
	s10 =	simm.s32 @p1 $0x0  }
0x28a: {  	[hbm4b:s6+s10] =	stream.linear.scatter @p1 [tilespmem:s11], [sflag:$0x9], $0x4000, $0x38;
	[tilespmem:$0x1A400] =	vst v63  }
0x28b: {  	s13 =	simm.s32 @!p1 $0xA400;
	_ =	swait.ge @!p1 [sflag:s12], $0x4000  }
0x28c: {  	s6 =	sshra.s32 @!p1 s23, $0x2;
	s11 =	simm.s32 @!p1 $0x80;
	[sflag:s12] =	ssyncset.done @!p1 $0x0  }
0x28d: {  	s10 =	sadd.s32 @!p1 $0x600, s6;
	[sflag:s12] =	ssyncadd.s32 @!p1 $0xFFFFC000;
	s12 =	simm.s32 @!p1 $0x5  }
0x28e: {  	[tilespmem:s13], [sflag:$0x3] =	stream.indirect.gather @!p1 [spmem:s2], $0x80, s10, s11, $0xb8;
	[tilespmem:$0x1A400] =	vst v63  }
0x28f: {  	_ =	swait.ge @!p1 [sflag:s12], $0x4000  }
0x290: {  	s7 =	sadd.s32 @!p1 $0x1000, s7;
	s10 =	simm.s32 @!p1 $0x12400;
	[sflag:s12] =	ssyncset.done @!p1 $0x0  }
0x291: {  	s13 =	simm.s32 @!p1 $0x0;
	[sflag:s12] =	ssyncadd.s32 @!p1 $0xFFFFC000;
	s12 =	simm.s32 @!p1 $0x8  }
0x292: {  	[hbm4b:s7+s13] =	stream.linear.scatter @!p1 [tilespmem:s10], [sflag:$0x9], $0x4000, $0x38;
	[tilespmem:$0x1A400] =	vst v63  }
0x293: {  	_ =	swait.ge @!p1 [sflag:s12], $0x4000  }
0x294: {  	[sflag:s12] =	ssyncset.done @!p1 $0x0  }
0x295: {  	s6 =	sadd.s32 @!p1 $0x680, s6;
	s7 =	simm.s32 @!p1 $0xE400;
	[sflag:s12] =	ssyncadd.s32 @!p1 $0xFFFFC000  }
0x296: {  	[tilespmem:s7], [sflag:$0x4] =	stream.indirect.gather @!p1 [spmem:s2], $0x80, s6, s11, $0xb8;
	[tilespmem:$0x1A400] =	vst v63  }
0x297: {  	_ =	swait.ge [sflag:s31], $0x4000  }
0x298: {  	[sflag:s31] =	ssyncset.done $0x0  }
0x299: {  	[sflag:s31] =	ssyncadd.s32 $0xFFFFC000  }
0x29a: {  	[hbm4b:s9+s3] =	stream.linear.scatter [tilespmem:s28], [sflag:$0xA], $0x4000, $0x38;
	[tilespmem:$0x1A400] =	vst v63  }
0x29b: {  	_ =	swait.ge [sflag:s1], $0x4000  }
0x29c: {  	[sflag:s1] =	ssyncset.done $0x0  }
0x29d: {  	[sflag:s1] =	ssyncadd.s32 $0xFFFFC000  }
0x29e: {  	_ =	swait.ge [sflag:s0], $0x4000  }
0x29f: {  	[sflag:s0] =	ssyncset.done $0x0  }
0x2a0: {  	[sflag:s0] =	ssyncadd.s32 $0xFFFFC000  }
0x2a1: {  	_ =	swait.ge [sflag:s4], $0x4000  }
0x2a2: {  	[sflag:s4] =	ssyncset.done $0x0  }
0x2a3: {  	[sflag:s4] =	ssyncadd.s32 $0xFFFFC000  }
0x2a4: {  	_ =	swait.ge [sflag:s5], $0x4000  }
0x2a5: {  	s8 =	sadd.s32 $0x1, s8;
	s23 =	rddreg [dreg:$0xe]  }
0x2a6: {  	p1 =	sne.s32 s8, s23  }
.Ltmp5:
0x2a7: {  	_ = 	snop;
	(pc) =	sbr.rel @p1 .LBB2_1-.Ltmp5, $3  }
0x2a8: {  	_ =	sdelay $0x1  }
0x2a9: {  	[sflag:s5] =	ssyncset.done $0x0  }
0x2aa: {  	[sflag:s5] =	ssyncadd.s32 $0xFFFFC000  }
0x2ab: {  	_ =	sfence.sel $0x180000  }
0x2ac: {  	[bflag:$0x0] =	sbarrier.arrive $0xFFFF  }
0x2ad: {  	_ =	strace $0x90000047  }
0x2ae: {  	[bflag:$0x2] =	sbarrier.arrive $0xFFFF  }
0x2af: {  	s0 =	rddreg [dreg:$0x4]  }
0x2b0: {  	s0 =	sadd.s32 @!p0 $0x100000, s0  }
0x2b1: {  	[sflag:s0] =	ssyncadd.tile.s32 @!p0 $0x1;
	_ =	shalt  }
.Lfunc_end2:
_tile_overlayer_lowered:
.L_overlay_start_2:
0x2b2: {  	(tag) =	ssettag $0x2  }
0x2b3: {  	s0 =	rddreg [dreg:$0x0];
	s2 =	stileid.u32  }
0x2b4: {  	s1 =	rddreg [dreg:$0x1];
	p0 =	sne.s32 s2, $0x0  }
0x2b5: {  	s3 =	rddreg [dreg:$0x2];
	[bflag:$0x3] =	sbarrier.arrive $0xFFFF;
	s2 =	simm.s32 @!p0 $0x1C0B  }
0x2b6: {  	[timem:s3], [sflag:s2] =	dma.local @!p0 [hbm:s0], s1  }
0x2b7: {  	s0 =	simm.s32 @!p0 $0xB  }
0x2b8: {  	_ =	swait.ge @!p0 [sflag:s0], s1  }
0x2b9: {  	s1 =	ssub.s32 @!p0 $0x0, s1;
	[sflag:s0] =	ssyncset.done @!p0 $0x0  }
0x2ba: {  	[sflag:s0] =	ssyncadd.s32 @!p0 s1  }
0x2bb: {  	[bflag:$0x3] =	sbarrier.arrive $0xFFFF  }
0x2bc: {  	_ =	shalt  }

</sc_bundles>
